<compile_context>
chip_gen: v7x
topology: tpu7x:2x2x1
jax: 0.10.2.dev20260603
libtpu: 0.0.44.dev20260713+nightly
codegen_flags: <defaults>
</compile_context>

<pallas_src>
import functools

import jax
import jax.numpy as jnp
from jax import lax
from jax.experimental import pallas as pl
from jax.experimental.pallas import tpu as pltpu
from jax.experimental.pallas import tpu_sc as plsc


@functools.lru_cache(maxsize=None)
def _build(seq_len: int, batch: int, vocab: int, dim: int):
    info = plsc.get_sparse_core_info()
    nc, ns, lanes = info.num_cores, info.num_subcores, info.num_lanes
    nw = nc * ns
    bpw = batch // nw
    nblk = bpw // 128
    nslot = 8
    brows = 2
    nbatch = bpw // brows
    assert bpw % (nslot * brows) == 0 and dim == 2 * lanes

    mesh = plsc.VectorSubcoreMesh(core_axis_name="c", subcore_axis_name="s")

    @functools.partial(
        pl.kernel,
        mesh=mesh,
        compiler_params=pltpu.CompilerParams(
            needs_layout_passes=False, disable_bounds_checks=True),
        out_type=jax.ShapeDtypeStruct((dim, batch), jnp.float32),
        scratch_types=[
            pltpu.VMEM((bpw,), jnp.int32),
            pltpu.VMEM((seq_len, 128), jnp.int32),
            pltpu.VMEM((bpw + lanes,), jnp.int32),
            pltpu.VMEM((nslot, brows, dim, 128), jnp.float32),
            pltpu.VMEM((dim, bpw), jnp.float32),
            pltpu.SemaphoreType.DMA,
        ] + [pltpu.SemaphoreType.DMA for _ in range(nslot)],
    )
    def k(items_hbm, seq_hbm, tabt_hbm, out_hbm, sl_v, ib_v, li_v,
          ring_v, out_v, sem_i, *sems):
        def li_at(t):
            return li_v[pl.ds(t, lanes)][0]
        wid = lax.axis_index("s") * nc + lax.axis_index("c")
        base = wid * bpw
        pltpu.sync_copy(seq_hbm.at[pl.ds(base, bpw)], sl_v)
        iota = lax.iota(jnp.int32, lanes)

        def items_block(j):
            pltpu.async_copy(
                items_hbm.at[:, pl.ds(base + j * 128, 128)], ib_v, sem_i
            ).wait()
            for g in range(128 // lanes):
                o = j * 128 + g * lanes
                rows = sl_v[pl.ds(o, lanes)] - 1
                vals = plsc.load_gather(ib_v, [rows, g * lanes + iota])
                li_v[pl.ds(o, lanes)] = vals

        items_block(0)

        def fire(t, slot, k_row):
            r = li_at(t)
            rb = pl.multiple_of((r >> 7) * 128, 128)
            pltpu.async_copy(
                tabt_hbm.at[:, pl.ds(rb, 128)],
                ring_v.at[slot, k_row], sems[slot],
            )

        def extract(t, slot, k_row):
            r = li_at(t)
            c = jnp.full((lanes,), r & 127, jnp.int32)
            s_v = jnp.full((lanes,), slot, jnp.int32)
            k_v = jnp.full((lanes,), k_row, jnp.int32)
            t_v = jnp.full((lanes,), t, jnp.int32)
            for h in range(dim // lanes):
                vals = plsc.load_gather(
                    ring_v, [s_v, k_v, h * lanes + iota, c])
                plsc.store_scatter(out_v, [h * lanes + iota, t_v], vals)

        for b in range(nslot - 1):
            for k_row in range(brows):
                fire(b * brows + k_row, b, k_row)
        for j in range(1, nblk):
            items_block(j)

        def body(it, carry):
            for s in range(nslot):
                bid = it * nslot + s
                t0 = bid * brows
                for k_row in range(brows):
                    pltpu.make_async_copy(
                        tabt_hbm.at[:, pl.ds(0, 128)],
                        ring_v.at[s, k_row], sems[s],
                    ).wait()
                nb = bid + nslot - 1

                @pl.when(nb < nbatch)
                def _():
                    for k_row in range(brows):
                        fire(nb * brows + k_row, (s + nslot - 1) % nslot,
                             k_row)

                for k_row in range(brows):
                    extract(t0 + k_row, s, k_row)
            return carry

        lax.fori_loop(0, nbatch // nslot, body, 0)
        pltpu.sync_copy(out_v, out_hbm.at[:, pl.ds(base, bpw)])

    return k


def kernel(items, seq_lens, table):
    seq_len, batch = items.shape
    vocab, dim = table.shape
    seq_lens = seq_lens.astype(jnp.int32)
    k = _build(seq_len, batch, vocab, dim)
    out = k(items.astype(jnp.int32), seq_lens, table.T)
    return out.T

# --- scband reference (transcript-rebuilt; emitter-appended) ---
"""Pipeline reference for scband-last-item-state-agg-46145128628810 (READ-ONLY COPY).

The authoritative reference and input builder live on the scoring server;
editing this copy changes nothing except your own understanding.
"""

import jax, jax.numpy as jnp
import numpy as np

VOCAB = 1000000
EMBED_DIM = 32
SEQ_LEN = 200
BATCH = 16384


def setup_inputs(seed: int = 0) -> dict:
    key = jax.random.key(seed)
    k1, k2, k3 = jax.random.split(key, 3)
    # items laid out [seq_len, batch] (batch_first=False, matching the torch module)
    items = jax.random.randint(k1, (SEQ_LEN, BATCH), 0, VOCAB)
    # valid sequence lengths in [1, SEQ_LEN] so last_idx = seq_lens - 1 is in range
    seq_lens = jax.random.randint(k2, (BATCH,), 1, SEQ_LEN + 1)
    # learned embedding table (CustomEmbedding weight)
    table = jax.random.normal(k3, (VOCAB, EMBED_DIM), dtype=jnp.float32)
    return {"items": items, "seq_lens": seq_lens, "table": table}


def reference(items, seq_lens, table):
    # LastItemStateAgg.forward, multi-step branch (items.size(1) > 1):
    #   last_idx = seq_lens - 1
    #   last_item = items.t()[arange(B), last_idx]  -> [B]
    #   x = embedding(last_item)                     -> [B, D]
    #   return x.squeeze(1)                          (no-op for D > 1)
    B = items.shape[1]
    last_idx = seq_lens - 1
    last_item = items.T[jnp.arange(B), last_idx]
    x = jnp.take(table, last_item, axis=0)
    return x

if __name__ == "__main__":
    import jax
    _d = setup_inputs()
    print(jax.jit(kernel)(*tuple(_d.values())))

</pallas_src>

<mosaic_0001>
#map = affine_map<(d0, d1) -> (0, 0)>
#map1 = affine_map<(d0, d1) -> (0)>
module attributes {stable_mosaic.version = 14 : i64} {
  func.func @k(%arg0: i32, %arg1: i32, %arg2: memref<200x16384xi32, #tpu.memory_space<hbm>>, %arg3: memref<16384xi32, #tpu.memory_space<hbm>>, %arg4: memref<32x1000000xf32, #tpu.memory_space<hbm>>, %arg5: memref<32x16384xf32, #tpu.memory_space<hbm>>, %arg6: memref<512xi32, #tpu.memory_space<vmem>>, %arg7: memref<200x128xi32, #tpu.memory_space<vmem>>, %arg8: memref<528xi32, #tpu.memory_space<vmem>>, %arg9: memref<8x2x32x128xf32, #tpu.memory_space<vmem>>, %arg10: memref<32x512xf32, #tpu.memory_space<vmem>>, %arg11: memref<!tpu.dma_semaphore, #tpu.memory_space<semaphore_mem>>, %arg12: memref<!tpu.dma_semaphore, #tpu.memory_space<semaphore_mem>>, %arg13: memref<!tpu.dma_semaphore, #tpu.memory_space<semaphore_mem>>, %arg14: memref<!tpu.dma_semaphore, #tpu.memory_space<semaphore_mem>>, %arg15: memref<!tpu.dma_semaphore, #tpu.memory_space<semaphore_mem>>, %arg16: memref<!tpu.dma_semaphore, #tpu.memory_space<semaphore_mem>>, %arg17: memref<!tpu.dma_semaphore, #tpu.memory_space<semaphore_mem>>, %arg18: memref<!tpu.dma_semaphore, #tpu.memory_space<semaphore_mem>>, %arg19: memref<!tpu.dma_semaphore, #tpu.memory_space<semaphore_mem>>) attributes {dimension_semantics = [#tpu.dimension_semantics<core_parallel>, #tpu.dimension_semantics<subcore_parallel>], iteration_bounds = array<i64: 2, 16>, scalar_prefetch = 0 : i64, scratch_operands = 14 : i64, tpu.core_type = #tpu.core_type<sc_vector_subcore>, window_params = [{transform_indices = #map}, {transform_indices = #map1}, {transform_indices = #map}, {transform_indices = #map}]} {
    %mul3A = arith.constant 2 : i32
    %mul3A_0 = arith.muli %arg1, %mul3A : i32
    %add3A = arith.addi %mul3A_0, %arg0 : i32
    %mul3A_1 = arith.constant 512 : i32
    %mul3A_2 = arith.muli %add3A, %mul3A_1 : i32
    "tpu.region"() ({
      %run_scoped3A = tpu.sem_alloc : memref<!tpu.dma_semaphore, #tpu.memory_space<semaphore_mem>>
      %dma_start3A_712 = tpu.memref_slice %arg3[%mul3A_2] : memref<16384xi32, #tpu.memory_space<hbm>> -> memref<512xi32, #tpu.memory_space<hbm>>
      %dma_start3A_713 = tpu.memref_slice %arg3[%mul3A_2] : memref<16384xi32, #tpu.memory_space<hbm>> -> memref<512xi32, #tpu.memory_space<hbm>>
      tpu.enqueue_dma source(%dma_start3A_713 : memref<512xi32, #tpu.memory_space<hbm>>) target(%arg6 : memref<512xi32, #tpu.memory_space<vmem>>) target_semaphore(%run_scoped3A : memref<!tpu.dma_semaphore, #tpu.memory_space<semaphore_mem>>)
      %dma_wait3A_714 = tpu.memref_slice %arg3[%mul3A_2] : memref<16384xi32, #tpu.memory_space<hbm>> -> memref<512xi32, #tpu.memory_space<hbm>>
      %dma_wait3A_715 = tpu.memref_slice %arg3[%mul3A_2] : memref<16384xi32, #tpu.memory_space<hbm>> -> memref<512xi32, #tpu.memory_space<hbm>>
      tpu.wait_dma2 semaphore(%run_scoped3A : memref<!tpu.dma_semaphore, #tpu.memory_space<semaphore_mem>>) src(%dma_wait3A_715 : memref<512xi32, #tpu.memory_space<hbm>>) dst(%arg6 : memref<512xi32, #tpu.memory_space<vmem>>)
      tpu.yield
    }) : () -> ()
    %iota3A = tpu.iota {dimensions = array<i32: 0>} : vector<16xi32>
    %add3A_3 = arith.constant 0 : i32
    %add3A_4 = arith.addi %mul3A_2, %add3A_3 : i32
    %dma_start3A = arith.constant 0 : i32
    %dma_start3A_5 = tpu.memref_slice %arg2[%dma_start3A, %add3A_4] : memref<200x16384xi32, #tpu.memory_space<hbm>> -> memref<200x128xi32, #tpu.memory_space<hbm>>
    %dma_start3A_6 = arith.constant 0 : i32
    %dma_start3A_7 = tpu.memref_slice %arg2[%dma_start3A_6, %add3A_4] : memref<200x16384xi32, #tpu.memory_space<hbm>> -> memref<200x128xi32, #tpu.memory_space<hbm>>
    tpu.enqueue_dma source(%dma_start3A_7 : memref<200x128xi32, #tpu.memory_space<hbm>>) target(%arg7 : memref<200x128xi32, #tpu.memory_space<vmem>>) target_semaphore(%arg11 : memref<!tpu.dma_semaphore, #tpu.memory_space<semaphore_mem>>)
    %dma_wait3A = arith.constant 0 : i32
    %dma_wait3A_8 = tpu.memref_slice %arg2[%dma_wait3A, %add3A_4] : memref<200x16384xi32, #tpu.memory_space<hbm>> -> memref<200x128xi32, #tpu.memory_space<hbm>>
    %dma_wait3A_9 = arith.constant 0 : i32
    %dma_wait3A_10 = tpu.memref_slice %arg2[%dma_wait3A_9, %add3A_4] : memref<200x16384xi32, #tpu.memory_space<hbm>> -> memref<200x128xi32, #tpu.memory_space<hbm>>
    tpu.wait_dma2 semaphore(%arg11 : memref<!tpu.dma_semaphore, #tpu.memory_space<semaphore_mem>>) src(%dma_wait3A_10 : memref<200x128xi32, #tpu.memory_space<hbm>>) dst(%arg7 : memref<200x128xi32, #tpu.memory_space<vmem>>)
    %get3A = arith.constant 0 : index
    %get3A_11 = tpu.vector_load %arg6[%get3A] {strides = array<i32>} : memref<512xi32, #tpu.memory_space<vmem>>, vector<16xi32>,
    %sub3A = arith.constant 1 : i32
    %sub3A_12 = vector.broadcast %sub3A : i32 to vector<16xi32>
    %sub3A_13 = arith.subi %get3A_11, %sub3A_12 : vector<16xi32>
    %add3A_14 = arith.constant 0 : i32
    %add3A_15 = vector.broadcast %add3A_14 : i32 to vector<16xi32>
    %add3A_16 = arith.addi %add3A_15, %iota3A : vector<16xi32>
    %gather3A = tpu.vector_load_idx %arg7[%sub3A_13, %add3A_16] : memref<200x128xi32, #tpu.memory_space<vmem>>[vector<16xi32>, vector<16xi32>], vector<16xi32>,
    %swap3A = arith.constant 0 : index
    %swap3A_17 = tpu.vector_load %arg8[%swap3A] {strides = array<i32>} : memref<528xi32, #tpu.memory_space<vmem>>, vector<16xi32>,
    tpu.vector_store %arg8[%swap3A], %gather3A {strides = array<i32>} : memref<528xi32, #tpu.memory_space<vmem>>, vector<16xi32>,
    %get3A_18 = arith.constant 16 : index
    %get3A_19 = tpu.vector_load %arg6[%get3A_18] {strides = array<i32>} : memref<512xi32, #tpu.memory_space<vmem>>, vector<16xi32>,
    %sub3A_20 = arith.constant 1 : i32
    %sub3A_21 = vector.broadcast %sub3A_20 : i32 to vector<16xi32>
    %sub3A_22 = arith.subi %get3A_19, %sub3A_21 : vector<16xi32>
    %add3A_23 = arith.constant 16 : i32
    %add3A_24 = vector.broadcast %add3A_23 : i32 to vector<16xi32>
    %add3A_25 = arith.addi %add3A_24, %iota3A : vector<16xi32>
    %gather3A_26 = tpu.vector_load_idx %arg7[%sub3A_22, %add3A_25] : memref<200x128xi32, #tpu.memory_space<vmem>>[vector<16xi32>, vector<16xi32>], vector<16xi32>,
    %swap3A_27 = arith.constant 16 : index
    %swap3A_28 = tpu.vector_load %arg8[%swap3A_27] {strides = array<i32>} : memref<528xi32, #tpu.memory_space<vmem>>, vector<16xi32>,
    tpu.vector_store %arg8[%swap3A_27], %gather3A_26 {strides = array<i32>} : memref<528xi32, #tpu.memory_space<vmem>>, vector<16xi32>,
    %get3A_29 = arith.constant 32 : index
    %get3A_30 = tpu.vector_load %arg6[%get3A_29] {strides = array<i32>} : memref<512xi32, #tpu.memory_space<vmem>>, vector<16xi32>,
    %sub3A_31 = arith.constant 1 : i32
    %sub3A_32 = vector.broadcast %sub3A_31 : i32 to vector<16xi32>
    %sub3A_33 = arith.subi %get3A_30, %sub3A_32 : vector<16xi32>
    %add3A_34 = arith.constant 32 : i32
    %add3A_35 = vector.broadcast %add3A_34 : i32 to vector<16xi32>
    %add3A_36 = arith.addi %add3A_35, %iota3A : vector<16xi32>
    %gather3A_37 = tpu.vector_load_idx %arg7[%sub3A_33, %add3A_36] : memref<200x128xi32, #tpu.memory_space<vmem>>[vector<16xi32>, vector<16xi32>], vector<16xi32>,
    %swap3A_38 = arith.constant 32 : index
    %swap3A_39 = tpu.vector_load %arg8[%swap3A_38] {strides = array<i32>} : memref<528xi32, #tpu.memory_space<vmem>>, vector<16xi32>,
    tpu.vector_store %arg8[%swap3A_38], %gather3A_37 {strides = array<i32>} : memref<528xi32, #tpu.memory_space<vmem>>, vector<16xi32>,
    %get3A_40 = arith.constant 48 : index
    %get3A_41 = tpu.vector_load %arg6[%get3A_40] {strides = array<i32>} : memref<512xi32, #tpu.memory_space<vmem>>, vector<16xi32>,
    %sub3A_42 = arith.constant 1 : i32
    %sub3A_43 = vector.broadcast %sub3A_42 : i32 to vector<16xi32>
    %sub3A_44 = arith.subi %get3A_41, %sub3A_43 : vector<16xi32>
    %add3A_45 = arith.constant 48 : i32
    %add3A_46 = vector.broadcast %add3A_45 : i32 to vector<16xi32>
    %add3A_47 = arith.addi %add3A_46, %iota3A : vector<16xi32>
    %gather3A_48 = tpu.vector_load_idx %arg7[%sub3A_44, %add3A_47] : memref<200x128xi32, #tpu.memory_space<vmem>>[vector<16xi32>, vector<16xi32>], vector<16xi32>,
    %swap3A_49 = arith.constant 48 : index
    %swap3A_50 = tpu.vector_load %arg8[%swap3A_49] {strides = array<i32>} : memref<528xi32, #tpu.memory_space<vmem>>, vector<16xi32>,
    tpu.vector_store %arg8[%swap3A_49], %gather3A_48 {strides = array<i32>} : memref<528xi32, #tpu.memory_space<vmem>>, vector<16xi32>,
    %get3A_51 = arith.constant 64 : index
    %get3A_52 = tpu.vector_load %arg6[%get3A_51] {strides = array<i32>} : memref<512xi32, #tpu.memory_space<vmem>>, vector<16xi32>,
    %sub3A_53 = arith.constant 1 : i32
    %sub3A_54 = vector.broadcast %sub3A_53 : i32 to vector<16xi32>
    %sub3A_55 = arith.subi %get3A_52, %sub3A_54 : vector<16xi32>
    %add3A_56 = arith.constant 64 : i32
    %add3A_57 = vector.broadcast %add3A_56 : i32 to vector<16xi32>
    %add3A_58 = arith.addi %add3A_57, %iota3A : vector<16xi32>
    %gather3A_59 = tpu.vector_load_idx %arg7[%sub3A_55, %add3A_58] : memref<200x128xi32, #tpu.memory_space<vmem>>[vector<16xi32>, vector<16xi32>], vector<16xi32>,
    %swap3A_60 = arith.constant 64 : index
    %swap3A_61 = tpu.vector_load %arg8[%swap3A_60] {strides = array<i32>} : memref<528xi32, #tpu.memory_space<vmem>>, vector<16xi32>,
    tpu.vector_store %arg8[%swap3A_60], %gather3A_59 {strides = array<i32>} : memref<528xi32, #tpu.memory_space<vmem>>, vector<16xi32>,
    %get3A_62 = arith.constant 80 : index
    %get3A_63 = tpu.vector_load %arg6[%get3A_62] {strides = array<i32>} : memref<512xi32, #tpu.memory_space<vmem>>, vector<16xi32>,
    %sub3A_64 = arith.constant 1 : i32
    %sub3A_65 = vector.broadcast %sub3A_64 : i32 to vector<16xi32>
    %sub3A_66 = arith.subi %get3A_63, %sub3A_65 : vector<16xi32>
    %add3A_67 = arith.constant 80 : i32
    %add3A_68 = vector.broadcast %add3A_67 : i32 to vector<16xi32>
    %add3A_69 = arith.addi %add3A_68, %iota3A : vector<16xi32>
    %gather3A_70 = tpu.vector_load_idx %arg7[%sub3A_66, %add3A_69] : memref<200x128xi32, #tpu.memory_space<vmem>>[vector<16xi32>, vector<16xi32>], vector<16xi32>,
    %swap3A_71 = arith.constant 80 : index
    %swap3A_72 = tpu.vector_load %arg8[%swap3A_71] {strides = array<i32>} : memref<528xi32, #tpu.memory_space<vmem>>, vector<16xi32>,
    tpu.vector_store %arg8[%swap3A_71], %gather3A_70 {strides = array<i32>} : memref<528xi32, #tpu.memory_space<vmem>>, vector<16xi32>,
    %get3A_73 = arith.constant 96 : index
    %get3A_74 = tpu.vector_load %arg6[%get3A_73] {strides = array<i32>} : memref<512xi32, #tpu.memory_space<vmem>>, vector<16xi32>,
    %sub3A_75 = arith.constant 1 : i32
    %sub3A_76 = vector.broadcast %sub3A_75 : i32 to vector<16xi32>
    %sub3A_77 = arith.subi %get3A_74, %sub3A_76 : vector<16xi32>
    %add3A_78 = arith.constant 96 : i32
    %add3A_79 = vector.broadcast %add3A_78 : i32 to vector<16xi32>
    %add3A_80 = arith.addi %add3A_79, %iota3A : vector<16xi32>
    %gather3A_81 = tpu.vector_load_idx %arg7[%sub3A_77, %add3A_80] : memref<200x128xi32, #tpu.memory_space<vmem>>[vector<16xi32>, vector<16xi32>], vector<16xi32>,
    %swap3A_82 = arith.constant 96 : index
    %swap3A_83 = tpu.vector_load %arg8[%swap3A_82] {strides = array<i32>} : memref<528xi32, #tpu.memory_space<vmem>>, vector<16xi32>,
    tpu.vector_store %arg8[%swap3A_82], %gather3A_81 {strides = array<i32>} : memref<528xi32, #tpu.memory_space<vmem>>, vector<16xi32>,
    %get3A_84 = arith.constant 112 : index
    %get3A_85 = tpu.vector_load %arg6[%get3A_84] {strides = array<i32>} : memref<512xi32, #tpu.memory_space<vmem>>, vector<16xi32>,
    %sub3A_86 = arith.constant 1 : i32
    %sub3A_87 = vector.broadcast %sub3A_86 : i32 to vector<16xi32>
    %sub3A_88 = arith.subi %get3A_85, %sub3A_87 : vector<16xi32>
    %add3A_89 = arith.constant 112 : i32
    %add3A_90 = vector.broadcast %add3A_89 : i32 to vector<16xi32>
    %add3A_91 = arith.addi %add3A_90, %iota3A : vector<16xi32>
    %gather3A_92 = tpu.vector_load_idx %arg7[%sub3A_88, %add3A_91] : memref<200x128xi32, #tpu.memory_space<vmem>>[vector<16xi32>, vector<16xi32>], vector<16xi32>,
    %swap3A_93 = arith.constant 112 : index
    %swap3A_94 = tpu.vector_load %arg8[%swap3A_93] {strides = array<i32>} : memref<528xi32, #tpu.memory_space<vmem>>, vector<16xi32>,
    tpu.vector_store %arg8[%swap3A_93], %gather3A_92 {strides = array<i32>} : memref<528xi32, #tpu.memory_space<vmem>>, vector<16xi32>,
    %get3A_95 = arith.constant 0 : index
    %get3A_96 = tpu.vector_load %arg8[%get3A_95] {strides = array<i32>} : memref<528xi32, #tpu.memory_space<vmem>>, vector<16xi32>,
    %slice3A = vector.extract_strided_slice %get3A_96 {offsets = [0], sizes = [1], strides = [1]} : vector<16xi32> to vector<1xi32>
    %squeeze3A = vector.extract %slice3A[0] : i32 from vector<1xi32>
    %shift_right_arithmetic3A = arith.constant 7 : i32
    %shift_right_arithmetic3A_97 = arith.shrsi %squeeze3A, %shift_right_arithmetic3A : i32
    %mul3A_98 = arith.constant 128 : i32
    %mul3A_99 = arith.muli %shift_right_arithmetic3A_97, %mul3A_98 : i32
    %multiple_of3A = tpu.assume_multiple %mul3A_99, 128 : i32
    %dma_start3A_100 = arith.constant 0 : i32
    %dma_start3A_101 = arith.constant 0 : i32
    %dma_start3A_102 = arith.constant 0 : i32
    %dma_start3A_103 = arith.constant 0 : i32
    %dma_start3A_104 = tpu.memref_slice %arg9[%dma_start3A_100, %dma_start3A_101, %dma_start3A_102, %dma_start3A_103] : memref<8x2x32x128xf32, #tpu.memory_space<vmem>> -> memref<1x1x32x128xf32, #tpu.memory_space<vmem>>
    %dma_start3A_105 = tpu.memref_squeeze %dma_start3A_104 : memref<1x1x32x128xf32, #tpu.memory_space<vmem>> -> memref<32x128xf32, #tpu.memory_space<vmem>>
    %dma_start3A_106 = arith.constant 0 : i32
    %dma_start3A_107 = tpu.memref_slice %arg4[%dma_start3A_106, %multiple_of3A] : memref<32x1000000xf32, #tpu.memory_space<hbm>> -> memref<32x128xf32, #tpu.memory_space<hbm>>
    %dma_start3A_108 = arith.constant 0 : i32
    %dma_start3A_109 = arith.constant 0 : i32
    %dma_start3A_110 = tpu.memref_slice %arg9[%dma_start3A_100, %dma_start3A_101, %dma_start3A_108, %dma_start3A_109] : memref<8x2x32x128xf32, #tpu.memory_space<vmem>> -> memref<1x1x32x128xf32, #tpu.memory_space<vmem>>
    %dma_start3A_111 = tpu.memref_squeeze %dma_start3A_110 : memref<1x1x32x128xf32, #tpu.memory_space<vmem>> -> memref<32x128xf32, #tpu.memory_space<vmem>>
    %dma_start3A_112 = arith.constant 0 : i32
    %dma_start3A_113 = tpu.memref_slice %arg4[%dma_start3A_112, %multiple_of3A] : memref<32x1000000xf32, #tpu.memory_space<hbm>> -> memref<32x128xf32, #tpu.memory_space<hbm>>
    tpu.enqueue_dma source(%dma_start3A_113 : memref<32x128xf32, #tpu.memory_space<hbm>>) target(%dma_start3A_111 : memref<32x128xf32, #tpu.memory_space<vmem>>) target_semaphore(%arg12 : memref<!tpu.dma_semaphore, #tpu.memory_space<semaphore_mem>>)
    %get3A_114 = arith.constant 1 : index
    %get3A_115 = tpu.vector_load %arg8[%get3A_114] {strides = array<i32>} : memref<528xi32, #tpu.memory_space<vmem>>, vector<16xi32>,
    %slice3A_116 = vector.extract_strided_slice %get3A_115 {offsets = [0], sizes = [1], strides = [1]} : vector<16xi32> to vector<1xi32>
    %squeeze3A_117 = vector.extract %slice3A_116[0] : i32 from vector<1xi32>
    %shift_right_arithmetic3A_118 = arith.constant 7 : i32
    %shift_right_arithmetic3A_119 = arith.shrsi %squeeze3A_117, %shift_right_arithmetic3A_118 : i32
    %mul3A_120 = arith.constant 128 : i32
    %mul3A_121 = arith.muli %shift_right_arithmetic3A_119, %mul3A_120 : i32
    %multiple_of3A_122 = tpu.assume_multiple %mul3A_121, 128 : i32
    %dma_start3A_123 = arith.constant 0 : i32
    %dma_start3A_124 = arith.constant 1 : i32
    %dma_start3A_125 = arith.constant 0 : i32
    %dma_start3A_126 = arith.constant 0 : i32
    %dma_start3A_127 = tpu.memref_slice %arg9[%dma_start3A_123, %dma_start3A_124, %dma_start3A_125, %dma_start3A_126] : memref<8x2x32x128xf32, #tpu.memory_space<vmem>> -> memref<1x1x32x128xf32, #tpu.memory_space<vmem>>
    %dma_start3A_128 = tpu.memref_squeeze %dma_start3A_127 : memref<1x1x32x128xf32, #tpu.memory_space<vmem>> -> memref<32x128xf32, #tpu.memory_space<vmem>>
    %dma_start3A_129 = arith.constant 0 : i32
    %dma_start3A_130 = tpu.memref_slice %arg4[%dma_start3A_129, %multiple_of3A_122] : memref<32x1000000xf32, #tpu.memory_space<hbm>> -> memref<32x128xf32, #tpu.memory_space<hbm>>
    %dma_start3A_131 = arith.constant 0 : i32
    %dma_start3A_132 = arith.constant 0 : i32
    %dma_start3A_133 = tpu.memref_slice %arg9[%dma_start3A_123, %dma_start3A_124, %dma_start3A_131, %dma_start3A_132] : memref<8x2x32x128xf32, #tpu.memory_space<vmem>> -> memref<1x1x32x128xf32, #tpu.memory_space<vmem>>
    %dma_start3A_134 = tpu.memref_squeeze %dma_start3A_133 : memref<1x1x32x128xf32, #tpu.memory_space<vmem>> -> memref<32x128xf32, #tpu.memory_space<vmem>>
    %dma_start3A_135 = arith.constant 0 : i32
    %dma_start3A_136 = tpu.memref_slice %arg4[%dma_start3A_135, %multiple_of3A_122] : memref<32x1000000xf32, #tpu.memory_space<hbm>> -> memref<32x128xf32, #tpu.memory_space<hbm>>
    tpu.enqueue_dma source(%dma_start3A_136 : memref<32x128xf32, #tpu.memory_space<hbm>>) target(%dma_start3A_134 : memref<32x128xf32, #tpu.memory_space<vmem>>) target_semaphore(%arg12 : memref<!tpu.dma_semaphore, #tpu.memory_space<semaphore_mem>>)
    %get3A_137 = arith.constant 2 : index
    %get3A_138 = tpu.vector_load %arg8[%get3A_137] {strides = array<i32>} : memref<528xi32, #tpu.memory_space<vmem>>, vector<16xi32>,
    %slice3A_139 = vector.extract_strided_slice %get3A_138 {offsets = [0], sizes = [1], strides = [1]} : vector<16xi32> to vector<1xi32>
    %squeeze3A_140 = vector.extract %slice3A_139[0] : i32 from vector<1xi32>
    %shift_right_arithmetic3A_141 = arith.constant 7 : i32
    %shift_right_arithmetic3A_142 = arith.shrsi %squeeze3A_140, %shift_right_arithmetic3A_141 : i32
    %mul3A_143 = arith.constant 128 : i32
    %mul3A_144 = arith.muli %shift_right_arithmetic3A_142, %mul3A_143 : i32
    %multiple_of3A_145 = tpu.assume_multiple %mul3A_144, 128 : i32
    %dma_start3A_146 = arith.constant 1 : i32
    %dma_start3A_147 = arith.constant 0 : i32
    %dma_start3A_148 = arith.constant 0 : i32
    %dma_start3A_149 = arith.constant 0 : i32
    %dma_start3A_150 = tpu.memref_slice %arg9[%dma_start3A_146, %dma_start3A_147, %dma_start3A_148, %dma_start3A_149] : memref<8x2x32x128xf32, #tpu.memory_space<vmem>> -> memref<1x1x32x128xf32, #tpu.memory_space<vmem>>
    %dma_start3A_151 = tpu.memref_squeeze %dma_start3A_150 : memref<1x1x32x128xf32, #tpu.memory_space<vmem>> -> memref<32x128xf32, #tpu.memory_space<vmem>>
    %dma_start3A_152 = arith.constant 0 : i32
    %dma_start3A_153 = tpu.memref_slice %arg4[%dma_start3A_152, %multiple_of3A_145] : memref<32x1000000xf32, #tpu.memory_space<hbm>> -> memref<32x128xf32, #tpu.memory_space<hbm>>
    %dma_start3A_154 = arith.constant 0 : i32
    %dma_start3A_155 = arith.constant 0 : i32
    %dma_start3A_156 = tpu.memref_slice %arg9[%dma_start3A_146, %dma_start3A_147, %dma_start3A_154, %dma_start3A_155] : memref<8x2x32x128xf32, #tpu.memory_space<vmem>> -> memref<1x1x32x128xf32, #tpu.memory_space<vmem>>
    %dma_start3A_157 = tpu.memref_squeeze %dma_start3A_156 : memref<1x1x32x128xf32, #tpu.memory_space<vmem>> -> memref<32x128xf32, #tpu.memory_space<vmem>>
    %dma_start3A_158 = arith.constant 0 : i32
    %dma_start3A_159 = tpu.memref_slice %arg4[%dma_start3A_158, %multiple_of3A_145] : memref<32x1000000xf32, #tpu.memory_space<hbm>> -> memref<32x128xf32, #tpu.memory_space<hbm>>
    tpu.enqueue_dma source(%dma_start3A_159 : memref<32x128xf32, #tpu.memory_space<hbm>>) target(%dma_start3A_157 : memref<32x128xf32, #tpu.memory_space<vmem>>) target_semaphore(%arg13 : memref<!tpu.dma_semaphore, #tpu.memory_space<semaphore_mem>>)
    %get3A_160 = arith.constant 3 : index
    %get3A_161 = tpu.vector_load %arg8[%get3A_160] {strides = array<i32>} : memref<528xi32, #tpu.memory_space<vmem>>, vector<16xi32>,
    %slice3A_162 = vector.extract_strided_slice %get3A_161 {offsets = [0], sizes = [1], strides = [1]} : vector<16xi32> to vector<1xi32>
    %squeeze3A_163 = vector.extract %slice3A_162[0] : i32 from vector<1xi32>
    %shift_right_arithmetic3A_164 = arith.constant 7 : i32
    %shift_right_arithmetic3A_165 = arith.shrsi %squeeze3A_163, %shift_right_arithmetic3A_164 : i32
    %mul3A_166 = arith.constant 128 : i32
    %mul3A_167 = arith.muli %shift_right_arithmetic3A_165, %mul3A_166 : i32
    %multiple_of3A_168 = tpu.assume_multiple %mul3A_167, 128 : i32
    %dma_start3A_169 = arith.constant 1 : i32
    %dma_start3A_170 = arith.constant 1 : i32
    %dma_start3A_171 = arith.constant 0 : i32
    %dma_start3A_172 = arith.constant 0 : i32
    %dma_start3A_173 = tpu.memref_slice %arg9[%dma_start3A_169, %dma_start3A_170, %dma_start3A_171, %dma_start3A_172] : memref<8x2x32x128xf32, #tpu.memory_space<vmem>> -> memref<1x1x32x128xf32, #tpu.memory_space<vmem>>
    %dma_start3A_174 = tpu.memref_squeeze %dma_start3A_173 : memref<1x1x32x128xf32, #tpu.memory_space<vmem>> -> memref<32x128xf32, #tpu.memory_space<vmem>>
    %dma_start3A_175 = arith.constant 0 : i32
    %dma_start3A_176 = tpu.memref_slice %arg4[%dma_start3A_175, %multiple_of3A_168] : memref<32x1000000xf32, #tpu.memory_space<hbm>> -> memref<32x128xf32, #tpu.memory_space<hbm>>
    %dma_start3A_177 = arith.constant 0 : i32
    %dma_start3A_178 = arith.constant 0 : i32
    %dma_start3A_179 = tpu.memref_slice %arg9[%dma_start3A_169, %dma_start3A_170, %dma_start3A_177, %dma_start3A_178] : memref<8x2x32x128xf32, #tpu.memory_space<vmem>> -> memref<1x1x32x128xf32, #tpu.memory_space<vmem>>
    %dma_start3A_180 = tpu.memref_squeeze %dma_start3A_179 : memref<1x1x32x128xf32, #tpu.memory_space<vmem>> -> memref<32x128xf32, #tpu.memory_space<vmem>>
    %dma_start3A_181 = arith.constant 0 : i32
    %dma_start3A_182 = tpu.memref_slice %arg4[%dma_start3A_181, %multiple_of3A_168] : memref<32x1000000xf32, #tpu.memory_space<hbm>> -> memref<32x128xf32, #tpu.memory_space<hbm>>
    tpu.enqueue_dma source(%dma_start3A_182 : memref<32x128xf32, #tpu.memory_space<hbm>>) target(%dma_start3A_180 : memref<32x128xf32, #tpu.memory_space<vmem>>) target_semaphore(%arg13 : memref<!tpu.dma_semaphore, #tpu.memory_space<semaphore_mem>>)
    %get3A_183 = arith.constant 4 : index
    %get3A_184 = tpu.vector_load %arg8[%get3A_183] {strides = array<i32>} : memref<528xi32, #tpu.memory_space<vmem>>, vector<16xi32>,
    %slice3A_185 = vector.extract_strided_slice %get3A_184 {offsets = [0], sizes = [1], strides = [1]} : vector<16xi32> to vector<1xi32>
    %squeeze3A_186 = vector.extract %slice3A_185[0] : i32 from vector<1xi32>
    %shift_right_arithmetic3A_187 = arith.constant 7 : i32
    %shift_right_arithmetic3A_188 = arith.shrsi %squeeze3A_186, %shift_right_arithmetic3A_187 : i32
    %mul3A_189 = arith.constant 128 : i32
    %mul3A_190 = arith.muli %shift_right_arithmetic3A_188, %mul3A_189 : i32
    %multiple_of3A_191 = tpu.assume_multiple %mul3A_190, 128 : i32
    %dma_start3A_192 = arith.constant 2 : i32
    %dma_start3A_193 = arith.constant 0 : i32
    %dma_start3A_194 = arith.constant 0 : i32
    %dma_start3A_195 = arith.constant 0 : i32
    %dma_start3A_196 = tpu.memref_slice %arg9[%dma_start3A_192, %dma_start3A_193, %dma_start3A_194, %dma_start3A_195] : memref<8x2x32x128xf32, #tpu.memory_space<vmem>> -> memref<1x1x32x128xf32, #tpu.memory_space<vmem>>
    %dma_start3A_197 = tpu.memref_squeeze %dma_start3A_196 : memref<1x1x32x128xf32, #tpu.memory_space<vmem>> -> memref<32x128xf32, #tpu.memory_space<vmem>>
    %dma_start3A_198 = arith.constant 0 : i32
    %dma_start3A_199 = tpu.memref_slice %arg4[%dma_start3A_198, %multiple_of3A_191] : memref<32x1000000xf32, #tpu.memory_space<hbm>> -> memref<32x128xf32, #tpu.memory_space<hbm>>
    %dma_start3A_200 = arith.constant 0 : i32
    %dma_start3A_201 = arith.constant 0 : i32
    %dma_start3A_202 = tpu.memref_slice %arg9[%dma_start3A_192, %dma_start3A_193, %dma_start3A_200, %dma_start3A_201] : memref<8x2x32x128xf32, #tpu.memory_space<vmem>> -> memref<1x1x32x128xf32, #tpu.memory_space<vmem>>
    %dma_start3A_203 = tpu.memref_squeeze %dma_start3A_202 : memref<1x1x32x128xf32, #tpu.memory_space<vmem>> -> memref<32x128xf32, #tpu.memory_space<vmem>>
    %dma_start3A_204 = arith.constant 0 : i32
    %dma_start3A_205 = tpu.memref_slice %arg4[%dma_start3A_204, %multiple_of3A_191] : memref<32x1000000xf32, #tpu.memory_space<hbm>> -> memref<32x128xf32, #tpu.memory_space<hbm>>
    tpu.enqueue_dma source(%dma_start3A_205 : memref<32x128xf32, #tpu.memory_space<hbm>>) target(%dma_start3A_203 : memref<32x128xf32, #tpu.memory_space<vmem>>) target_semaphore(%arg14 : memref<!tpu.dma_semaphore, #tpu.memory_space<semaphore_mem>>)
    %get3A_206 = arith.constant 5 : index
    %get3A_207 = tpu.vector_load %arg8[%get3A_206] {strides = array<i32>} : memref<528xi32, #tpu.memory_space<vmem>>, vector<16xi32>,
    %slice3A_208 = vector.extract_strided_slice %get3A_207 {offsets = [0], sizes = [1], strides = [1]} : vector<16xi32> to vector<1xi32>
    %squeeze3A_209 = vector.extract %slice3A_208[0] : i32 from vector<1xi32>
    %shift_right_arithmetic3A_210 = arith.constant 7 : i32
    %shift_right_arithmetic3A_211 = arith.shrsi %squeeze3A_209, %shift_right_arithmetic3A_210 : i32
    %mul3A_212 = arith.constant 128 : i32
    %mul3A_213 = arith.muli %shift_right_arithmetic3A_211, %mul3A_212 : i32
    %multiple_of3A_214 = tpu.assume_multiple %mul3A_213, 128 : i32
    %dma_start3A_215 = arith.constant 2 : i32
    %dma_start3A_216 = arith.constant 1 : i32
    %dma_start3A_217 = arith.constant 0 : i32
    %dma_start3A_218 = arith.constant 0 : i32
    %dma_start3A_219 = tpu.memref_slice %arg9[%dma_start3A_215, %dma_start3A_216, %dma_start3A_217, %dma_start3A_218] : memref<8x2x32x128xf32, #tpu.memory_space<vmem>> -> memref<1x1x32x128xf32, #tpu.memory_space<vmem>>
    %dma_start3A_220 = tpu.memref_squeeze %dma_start3A_219 : memref<1x1x32x128xf32, #tpu.memory_space<vmem>> -> memref<32x128xf32, #tpu.memory_space<vmem>>
    %dma_start3A_221 = arith.constant 0 : i32
    %dma_start3A_222 = tpu.memref_slice %arg4[%dma_start3A_221, %multiple_of3A_214] : memref<32x1000000xf32, #tpu.memory_space<hbm>> -> memref<32x128xf32, #tpu.memory_space<hbm>>
    %dma_start3A_223 = arith.constant 0 : i32
    %dma_start3A_224 = arith.constant 0 : i32
    %dma_start3A_225 = tpu.memref_slice %arg9[%dma_start3A_215, %dma_start3A_216, %dma_start3A_223, %dma_start3A_224] : memref<8x2x32x128xf32, #tpu.memory_space<vmem>> -> memref<1x1x32x128xf32, #tpu.memory_space<vmem>>
    %dma_start3A_226 = tpu.memref_squeeze %dma_start3A_225 : memref<1x1x32x128xf32, #tpu.memory_space<vmem>> -> memref<32x128xf32, #tpu.memory_space<vmem>>
    %dma_start3A_227 = arith.constant 0 : i32
    %dma_start3A_228 = tpu.memref_slice %arg4[%dma_start3A_227, %multiple_of3A_214] : memref<32x1000000xf32, #tpu.memory_space<hbm>> -> memref<32x128xf32, #tpu.memory_space<hbm>>
    tpu.enqueue_dma source(%dma_start3A_228 : memref<32x128xf32, #tpu.memory_space<hbm>>) target(%dma_start3A_226 : memref<32x128xf32, #tpu.memory_space<vmem>>) target_semaphore(%arg14 : memref<!tpu.dma_semaphore, #tpu.memory_space<semaphore_mem>>)
    %get3A_229 = arith.constant 6 : index
    %get3A_230 = tpu.vector_load %arg8[%get3A_229] {strides = array<i32>} : memref<528xi32, #tpu.memory_space<vmem>>, vector<16xi32>,
    %slice3A_231 = vector.extract_strided_slice %get3A_230 {offsets = [0], sizes = [1], strides = [1]} : vector<16xi32> to vector<1xi32>
    %squeeze3A_232 = vector.extract %slice3A_231[0] : i32 from vector<1xi32>
    %shift_right_arithmetic3A_233 = arith.constant 7 : i32
    %shift_right_arithmetic3A_234 = arith.shrsi %squeeze3A_232, %shift_right_arithmetic3A_233 : i32
    %mul3A_235 = arith.constant 128 : i32
    %mul3A_236 = arith.muli %shift_right_arithmetic3A_234, %mul3A_235 : i32
    %multiple_of3A_237 = tpu.assume_multiple %mul3A_236, 128 : i32
    %dma_start3A_238 = arith.constant 3 : i32
    %dma_start3A_239 = arith.constant 0 : i32
    %dma_start3A_240 = arith.constant 0 : i32
    %dma_start3A_241 = arith.constant 0 : i32
    %dma_start3A_242 = tpu.memref_slice %arg9[%dma_start3A_238, %dma_start3A_239, %dma_start3A_240, %dma_start3A_241] : memref<8x2x32x128xf32, #tpu.memory_space<vmem>> -> memref<1x1x32x128xf32, #tpu.memory_space<vmem>>
    %dma_start3A_243 = tpu.memref_squeeze %dma_start3A_242 : memref<1x1x32x128xf32, #tpu.memory_space<vmem>> -> memref<32x128xf32, #tpu.memory_space<vmem>>
    %dma_start3A_244 = arith.constant 0 : i32
    %dma_start3A_245 = tpu.memref_slice %arg4[%dma_start3A_244, %multiple_of3A_237] : memref<32x1000000xf32, #tpu.memory_space<hbm>> -> memref<32x128xf32, #tpu.memory_space<hbm>>
    %dma_start3A_246 = arith.constant 0 : i32
    %dma_start3A_247 = arith.constant 0 : i32
    %dma_start3A_248 = tpu.memref_slice %arg9[%dma_start3A_238, %dma_start3A_239, %dma_start3A_246, %dma_start3A_247] : memref<8x2x32x128xf32, #tpu.memory_space<vmem>> -> memref<1x1x32x128xf32, #tpu.memory_space<vmem>>
    %dma_start3A_249 = tpu.memref_squeeze %dma_start3A_248 : memref<1x1x32x128xf32, #tpu.memory_space<vmem>> -> memref<32x128xf32, #tpu.memory_space<vmem>>
    %dma_start3A_250 = arith.constant 0 : i32
    %dma_start3A_251 = tpu.memref_slice %arg4[%dma_start3A_250, %multiple_of3A_237] : memref<32x1000000xf32, #tpu.memory_space<hbm>> -> memref<32x128xf32, #tpu.memory_space<hbm>>
    tpu.enqueue_dma source(%dma_start3A_251 : memref<32x128xf32, #tpu.memory_space<hbm>>) target(%dma_start3A_249 : memref<32x128xf32, #tpu.memory_space<vmem>>) target_semaphore(%arg15 : memref<!tpu.dma_semaphore, #tpu.memory_space<semaphore_mem>>)
    %get3A_252 = arith.constant 7 : index
    %get3A_253 = tpu.vector_load %arg8[%get3A_252] {strides = array<i32>} : memref<528xi32, #tpu.memory_space<vmem>>, vector<16xi32>,
    %slice3A_254 = vector.extract_strided_slice %get3A_253 {offsets = [0], sizes = [1], strides = [1]} : vector<16xi32> to vector<1xi32>
    %squeeze3A_255 = vector.extract %slice3A_254[0] : i32 from vector<1xi32>
    %shift_right_arithmetic3A_256 = arith.constant 7 : i32
    %shift_right_arithmetic3A_257 = arith.shrsi %squeeze3A_255, %shift_right_arithmetic3A_256 : i32
    %mul3A_258 = arith.constant 128 : i32
    %mul3A_259 = arith.muli %shift_right_arithmetic3A_257, %mul3A_258 : i32
    %multiple_of3A_260 = tpu.assume_multiple %mul3A_259, 128 : i32
    %dma_start3A_261 = arith.constant 3 : i32
    %dma_start3A_262 = arith.constant 1 : i32
    %dma_start3A_263 = arith.constant 0 : i32
    %dma_start3A_264 = arith.constant 0 : i32
    %dma_start3A_265 = tpu.memref_slice %arg9[%dma_start3A_261, %dma_start3A_262, %dma_start3A_263, %dma_start3A_264] : memref<8x2x32x128xf32, #tpu.memory_space<vmem>> -> memref<1x1x32x128xf32, #tpu.memory_space<vmem>>
    %dma_start3A_266 = tpu.memref_squeeze %dma_start3A_265 : memref<1x1x32x128xf32, #tpu.memory_space<vmem>> -> memref<32x128xf32, #tpu.memory_space<vmem>>
    %dma_start3A_267 = arith.constant 0 : i32
    %dma_start3A_268 = tpu.memref_slice %arg4[%dma_start3A_267, %multiple_of3A_260] : memref<32x1000000xf32, #tpu.memory_space<hbm>> -> memref<32x128xf32, #tpu.memory_space<hbm>>
    %dma_start3A_269 = arith.constant 0 : i32
    %dma_start3A_270 = arith.constant 0 : i32
    %dma_start3A_271 = tpu.memref_slice %arg9[%dma_start3A_261, %dma_start3A_262, %dma_start3A_269, %dma_start3A_270] : memref<8x2x32x128xf32, #tpu.memory_space<vmem>> -> memref<1x1x32x128xf32, #tpu.memory_space<vmem>>
    %dma_start3A_272 = tpu.memref_squeeze %dma_start3A_271 : memref<1x1x32x128xf32, #tpu.memory_space<vmem>> -> memref<32x128xf32, #tpu.memory_space<vmem>>
    %dma_start3A_273 = arith.constant 0 : i32
    %dma_start3A_274 = tpu.memref_slice %arg4[%dma_start3A_273, %multiple_of3A_260] : memref<32x1000000xf32, #tpu.memory_space<hbm>> -> memref<32x128xf32, #tpu.memory_space<hbm>>
    tpu.enqueue_dma source(%dma_start3A_274 : memref<32x128xf32, #tpu.memory_space<hbm>>) target(%dma_start3A_272 : memref<32x128xf32, #tpu.memory_space<vmem>>) target_semaphore(%arg15 : memref<!tpu.dma_semaphore, #tpu.memory_space<semaphore_mem>>)
    %get3A_275 = arith.constant 8 : index
    %get3A_276 = tpu.vector_load %arg8[%get3A_275] {strides = array<i32>} : memref<528xi32, #tpu.memory_space<vmem>>, vector<16xi32>,
    %slice3A_277 = vector.extract_strided_slice %get3A_276 {offsets = [0], sizes = [1], strides = [1]} : vector<16xi32> to vector<1xi32>
    %squeeze3A_278 = vector.extract %slice3A_277[0] : i32 from vector<1xi32>
    %shift_right_arithmetic3A_279 = arith.constant 7 : i32
    %shift_right_arithmetic3A_280 = arith.shrsi %squeeze3A_278, %shift_right_arithmetic3A_279 : i32
    %mul3A_281 = arith.constant 128 : i32
    %mul3A_282 = arith.muli %shift_right_arithmetic3A_280, %mul3A_281 : i32
    %multiple_of3A_283 = tpu.assume_multiple %mul3A_282, 128 : i32
    %dma_start3A_284 = arith.constant 4 : i32
    %dma_start3A_285 = arith.constant 0 : i32
    %dma_start3A_286 = arith.constant 0 : i32
    %dma_start3A_287 = arith.constant 0 : i32
    %dma_start3A_288 = tpu.memref_slice %arg9[%dma_start3A_284, %dma_start3A_285, %dma_start3A_286, %dma_start3A_287] : memref<8x2x32x128xf32, #tpu.memory_space<vmem>> -> memref<1x1x32x128xf32, #tpu.memory_space<vmem>>
    %dma_start3A_289 = tpu.memref_squeeze %dma_start3A_288 : memref<1x1x32x128xf32, #tpu.memory_space<vmem>> -> memref<32x128xf32, #tpu.memory_space<vmem>>
    %dma_start3A_290 = arith.constant 0 : i32
    %dma_start3A_291 = tpu.memref_slice %arg4[%dma_start3A_290, %multiple_of3A_283] : memref<32x1000000xf32, #tpu.memory_space<hbm>> -> memref<32x128xf32, #tpu.memory_space<hbm>>
    %dma_start3A_292 = arith.constant 0 : i32
    %dma_start3A_293 = arith.constant 0 : i32
    %dma_start3A_294 = tpu.memref_slice %arg9[%dma_start3A_284, %dma_start3A_285, %dma_start3A_292, %dma_start3A_293] : memref<8x2x32x128xf32, #tpu.memory_space<vmem>> -> memref<1x1x32x128xf32, #tpu.memory_space<vmem>>
    %dma_start3A_295 = tpu.memref_squeeze %dma_start3A_294 : memref<1x1x32x128xf32, #tpu.memory_space<vmem>> -> memref<32x128xf32, #tpu.memory_space<vmem>>
    %dma_start3A_296 = arith.constant 0 : i32
    %dma_start3A_297 = tpu.memref_slice %arg4[%dma_start3A_296, %multiple_of3A_283] : memref<32x1000000xf32, #tpu.memory_space<hbm>> -> memref<32x128xf32, #tpu.memory_space<hbm>>
    tpu.enqueue_dma source(%dma_start3A_297 : memref<32x128xf32, #tpu.memory_space<hbm>>) target(%dma_start3A_295 : memref<32x128xf32, #tpu.memory_space<vmem>>) target_semaphore(%arg16 : memref<!tpu.dma_semaphore, #tpu.memory_space<semaphore_mem>>)
    %get3A_298 = arith.constant 9 : index
    %get3A_299 = tpu.vector_load %arg8[%get3A_298] {strides = array<i32>} : memref<528xi32, #tpu.memory_space<vmem>>, vector<16xi32>,
    %slice3A_300 = vector.extract_strided_slice %get3A_299 {offsets = [0], sizes = [1], strides = [1]} : vector<16xi32> to vector<1xi32>
    %squeeze3A_301 = vector.extract %slice3A_300[0] : i32 from vector<1xi32>
    %shift_right_arithmetic3A_302 = arith.constant 7 : i32
    %shift_right_arithmetic3A_303 = arith.shrsi %squeeze3A_301, %shift_right_arithmetic3A_302 : i32
    %mul3A_304 = arith.constant 128 : i32
    %mul3A_305 = arith.muli %shift_right_arithmetic3A_303, %mul3A_304 : i32
    %multiple_of3A_306 = tpu.assume_multiple %mul3A_305, 128 : i32
    %dma_start3A_307 = arith.constant 4 : i32
    %dma_start3A_308 = arith.constant 1 : i32
    %dma_start3A_309 = arith.constant 0 : i32
    %dma_start3A_310 = arith.constant 0 : i32
    %dma_start3A_311 = tpu.memref_slice %arg9[%dma_start3A_307, %dma_start3A_308, %dma_start3A_309, %dma_start3A_310] : memref<8x2x32x128xf32, #tpu.memory_space<vmem>> -> memref<1x1x32x128xf32, #tpu.memory_space<vmem>>
    %dma_start3A_312 = tpu.memref_squeeze %dma_start3A_311 : memref<1x1x32x128xf32, #tpu.memory_space<vmem>> -> memref<32x128xf32, #tpu.memory_space<vmem>>
    %dma_start3A_313 = arith.constant 0 : i32
    %dma_start3A_314 = tpu.memref_slice %arg4[%dma_start3A_313, %multiple_of3A_306] : memref<32x1000000xf32, #tpu.memory_space<hbm>> -> memref<32x128xf32, #tpu.memory_space<hbm>>
    %dma_start3A_315 = arith.constant 0 : i32
    %dma_start3A_316 = arith.constant 0 : i32
    %dma_start3A_317 = tpu.memref_slice %arg9[%dma_start3A_307, %dma_start3A_308, %dma_start3A_315, %dma_start3A_316] : memref<8x2x32x128xf32, #tpu.memory_space<vmem>> -> memref<1x1x32x128xf32, #tpu.memory_space<vmem>>
    %dma_start3A_318 = tpu.memref_squeeze %dma_start3A_317 : memref<1x1x32x128xf32, #tpu.memory_space<vmem>> -> memref<32x128xf32, #tpu.memory_space<vmem>>
    %dma_start3A_319 = arith.constant 0 : i32
    %dma_start3A_320 = tpu.memref_slice %arg4[%dma_start3A_319, %multiple_of3A_306] : memref<32x1000000xf32, #tpu.memory_space<hbm>> -> memref<32x128xf32, #tpu.memory_space<hbm>>
    tpu.enqueue_dma source(%dma_start3A_320 : memref<32x128xf32, #tpu.memory_space<hbm>>) target(%dma_start3A_318 : memref<32x128xf32, #tpu.memory_space<vmem>>) target_semaphore(%arg16 : memref<!tpu.dma_semaphore, #tpu.memory_space<semaphore_mem>>)
    %get3A_321 = arith.constant 10 : index
    %get3A_322 = tpu.vector_load %arg8[%get3A_321] {strides = array<i32>} : memref<528xi32, #tpu.memory_space<vmem>>, vector<16xi32>,
    %slice3A_323 = vector.extract_strided_slice %get3A_322 {offsets = [0], sizes = [1], strides = [1]} : vector<16xi32> to vector<1xi32>
    %squeeze3A_324 = vector.extract %slice3A_323[0] : i32 from vector<1xi32>
    %shift_right_arithmetic3A_325 = arith.constant 7 : i32
    %shift_right_arithmetic3A_326 = arith.shrsi %squeeze3A_324, %shift_right_arithmetic3A_325 : i32
    %mul3A_327 = arith.constant 128 : i32
    %mul3A_328 = arith.muli %shift_right_arithmetic3A_326, %mul3A_327 : i32
    %multiple_of3A_329 = tpu.assume_multiple %mul3A_328, 128 : i32
    %dma_start3A_330 = arith.constant 5 : i32
    %dma_start3A_331 = arith.constant 0 : i32
    %dma_start3A_332 = arith.constant 0 : i32
    %dma_start3A_333 = arith.constant 0 : i32
    %dma_start3A_334 = tpu.memref_slice %arg9[%dma_start3A_330, %dma_start3A_331, %dma_start3A_332, %dma_start3A_333] : memref<8x2x32x128xf32, #tpu.memory_space<vmem>> -> memref<1x1x32x128xf32, #tpu.memory_space<vmem>>
    %dma_start3A_335 = tpu.memref_squeeze %dma_start3A_334 : memref<1x1x32x128xf32, #tpu.memory_space<vmem>> -> memref<32x128xf32, #tpu.memory_space<vmem>>
    %dma_start3A_336 = arith.constant 0 : i32
    %dma_start3A_337 = tpu.memref_slice %arg4[%dma_start3A_336, %multiple_of3A_329] : memref<32x1000000xf32, #tpu.memory_space<hbm>> -> memref<32x128xf32, #tpu.memory_space<hbm>>
    %dma_start3A_338 = arith.constant 0 : i32
    %dma_start3A_339 = arith.constant 0 : i32
    %dma_start3A_340 = tpu.memref_slice %arg9[%dma_start3A_330, %dma_start3A_331, %dma_start3A_338, %dma_start3A_339] : memref<8x2x32x128xf32, #tpu.memory_space<vmem>> -> memref<1x1x32x128xf32, #tpu.memory_space<vmem>>
    %dma_start3A_341 = tpu.memref_squeeze %dma_start3A_340 : memref<1x1x32x128xf32, #tpu.memory_space<vmem>> -> memref<32x128xf32, #tpu.memory_space<vmem>>
    %dma_start3A_342 = arith.constant 0 : i32
    %dma_start3A_343 = tpu.memref_slice %arg4[%dma_start3A_342, %multiple_of3A_329] : memref<32x1000000xf32, #tpu.memory_space<hbm>> -> memref<32x128xf32, #tpu.memory_space<hbm>>
    tpu.enqueue_dma source(%dma_start3A_343 : memref<32x128xf32, #tpu.memory_space<hbm>>) target(%dma_start3A_341 : memref<32x128xf32, #tpu.memory_space<vmem>>) target_semaphore(%arg17 : memref<!tpu.dma_semaphore, #tpu.memory_space<semaphore_mem>>)
    %get3A_344 = arith.constant 11 : index
    %get3A_345 = tpu.vector_load %arg8[%get3A_344] {strides = array<i32>} : memref<528xi32, #tpu.memory_space<vmem>>, vector<16xi32>,
    %slice3A_346 = vector.extract_strided_slice %get3A_345 {offsets = [0], sizes = [1], strides = [1]} : vector<16xi32> to vector<1xi32>
    %squeeze3A_347 = vector.extract %slice3A_346[0] : i32 from vector<1xi32>
    %shift_right_arithmetic3A_348 = arith.constant 7 : i32
    %shift_right_arithmetic3A_349 = arith.shrsi %squeeze3A_347, %shift_right_arithmetic3A_348 : i32
    %mul3A_350 = arith.constant 128 : i32
    %mul3A_351 = arith.muli %shift_right_arithmetic3A_349, %mul3A_350 : i32
    %multiple_of3A_352 = tpu.assume_multiple %mul3A_351, 128 : i32
    %dma_start3A_353 = arith.constant 5 : i32
    %dma_start3A_354 = arith.constant 1 : i32
    %dma_start3A_355 = arith.constant 0 : i32
    %dma_start3A_356 = arith.constant 0 : i32
    %dma_start3A_357 = tpu.memref_slice %arg9[%dma_start3A_353, %dma_start3A_354, %dma_start3A_355, %dma_start3A_356] : memref<8x2x32x128xf32, #tpu.memory_space<vmem>> -> memref<1x1x32x128xf32, #tpu.memory_space<vmem>>
    %dma_start3A_358 = tpu.memref_squeeze %dma_start3A_357 : memref<1x1x32x128xf32, #tpu.memory_space<vmem>> -> memref<32x128xf32, #tpu.memory_space<vmem>>
    %dma_start3A_359 = arith.constant 0 : i32
    %dma_start3A_360 = tpu.memref_slice %arg4[%dma_start3A_359, %multiple_of3A_352] : memref<32x1000000xf32, #tpu.memory_space<hbm>> -> memref<32x128xf32, #tpu.memory_space<hbm>>
    %dma_start3A_361 = arith.constant 0 : i32
    %dma_start3A_362 = arith.constant 0 : i32
    %dma_start3A_363 = tpu.memref_slice %arg9[%dma_start3A_353, %dma_start3A_354, %dma_start3A_361, %dma_start3A_362] : memref<8x2x32x128xf32, #tpu.memory_space<vmem>> -> memref<1x1x32x128xf32, #tpu.memory_space<vmem>>
    %dma_start3A_364 = tpu.memref_squeeze %dma_start3A_363 : memref<1x1x32x128xf32, #tpu.memory_space<vmem>> -> memref<32x128xf32, #tpu.memory_space<vmem>>
    %dma_start3A_365 = arith.constant 0 : i32
    %dma_start3A_366 = tpu.memref_slice %arg4[%dma_start3A_365, %multiple_of3A_352] : memref<32x1000000xf32, #tpu.memory_space<hbm>> -> memref<32x128xf32, #tpu.memory_space<hbm>>
    tpu.enqueue_dma source(%dma_start3A_366 : memref<32x128xf32, #tpu.memory_space<hbm>>) target(%dma_start3A_364 : memref<32x128xf32, #tpu.memory_space<vmem>>) target_semaphore(%arg17 : memref<!tpu.dma_semaphore, #tpu.memory_space<semaphore_mem>>)
    %get3A_367 = arith.constant 12 : index
    %get3A_368 = tpu.vector_load %arg8[%get3A_367] {strides = array<i32>} : memref<528xi32, #tpu.memory_space<vmem>>, vector<16xi32>,
    %slice3A_369 = vector.extract_strided_slice %get3A_368 {offsets = [0], sizes = [1], strides = [1]} : vector<16xi32> to vector<1xi32>
    %squeeze3A_370 = vector.extract %slice3A_369[0] : i32 from vector<1xi32>
    %shift_right_arithmetic3A_371 = arith.constant 7 : i32
    %shift_right_arithmetic3A_372 = arith.shrsi %squeeze3A_370, %shift_right_arithmetic3A_371 : i32
    %mul3A_373 = arith.constant 128 : i32
    %mul3A_374 = arith.muli %shift_right_arithmetic3A_372, %mul3A_373 : i32
    %multiple_of3A_375 = tpu.assume_multiple %mul3A_374, 128 : i32
    %dma_start3A_376 = arith.constant 6 : i32
    %dma_start3A_377 = arith.constant 0 : i32
    %dma_start3A_378 = arith.constant 0 : i32
    %dma_start3A_379 = arith.constant 0 : i32
    %dma_start3A_380 = tpu.memref_slice %arg9[%dma_start3A_376, %dma_start3A_377, %dma_start3A_378, %dma_start3A_379] : memref<8x2x32x128xf32, #tpu.memory_space<vmem>> -> memref<1x1x32x128xf32, #tpu.memory_space<vmem>>
    %dma_start3A_381 = tpu.memref_squeeze %dma_start3A_380 : memref<1x1x32x128xf32, #tpu.memory_space<vmem>> -> memref<32x128xf32, #tpu.memory_space<vmem>>
    %dma_start3A_382 = arith.constant 0 : i32
    %dma_start3A_383 = tpu.memref_slice %arg4[%dma_start3A_382, %multiple_of3A_375] : memref<32x1000000xf32, #tpu.memory_space<hbm>> -> memref<32x128xf32, #tpu.memory_space<hbm>>
    %dma_start3A_384 = arith.constant 0 : i32
    %dma_start3A_385 = arith.constant 0 : i32
    %dma_start3A_386 = tpu.memref_slice %arg9[%dma_start3A_376, %dma_start3A_377, %dma_start3A_384, %dma_start3A_385] : memref<8x2x32x128xf32, #tpu.memory_space<vmem>> -> memref<1x1x32x128xf32, #tpu.memory_space<vmem>>
    %dma_start3A_387 = tpu.memref_squeeze %dma_start3A_386 : memref<1x1x32x128xf32, #tpu.memory_space<vmem>> -> memref<32x128xf32, #tpu.memory_space<vmem>>
    %dma_start3A_388 = arith.constant 0 : i32
    %dma_start3A_389 = tpu.memref_slice %arg4[%dma_start3A_388, %multiple_of3A_375] : memref<32x1000000xf32, #tpu.memory_space<hbm>> -> memref<32x128xf32, #tpu.memory_space<hbm>>
    tpu.enqueue_dma source(%dma_start3A_389 : memref<32x128xf32, #tpu.memory_space<hbm>>) target(%dma_start3A_387 : memref<32x128xf32, #tpu.memory_space<vmem>>) target_semaphore(%arg18 : memref<!tpu.dma_semaphore, #tpu.memory_space<semaphore_mem>>)
    %get3A_390 = arith.constant 13 : index
    %get3A_391 = tpu.vector_load %arg8[%get3A_390] {strides = array<i32>} : memref<528xi32, #tpu.memory_space<vmem>>, vector<16xi32>,
    %slice3A_392 = vector.extract_strided_slice %get3A_391 {offsets = [0], sizes = [1], strides = [1]} : vector<16xi32> to vector<1xi32>
    %squeeze3A_393 = vector.extract %slice3A_392[0] : i32 from vector<1xi32>
    %shift_right_arithmetic3A_394 = arith.constant 7 : i32
    %shift_right_arithmetic3A_395 = arith.shrsi %squeeze3A_393, %shift_right_arithmetic3A_394 : i32
    %mul3A_396 = arith.constant 128 : i32
    %mul3A_397 = arith.muli %shift_right_arithmetic3A_395, %mul3A_396 : i32
    %multiple_of3A_398 = tpu.assume_multiple %mul3A_397, 128 : i32
    %dma_start3A_399 = arith.constant 6 : i32
    %dma_start3A_400 = arith.constant 1 : i32
    %dma_start3A_401 = arith.constant 0 : i32
    %dma_start3A_402 = arith.constant 0 : i32
    %dma_start3A_403 = tpu.memref_slice %arg9[%dma_start3A_399, %dma_start3A_400, %dma_start3A_401, %dma_start3A_402] : memref<8x2x32x128xf32, #tpu.memory_space<vmem>> -> memref<1x1x32x128xf32, #tpu.memory_space<vmem>>
    %dma_start3A_404 = tpu.memref_squeeze %dma_start3A_403 : memref<1x1x32x128xf32, #tpu.memory_space<vmem>> -> memref<32x128xf32, #tpu.memory_space<vmem>>
    %dma_start3A_405 = arith.constant 0 : i32
    %dma_start3A_406 = tpu.memref_slice %arg4[%dma_start3A_405, %multiple_of3A_398] : memref<32x1000000xf32, #tpu.memory_space<hbm>> -> memref<32x128xf32, #tpu.memory_space<hbm>>
    %dma_start3A_407 = arith.constant 0 : i32
    %dma_start3A_408 = arith.constant 0 : i32
    %dma_start3A_409 = tpu.memref_slice %arg9[%dma_start3A_399, %dma_start3A_400, %dma_start3A_407, %dma_start3A_408] : memref<8x2x32x128xf32, #tpu.memory_space<vmem>> -> memref<1x1x32x128xf32, #tpu.memory_space<vmem>>
    %dma_start3A_410 = tpu.memref_squeeze %dma_start3A_409 : memref<1x1x32x128xf32, #tpu.memory_space<vmem>> -> memref<32x128xf32, #tpu.memory_space<vmem>>
    %dma_start3A_411 = arith.constant 0 : i32
    %dma_start3A_412 = tpu.memref_slice %arg4[%dma_start3A_411, %multiple_of3A_398] : memref<32x1000000xf32, #tpu.memory_space<hbm>> -> memref<32x128xf32, #tpu.memory_space<hbm>>
    tpu.enqueue_dma source(%dma_start3A_412 : memref<32x128xf32, #tpu.memory_space<hbm>>) target(%dma_start3A_410 : memref<32x128xf32, #tpu.memory_space<vmem>>) target_semaphore(%arg18 : memref<!tpu.dma_semaphore, #tpu.memory_space<semaphore_mem>>)
    %add3A_413 = arith.constant 128 : i32
    %add3A_414 = arith.addi %mul3A_2, %add3A_413 : i32
    %dma_start3A_415 = arith.constant 0 : i32
    %dma_start3A_416 = tpu.memref_slice %arg2[%dma_start3A_415, %add3A_414] : memref<200x16384xi32, #tpu.memory_space<hbm>> -> memref<200x128xi32, #tpu.memory_space<hbm>>
    %dma_start3A_417 = arith.constant 0 : i32
    %dma_start3A_418 = tpu.memref_slice %arg2[%dma_start3A_417, %add3A_414] : memref<200x16384xi32, #tpu.memory_space<hbm>> -> memref<200x128xi32, #tpu.memory_space<hbm>>
    tpu.enqueue_dma source(%dma_start3A_418 : memref<200x128xi32, #tpu.memory_space<hbm>>) target(%arg7 : memref<200x128xi32, #tpu.memory_space<vmem>>) target_semaphore(%arg11 : memref<!tpu.dma_semaphore, #tpu.memory_space<semaphore_mem>>)
    %dma_wait3A_419 = arith.constant 0 : i32
    %dma_wait3A_420 = tpu.memref_slice %arg2[%dma_wait3A_419, %add3A_414] : memref<200x16384xi32, #tpu.memory_space<hbm>> -> memref<200x128xi32, #tpu.memory_space<hbm>>
    %dma_wait3A_421 = arith.constant 0 : i32
    %dma_wait3A_422 = tpu.memref_slice %arg2[%dma_wait3A_421, %add3A_414] : memref<200x16384xi32, #tpu.memory_space<hbm>> -> memref<200x128xi32, #tpu.memory_space<hbm>>
    tpu.wait_dma2 semaphore(%arg11 : memref<!tpu.dma_semaphore, #tpu.memory_space<semaphore_mem>>) src(%dma_wait3A_422 : memref<200x128xi32, #tpu.memory_space<hbm>>) dst(%arg7 : memref<200x128xi32, #tpu.memory_space<vmem>>)
    %get3A_423 = arith.constant 128 : index
    %get3A_424 = tpu.vector_load %arg6[%get3A_423] {strides = array<i32>} : memref<512xi32, #tpu.memory_space<vmem>>, vector<16xi32>,
    %sub3A_425 = arith.constant 1 : i32
    %sub3A_426 = vector.broadcast %sub3A_425 : i32 to vector<16xi32>
    %sub3A_427 = arith.subi %get3A_424, %sub3A_426 : vector<16xi32>
    %add3A_428 = arith.constant 0 : i32
    %add3A_429 = vector.broadcast %add3A_428 : i32 to vector<16xi32>
    %add3A_430 = arith.addi %add3A_429, %iota3A : vector<16xi32>
    %gather3A_431 = tpu.vector_load_idx %arg7[%sub3A_427, %add3A_430] : memref<200x128xi32, #tpu.memory_space<vmem>>[vector<16xi32>, vector<16xi32>], vector<16xi32>,
    %swap3A_432 = arith.constant 128 : index
    %swap3A_433 = tpu.vector_load %arg8[%swap3A_432] {strides = array<i32>} : memref<528xi32, #tpu.memory_space<vmem>>, vector<16xi32>,
    tpu.vector_store %arg8[%swap3A_432], %gather3A_431 {strides = array<i32>} : memref<528xi32, #tpu.memory_space<vmem>>, vector<16xi32>,
    %get3A_434 = arith.constant 144 : index
    %get3A_435 = tpu.vector_load %arg6[%get3A_434] {strides = array<i32>} : memref<512xi32, #tpu.memory_space<vmem>>, vector<16xi32>,
    %sub3A_436 = arith.constant 1 : i32
    %sub3A_437 = vector.broadcast %sub3A_436 : i32 to vector<16xi32>
    %sub3A_438 = arith.subi %get3A_435, %sub3A_437 : vector<16xi32>
    %add3A_439 = arith.constant 16 : i32
    %add3A_440 = vector.broadcast %add3A_439 : i32 to vector<16xi32>
    %add3A_441 = arith.addi %add3A_440, %iota3A : vector<16xi32>
    %gather3A_442 = tpu.vector_load_idx %arg7[%sub3A_438, %add3A_441] : memref<200x128xi32, #tpu.memory_space<vmem>>[vector<16xi32>, vector<16xi32>], vector<16xi32>,
    %swap3A_443 = arith.constant 144 : index
    %swap3A_444 = tpu.vector_load %arg8[%swap3A_443] {strides = array<i32>} : memref<528xi32, #tpu.memory_space<vmem>>, vector<16xi32>,
    tpu.vector_store %arg8[%swap3A_443], %gather3A_442 {strides = array<i32>} : memref<528xi32, #tpu.memory_space<vmem>>, vector<16xi32>,
    %get3A_445 = arith.constant 160 : index
    %get3A_446 = tpu.vector_load %arg6[%get3A_445] {strides = array<i32>} : memref<512xi32, #tpu.memory_space<vmem>>, vector<16xi32>,
    %sub3A_447 = arith.constant 1 : i32
    %sub3A_448 = vector.broadcast %sub3A_447 : i32 to vector<16xi32>
    %sub3A_449 = arith.subi %get3A_446, %sub3A_448 : vector<16xi32>
    %add3A_450 = arith.constant 32 : i32
    %add3A_451 = vector.broadcast %add3A_450 : i32 to vector<16xi32>
    %add3A_452 = arith.addi %add3A_451, %iota3A : vector<16xi32>
    %gather3A_453 = tpu.vector_load_idx %arg7[%sub3A_449, %add3A_452] : memref<200x128xi32, #tpu.memory_space<vmem>>[vector<16xi32>, vector<16xi32>], vector<16xi32>,
    %swap3A_454 = arith.constant 160 : index
    %swap3A_455 = tpu.vector_load %arg8[%swap3A_454] {strides = array<i32>} : memref<528xi32, #tpu.memory_space<vmem>>, vector<16xi32>,
    tpu.vector_store %arg8[%swap3A_454], %gather3A_453 {strides = array<i32>} : memref<528xi32, #tpu.memory_space<vmem>>, vector<16xi32>,
    %get3A_456 = arith.constant 176 : index
    %get3A_457 = tpu.vector_load %arg6[%get3A_456] {strides = array<i32>} : memref<512xi32, #tpu.memory_space<vmem>>, vector<16xi32>,
    %sub3A_458 = arith.constant 1 : i32
    %sub3A_459 = vector.broadcast %sub3A_458 : i32 to vector<16xi32>
    %sub3A_460 = arith.subi %get3A_457, %sub3A_459 : vector<16xi32>
    %add3A_461 = arith.constant 48 : i32
    %add3A_462 = vector.broadcast %add3A_461 : i32 to vector<16xi32>
    %add3A_463 = arith.addi %add3A_462, %iota3A : vector<16xi32>
    %gather3A_464 = tpu.vector_load_idx %arg7[%sub3A_460, %add3A_463] : memref<200x128xi32, #tpu.memory_space<vmem>>[vector<16xi32>, vector<16xi32>], vector<16xi32>,
    %swap3A_465 = arith.constant 176 : index
    %swap3A_466 = tpu.vector_load %arg8[%swap3A_465] {strides = array<i32>} : memref<528xi32, #tpu.memory_space<vmem>>, vector<16xi32>,
    tpu.vector_store %arg8[%swap3A_465], %gather3A_464 {strides = array<i32>} : memref<528xi32, #tpu.memory_space<vmem>>, vector<16xi32>,
    %get3A_467 = arith.constant 192 : index
    %get3A_468 = tpu.vector_load %arg6[%get3A_467] {strides = array<i32>} : memref<512xi32, #tpu.memory_space<vmem>>, vector<16xi32>,
    %sub3A_469 = arith.constant 1 : i32
    %sub3A_470 = vector.broadcast %sub3A_469 : i32 to vector<16xi32>
    %sub3A_471 = arith.subi %get3A_468, %sub3A_470 : vector<16xi32>
    %add3A_472 = arith.constant 64 : i32
    %add3A_473 = vector.broadcast %add3A_472 : i32 to vector<16xi32>
    %add3A_474 = arith.addi %add3A_473, %iota3A : vector<16xi32>
    %gather3A_475 = tpu.vector_load_idx %arg7[%sub3A_471, %add3A_474] : memref<200x128xi32, #tpu.memory_space<vmem>>[vector<16xi32>, vector<16xi32>], vector<16xi32>,
    %swap3A_476 = arith.constant 192 : index
    %swap3A_477 = tpu.vector_load %arg8[%swap3A_476] {strides = array<i32>} : memref<528xi32, #tpu.memory_space<vmem>>, vector<16xi32>,
    tpu.vector_store %arg8[%swap3A_476], %gather3A_475 {strides = array<i32>} : memref<528xi32, #tpu.memory_space<vmem>>, vector<16xi32>,
    %get3A_478 = arith.constant 208 : index
    %get3A_479 = tpu.vector_load %arg6[%get3A_478] {strides = array<i32>} : memref<512xi32, #tpu.memory_space<vmem>>, vector<16xi32>,
    %sub3A_480 = arith.constant 1 : i32
    %sub3A_481 = vector.broadcast %sub3A_480 : i32 to vector<16xi32>
    %sub3A_482 = arith.subi %get3A_479, %sub3A_481 : vector<16xi32>
    %add3A_483 = arith.constant 80 : i32
    %add3A_484 = vector.broadcast %add3A_483 : i32 to vector<16xi32>
    %add3A_485 = arith.addi %add3A_484, %iota3A : vector<16xi32>
    %gather3A_486 = tpu.vector_load_idx %arg7[%sub3A_482, %add3A_485] : memref<200x128xi32, #tpu.memory_space<vmem>>[vector<16xi32>, vector<16xi32>], vector<16xi32>,
    %swap3A_487 = arith.constant 208 : index
    %swap3A_488 = tpu.vector_load %arg8[%swap3A_487] {strides = array<i32>} : memref<528xi32, #tpu.memory_space<vmem>>, vector<16xi32>,
    tpu.vector_store %arg8[%swap3A_487], %gather3A_486 {strides = array<i32>} : memref<528xi32, #tpu.memory_space<vmem>>, vector<16xi32>,
    %get3A_489 = arith.constant 224 : index
    %get3A_490 = tpu.vector_load %arg6[%get3A_489] {strides = array<i32>} : memref<512xi32, #tpu.memory_space<vmem>>, vector<16xi32>,
    %sub3A_491 = arith.constant 1 : i32
    %sub3A_492 = vector.broadcast %sub3A_491 : i32 to vector<16xi32>
    %sub3A_493 = arith.subi %get3A_490, %sub3A_492 : vector<16xi32>
    %add3A_494 = arith.constant 96 : i32
    %add3A_495 = vector.broadcast %add3A_494 : i32 to vector<16xi32>
    %add3A_496 = arith.addi %add3A_495, %iota3A : vector<16xi32>
    %gather3A_497 = tpu.vector_load_idx %arg7[%sub3A_493, %add3A_496] : memref<200x128xi32, #tpu.memory_space<vmem>>[vector<16xi32>, vector<16xi32>], vector<16xi32>,
    %swap3A_498 = arith.constant 224 : index
    %swap3A_499 = tpu.vector_load %arg8[%swap3A_498] {strides = array<i32>} : memref<528xi32, #tpu.memory_space<vmem>>, vector<16xi32>,
    tpu.vector_store %arg8[%swap3A_498], %gather3A_497 {strides = array<i32>} : memref<528xi32, #tpu.memory_space<vmem>>, vector<16xi32>,
    %get3A_500 = arith.constant 240 : index
    %get3A_501 = tpu.vector_load %arg6[%get3A_500] {strides = array<i32>} : memref<512xi32, #tpu.memory_space<vmem>>, vector<16xi32>,
    %sub3A_502 = arith.constant 1 : i32
    %sub3A_503 = vector.broadcast %sub3A_502 : i32 to vector<16xi32>
    %sub3A_504 = arith.subi %get3A_501, %sub3A_503 : vector<16xi32>
    %add3A_505 = arith.constant 112 : i32
    %add3A_506 = vector.broadcast %add3A_505 : i32 to vector<16xi32>
    %add3A_507 = arith.addi %add3A_506, %iota3A : vector<16xi32>
    %gather3A_508 = tpu.vector_load_idx %arg7[%sub3A_504, %add3A_507] : memref<200x128xi32, #tpu.memory_space<vmem>>[vector<16xi32>, vector<16xi32>], vector<16xi32>,
    %swap3A_509 = arith.constant 240 : index
    %swap3A_510 = tpu.vector_load %arg8[%swap3A_509] {strides = array<i32>} : memref<528xi32, #tpu.memory_space<vmem>>, vector<16xi32>,
    tpu.vector_store %arg8[%swap3A_509], %gather3A_508 {strides = array<i32>} : memref<528xi32, #tpu.memory_space<vmem>>, vector<16xi32>,
    %add3A_511 = arith.constant 256 : i32
    %add3A_512 = arith.addi %mul3A_2, %add3A_511 : i32
    %dma_start3A_513 = arith.constant 0 : i32
    %dma_start3A_514 = tpu.memref_slice %arg2[%dma_start3A_513, %add3A_512] : memref<200x16384xi32, #tpu.memory_space<hbm>> -> memref<200x128xi32, #tpu.memory_space<hbm>>
    %dma_start3A_515 = arith.constant 0 : i32
    %dma_start3A_516 = tpu.memref_slice %arg2[%dma_start3A_515, %add3A_512] : memref<200x16384xi32, #tpu.memory_space<hbm>> -> memref<200x128xi32, #tpu.memory_space<hbm>>
    tpu.enqueue_dma source(%dma_start3A_516 : memref<200x128xi32, #tpu.memory_space<hbm>>) target(%arg7 : memref<200x128xi32, #tpu.memory_space<vmem>>) target_semaphore(%arg11 : memref<!tpu.dma_semaphore, #tpu.memory_space<semaphore_mem>>)
    %dma_wait3A_517 = arith.constant 0 : i32
    %dma_wait3A_518 = tpu.memref_slice %arg2[%dma_wait3A_517, %add3A_512] : memref<200x16384xi32, #tpu.memory_space<hbm>> -> memref<200x128xi32, #tpu.memory_space<hbm>>
    %dma_wait3A_519 = arith.constant 0 : i32
    %dma_wait3A_520 = tpu.memref_slice %arg2[%dma_wait3A_519, %add3A_512] : memref<200x16384xi32, #tpu.memory_space<hbm>> -> memref<200x128xi32, #tpu.memory_space<hbm>>
    tpu.wait_dma2 semaphore(%arg11 : memref<!tpu.dma_semaphore, #tpu.memory_space<semaphore_mem>>) src(%dma_wait3A_520 : memref<200x128xi32, #tpu.memory_space<hbm>>) dst(%arg7 : memref<200x128xi32, #tpu.memory_space<vmem>>)
    %get3A_521 = arith.constant 256 : index
    %get3A_522 = tpu.vector_load %arg6[%get3A_521] {strides = array<i32>} : memref<512xi32, #tpu.memory_space<vmem>>, vector<16xi32>,
    %sub3A_523 = arith.constant 1 : i32
    %sub3A_524 = vector.broadcast %sub3A_523 : i32 to vector<16xi32>
    %sub3A_525 = arith.subi %get3A_522, %sub3A_524 : vector<16xi32>
    %add3A_526 = arith.constant 0 : i32
    %add3A_527 = vector.broadcast %add3A_526 : i32 to vector<16xi32>
    %add3A_528 = arith.addi %add3A_527, %iota3A : vector<16xi32>
    %gather3A_529 = tpu.vector_load_idx %arg7[%sub3A_525, %add3A_528] : memref<200x128xi32, #tpu.memory_space<vmem>>[vector<16xi32>, vector<16xi32>], vector<16xi32>,
    %swap3A_530 = arith.constant 256 : index
    %swap3A_531 = tpu.vector_load %arg8[%swap3A_530] {strides = array<i32>} : memref<528xi32, #tpu.memory_space<vmem>>, vector<16xi32>,
    tpu.vector_store %arg8[%swap3A_530], %gather3A_529 {strides = array<i32>} : memref<528xi32, #tpu.memory_space<vmem>>, vector<16xi32>,
    %get3A_532 = arith.constant 272 : index
    %get3A_533 = tpu.vector_load %arg6[%get3A_532] {strides = array<i32>} : memref<512xi32, #tpu.memory_space<vmem>>, vector<16xi32>,
    %sub3A_534 = arith.constant 1 : i32
    %sub3A_535 = vector.broadcast %sub3A_534 : i32 to vector<16xi32>
    %sub3A_536 = arith.subi %get3A_533, %sub3A_535 : vector<16xi32>
    %add3A_537 = arith.constant 16 : i32
    %add3A_538 = vector.broadcast %add3A_537 : i32 to vector<16xi32>
    %add3A_539 = arith.addi %add3A_538, %iota3A : vector<16xi32>
    %gather3A_540 = tpu.vector_load_idx %arg7[%sub3A_536, %add3A_539] : memref<200x128xi32, #tpu.memory_space<vmem>>[vector<16xi32>, vector<16xi32>], vector<16xi32>,
    %swap3A_541 = arith.constant 272 : index
    %swap3A_542 = tpu.vector_load %arg8[%swap3A_541] {strides = array<i32>} : memref<528xi32, #tpu.memory_space<vmem>>, vector<16xi32>,
    tpu.vector_store %arg8[%swap3A_541], %gather3A_540 {strides = array<i32>} : memref<528xi32, #tpu.memory_space<vmem>>, vector<16xi32>,
    %get3A_543 = arith.constant 288 : index
    %get3A_544 = tpu.vector_load %arg6[%get3A_543] {strides = array<i32>} : memref<512xi32, #tpu.memory_space<vmem>>, vector<16xi32>,
    %sub3A_545 = arith.constant 1 : i32
    %sub3A_546 = vector.broadcast %sub3A_545 : i32 to vector<16xi32>
    %sub3A_547 = arith.subi %get3A_544, %sub3A_546 : vector<16xi32>
    %add3A_548 = arith.constant 32 : i32
    %add3A_549 = vector.broadcast %add3A_548 : i32 to vector<16xi32>
    %add3A_550 = arith.addi %add3A_549, %iota3A : vector<16xi32>
    %gather3A_551 = tpu.vector_load_idx %arg7[%sub3A_547, %add3A_550] : memref<200x128xi32, #tpu.memory_space<vmem>>[vector<16xi32>, vector<16xi32>], vector<16xi32>,
    %swap3A_552 = arith.constant 288 : index
    %swap3A_553 = tpu.vector_load %arg8[%swap3A_552] {strides = array<i32>} : memref<528xi32, #tpu.memory_space<vmem>>, vector<16xi32>,
    tpu.vector_store %arg8[%swap3A_552], %gather3A_551 {strides = array<i32>} : memref<528xi32, #tpu.memory_space<vmem>>, vector<16xi32>,
    %get3A_554 = arith.constant 304 : index
    %get3A_555 = tpu.vector_load %arg6[%get3A_554] {strides = array<i32>} : memref<512xi32, #tpu.memory_space<vmem>>, vector<16xi32>,
    %sub3A_556 = arith.constant 1 : i32
    %sub3A_557 = vector.broadcast %sub3A_556 : i32 to vector<16xi32>
    %sub3A_558 = arith.subi %get3A_555, %sub3A_557 : vector<16xi32>
    %add3A_559 = arith.constant 48 : i32
    %add3A_560 = vector.broadcast %add3A_559 : i32 to vector<16xi32>
    %add3A_561 = arith.addi %add3A_560, %iota3A : vector<16xi32>
    %gather3A_562 = tpu.vector_load_idx %arg7[%sub3A_558, %add3A_561] : memref<200x128xi32, #tpu.memory_space<vmem>>[vector<16xi32>, vector<16xi32>], vector<16xi32>,
    %swap3A_563 = arith.constant 304 : index
    %swap3A_564 = tpu.vector_load %arg8[%swap3A_563] {strides = array<i32>} : memref<528xi32, #tpu.memory_space<vmem>>, vector<16xi32>,
    tpu.vector_store %arg8[%swap3A_563], %gather3A_562 {strides = array<i32>} : memref<528xi32, #tpu.memory_space<vmem>>, vector<16xi32>,
    %get3A_565 = arith.constant 320 : index
    %get3A_566 = tpu.vector_load %arg6[%get3A_565] {strides = array<i32>} : memref<512xi32, #tpu.memory_space<vmem>>, vector<16xi32>,
    %sub3A_567 = arith.constant 1 : i32
    %sub3A_568 = vector.broadcast %sub3A_567 : i32 to vector<16xi32>
    %sub3A_569 = arith.subi %get3A_566, %sub3A_568 : vector<16xi32>
    %add3A_570 = arith.constant 64 : i32
    %add3A_571 = vector.broadcast %add3A_570 : i32 to vector<16xi32>
    %add3A_572 = arith.addi %add3A_571, %iota3A : vector<16xi32>
    %gather3A_573 = tpu.vector_load_idx %arg7[%sub3A_569, %add3A_572] : memref<200x128xi32, #tpu.memory_space<vmem>>[vector<16xi32>, vector<16xi32>], vector<16xi32>,
    %swap3A_574 = arith.constant 320 : index
    %swap3A_575 = tpu.vector_load %arg8[%swap3A_574] {strides = array<i32>} : memref<528xi32, #tpu.memory_space<vmem>>, vector<16xi32>,
    tpu.vector_store %arg8[%swap3A_574], %gather3A_573 {strides = array<i32>} : memref<528xi32, #tpu.memory_space<vmem>>, vector<16xi32>,
    %get3A_576 = arith.constant 336 : index
    %get3A_577 = tpu.vector_load %arg6[%get3A_576] {strides = array<i32>} : memref<512xi32, #tpu.memory_space<vmem>>, vector<16xi32>,
    %sub3A_578 = arith.constant 1 : i32
    %sub3A_579 = vector.broadcast %sub3A_578 : i32 to vector<16xi32>
    %sub3A_580 = arith.subi %get3A_577, %sub3A_579 : vector<16xi32>
    %add3A_581 = arith.constant 80 : i32
    %add3A_582 = vector.broadcast %add3A_581 : i32 to vector<16xi32>
    %add3A_583 = arith.addi %add3A_582, %iota3A : vector<16xi32>
    %gather3A_584 = tpu.vector_load_idx %arg7[%sub3A_580, %add3A_583] : memref<200x128xi32, #tpu.memory_space<vmem>>[vector<16xi32>, vector<16xi32>], vector<16xi32>,
    %swap3A_585 = arith.constant 336 : index
    %swap3A_586 = tpu.vector_load %arg8[%swap3A_585] {strides = array<i32>} : memref<528xi32, #tpu.memory_space<vmem>>, vector<16xi32>,
    tpu.vector_store %arg8[%swap3A_585], %gather3A_584 {strides = array<i32>} : memref<528xi32, #tpu.memory_space<vmem>>, vector<16xi32>,
    %get3A_587 = arith.constant 352 : index
    %get3A_588 = tpu.vector_load %arg6[%get3A_587] {strides = array<i32>} : memref<512xi32, #tpu.memory_space<vmem>>, vector<16xi32>,
    %sub3A_589 = arith.constant 1 : i32
    %sub3A_590 = vector.broadcast %sub3A_589 : i32 to vector<16xi32>
    %sub3A_591 = arith.subi %get3A_588, %sub3A_590 : vector<16xi32>
    %add3A_592 = arith.constant 96 : i32
    %add3A_593 = vector.broadcast %add3A_592 : i32 to vector<16xi32>
    %add3A_594 = arith.addi %add3A_593, %iota3A : vector<16xi32>
    %gather3A_595 = tpu.vector_load_idx %arg7[%sub3A_591, %add3A_594] : memref<200x128xi32, #tpu.memory_space<vmem>>[vector<16xi32>, vector<16xi32>], vector<16xi32>,
    %swap3A_596 = arith.constant 352 : index
    %swap3A_597 = tpu.vector_load %arg8[%swap3A_596] {strides = array<i32>} : memref<528xi32, #tpu.memory_space<vmem>>, vector<16xi32>,
    tpu.vector_store %arg8[%swap3A_596], %gather3A_595 {strides = array<i32>} : memref<528xi32, #tpu.memory_space<vmem>>, vector<16xi32>,
    %get3A_598 = arith.constant 368 : index
    %get3A_599 = tpu.vector_load %arg6[%get3A_598] {strides = array<i32>} : memref<512xi32, #tpu.memory_space<vmem>>, vector<16xi32>,
    %sub3A_600 = arith.constant 1 : i32
    %sub3A_601 = vector.broadcast %sub3A_600 : i32 to vector<16xi32>
    %sub3A_602 = arith.subi %get3A_599, %sub3A_601 : vector<16xi32>
    %add3A_603 = arith.constant 112 : i32
    %add3A_604 = vector.broadcast %add3A_603 : i32 to vector<16xi32>
    %add3A_605 = arith.addi %add3A_604, %iota3A : vector<16xi32>
    %gather3A_606 = tpu.vector_load_idx %arg7[%sub3A_602, %add3A_605] : memref<200x128xi32, #tpu.memory_space<vmem>>[vector<16xi32>, vector<16xi32>], vector<16xi32>,
    %swap3A_607 = arith.constant 368 : index
    %swap3A_608 = tpu.vector_load %arg8[%swap3A_607] {strides = array<i32>} : memref<528xi32, #tpu.memory_space<vmem>>, vector<16xi32>,
    tpu.vector_store %arg8[%swap3A_607], %gather3A_606 {strides = array<i32>} : memref<528xi32, #tpu.memory_space<vmem>>, vector<16xi32>,
    %add3A_609 = arith.constant 384 : i32
    %add3A_610 = arith.addi %mul3A_2, %add3A_609 : i32
    %dma_start3A_611 = arith.constant 0 : i32
    %dma_start3A_612 = tpu.memref_slice %arg2[%dma_start3A_611, %add3A_610] : memref<200x16384xi32, #tpu.memory_space<hbm>> -> memref<200x128xi32, #tpu.memory_space<hbm>>
    %dma_start3A_613 = arith.constant 0 : i32
    %dma_start3A_614 = tpu.memref_slice %arg2[%dma_start3A_613, %add3A_610] : memref<200x16384xi32, #tpu.memory_space<hbm>> -> memref<200x128xi32, #tpu.memory_space<hbm>>
    tpu.enqueue_dma source(%dma_start3A_614 : memref<200x128xi32, #tpu.memory_space<hbm>>) target(%arg7 : memref<200x128xi32, #tpu.memory_space<vmem>>) target_semaphore(%arg11 : memref<!tpu.dma_semaphore, #tpu.memory_space<semaphore_mem>>)
    %dma_wait3A_615 = arith.constant 0 : i32
    %dma_wait3A_616 = tpu.memref_slice %arg2[%dma_wait3A_615, %add3A_610] : memref<200x16384xi32, #tpu.memory_space<hbm>> -> memref<200x128xi32, #tpu.memory_space<hbm>>
    %dma_wait3A_617 = arith.constant 0 : i32
    %dma_wait3A_618 = tpu.memref_slice %arg2[%dma_wait3A_617, %add3A_610] : memref<200x16384xi32, #tpu.memory_space<hbm>> -> memref<200x128xi32, #tpu.memory_space<hbm>>
    tpu.wait_dma2 semaphore(%arg11 : memref<!tpu.dma_semaphore, #tpu.memory_space<semaphore_mem>>) src(%dma_wait3A_618 : memref<200x128xi32, #tpu.memory_space<hbm>>) dst(%arg7 : memref<200x128xi32, #tpu.memory_space<vmem>>)
    %get3A_619 = arith.constant 384 : index
    %get3A_620 = tpu.vector_load %arg6[%get3A_619] {strides = array<i32>} : memref<512xi32, #tpu.memory_space<vmem>>, vector<16xi32>,
    %sub3A_621 = arith.constant 1 : i32
    %sub3A_622 = vector.broadcast %sub3A_621 : i32 to vector<16xi32>
    %sub3A_623 = arith.subi %get3A_620, %sub3A_622 : vector<16xi32>
    %add3A_624 = arith.constant 0 : i32
    %add3A_625 = vector.broadcast %add3A_624 : i32 to vector<16xi32>
    %add3A_626 = arith.addi %add3A_625, %iota3A : vector<16xi32>
    %gather3A_627 = tpu.vector_load_idx %arg7[%sub3A_623, %add3A_626] : memref<200x128xi32, #tpu.memory_space<vmem>>[vector<16xi32>, vector<16xi32>], vector<16xi32>,
    %swap3A_628 = arith.constant 384 : index
    %swap3A_629 = tpu.vector_load %arg8[%swap3A_628] {strides = array<i32>} : memref<528xi32, #tpu.memory_space<vmem>>, vector<16xi32>,
    tpu.vector_store %arg8[%swap3A_628], %gather3A_627 {strides = array<i32>} : memref<528xi32, #tpu.memory_space<vmem>>, vector<16xi32>,
    %get3A_630 = arith.constant 400 : index
    %get3A_631 = tpu.vector_load %arg6[%get3A_630] {strides = array<i32>} : memref<512xi32, #tpu.memory_space<vmem>>, vector<16xi32>,
    %sub3A_632 = arith.constant 1 : i32
    %sub3A_633 = vector.broadcast %sub3A_632 : i32 to vector<16xi32>
    %sub3A_634 = arith.subi %get3A_631, %sub3A_633 : vector<16xi32>
    %add3A_635 = arith.constant 16 : i32
    %add3A_636 = vector.broadcast %add3A_635 : i32 to vector<16xi32>
    %add3A_637 = arith.addi %add3A_636, %iota3A : vector<16xi32>
    %gather3A_638 = tpu.vector_load_idx %arg7[%sub3A_634, %add3A_637] : memref<200x128xi32, #tpu.memory_space<vmem>>[vector<16xi32>, vector<16xi32>], vector<16xi32>,
    %swap3A_639 = arith.constant 400 : index
    %swap3A_640 = tpu.vector_load %arg8[%swap3A_639] {strides = array<i32>} : memref<528xi32, #tpu.memory_space<vmem>>, vector<16xi32>,
    tpu.vector_store %arg8[%swap3A_639], %gather3A_638 {strides = array<i32>} : memref<528xi32, #tpu.memory_space<vmem>>, vector<16xi32>,
    %get3A_641 = arith.constant 416 : index
    %get3A_642 = tpu.vector_load %arg6[%get3A_641] {strides = array<i32>} : memref<512xi32, #tpu.memory_space<vmem>>, vector<16xi32>,
    %sub3A_643 = arith.constant 1 : i32
    %sub3A_644 = vector.broadcast %sub3A_643 : i32 to vector<16xi32>
    %sub3A_645 = arith.subi %get3A_642, %sub3A_644 : vector<16xi32>
    %add3A_646 = arith.constant 32 : i32
    %add3A_647 = vector.broadcast %add3A_646 : i32 to vector<16xi32>
    %add3A_648 = arith.addi %add3A_647, %iota3A : vector<16xi32>
    %gather3A_649 = tpu.vector_load_idx %arg7[%sub3A_645, %add3A_648] : memref<200x128xi32, #tpu.memory_space<vmem>>[vector<16xi32>, vector<16xi32>], vector<16xi32>,
    %swap3A_650 = arith.constant 416 : index
    %swap3A_651 = tpu.vector_load %arg8[%swap3A_650] {strides = array<i32>} : memref<528xi32, #tpu.memory_space<vmem>>, vector<16xi32>,
    tpu.vector_store %arg8[%swap3A_650], %gather3A_649 {strides = array<i32>} : memref<528xi32, #tpu.memory_space<vmem>>, vector<16xi32>,
    %get3A_652 = arith.constant 432 : index
    %get3A_653 = tpu.vector_load %arg6[%get3A_652] {strides = array<i32>} : memref<512xi32, #tpu.memory_space<vmem>>, vector<16xi32>,
    %sub3A_654 = arith.constant 1 : i32
    %sub3A_655 = vector.broadcast %sub3A_654 : i32 to vector<16xi32>
    %sub3A_656 = arith.subi %get3A_653, %sub3A_655 : vector<16xi32>
    %add3A_657 = arith.constant 48 : i32
    %add3A_658 = vector.broadcast %add3A_657 : i32 to vector<16xi32>
    %add3A_659 = arith.addi %add3A_658, %iota3A : vector<16xi32>
    %gather3A_660 = tpu.vector_load_idx %arg7[%sub3A_656, %add3A_659] : memref<200x128xi32, #tpu.memory_space<vmem>>[vector<16xi32>, vector<16xi32>], vector<16xi32>,
    %swap3A_661 = arith.constant 432 : index
    %swap3A_662 = tpu.vector_load %arg8[%swap3A_661] {strides = array<i32>} : memref<528xi32, #tpu.memory_space<vmem>>, vector<16xi32>,
    tpu.vector_store %arg8[%swap3A_661], %gather3A_660 {strides = array<i32>} : memref<528xi32, #tpu.memory_space<vmem>>, vector<16xi32>,
    %get3A_663 = arith.constant 448 : index
    %get3A_664 = tpu.vector_load %arg6[%get3A_663] {strides = array<i32>} : memref<512xi32, #tpu.memory_space<vmem>>, vector<16xi32>,
    %sub3A_665 = arith.constant 1 : i32
    %sub3A_666 = vector.broadcast %sub3A_665 : i32 to vector<16xi32>
    %sub3A_667 = arith.subi %get3A_664, %sub3A_666 : vector<16xi32>
    %add3A_668 = arith.constant 64 : i32
    %add3A_669 = vector.broadcast %add3A_668 : i32 to vector<16xi32>
    %add3A_670 = arith.addi %add3A_669, %iota3A : vector<16xi32>
    %gather3A_671 = tpu.vector_load_idx %arg7[%sub3A_667, %add3A_670] : memref<200x128xi32, #tpu.memory_space<vmem>>[vector<16xi32>, vector<16xi32>], vector<16xi32>,
    %swap3A_672 = arith.constant 448 : index
    %swap3A_673 = tpu.vector_load %arg8[%swap3A_672] {strides = array<i32>} : memref<528xi32, #tpu.memory_space<vmem>>, vector<16xi32>,
    tpu.vector_store %arg8[%swap3A_672], %gather3A_671 {strides = array<i32>} : memref<528xi32, #tpu.memory_space<vmem>>, vector<16xi32>,
    %get3A_674 = arith.constant 464 : index
    %get3A_675 = tpu.vector_load %arg6[%get3A_674] {strides = array<i32>} : memref<512xi32, #tpu.memory_space<vmem>>, vector<16xi32>,
    %sub3A_676 = arith.constant 1 : i32
    %sub3A_677 = vector.broadcast %sub3A_676 : i32 to vector<16xi32>
    %sub3A_678 = arith.subi %get3A_675, %sub3A_677 : vector<16xi32>
    %add3A_679 = arith.constant 80 : i32
    %add3A_680 = vector.broadcast %add3A_679 : i32 to vector<16xi32>
    %add3A_681 = arith.addi %add3A_680, %iota3A : vector<16xi32>
    %gather3A_682 = tpu.vector_load_idx %arg7[%sub3A_678, %add3A_681] : memref<200x128xi32, #tpu.memory_space<vmem>>[vector<16xi32>, vector<16xi32>], vector<16xi32>,
    %swap3A_683 = arith.constant 464 : index
    %swap3A_684 = tpu.vector_load %arg8[%swap3A_683] {strides = array<i32>} : memref<528xi32, #tpu.memory_space<vmem>>, vector<16xi32>,
    tpu.vector_store %arg8[%swap3A_683], %gather3A_682 {strides = array<i32>} : memref<528xi32, #tpu.memory_space<vmem>>, vector<16xi32>,
    %get3A_685 = arith.constant 480 : index
    %get3A_686 = tpu.vector_load %arg6[%get3A_685] {strides = array<i32>} : memref<512xi32, #tpu.memory_space<vmem>>, vector<16xi32>,
    %sub3A_687 = arith.constant 1 : i32
    %sub3A_688 = vector.broadcast %sub3A_687 : i32 to vector<16xi32>
    %sub3A_689 = arith.subi %get3A_686, %sub3A_688 : vector<16xi32>
    %add3A_690 = arith.constant 96 : i32
    %add3A_691 = vector.broadcast %add3A_690 : i32 to vector<16xi32>
    %add3A_692 = arith.addi %add3A_691, %iota3A : vector<16xi32>
    %gather3A_693 = tpu.vector_load_idx %arg7[%sub3A_689, %add3A_692] : memref<200x128xi32, #tpu.memory_space<vmem>>[vector<16xi32>, vector<16xi32>], vector<16xi32>,
    %swap3A_694 = arith.constant 480 : index
    %swap3A_695 = tpu.vector_load %arg8[%swap3A_694] {strides = array<i32>} : memref<528xi32, #tpu.memory_space<vmem>>, vector<16xi32>,
    tpu.vector_store %arg8[%swap3A_694], %gather3A_693 {strides = array<i32>} : memref<528xi32, #tpu.memory_space<vmem>>, vector<16xi32>,
    %get3A_696 = arith.constant 496 : index
    %get3A_697 = tpu.vector_load %arg6[%get3A_696] {strides = array<i32>} : memref<512xi32, #tpu.memory_space<vmem>>, vector<16xi32>,
    %sub3A_698 = arith.constant 1 : i32
    %sub3A_699 = vector.broadcast %sub3A_698 : i32 to vector<16xi32>
    %sub3A_700 = arith.subi %get3A_697, %sub3A_699 : vector<16xi32>
    %add3A_701 = arith.constant 112 : i32
    %add3A_702 = vector.broadcast %add3A_701 : i32 to vector<16xi32>
    %add3A_703 = arith.addi %add3A_702, %iota3A : vector<16xi32>
    %gather3A_704 = tpu.vector_load_idx %arg7[%sub3A_700, %add3A_703] : memref<200x128xi32, #tpu.memory_space<vmem>>[vector<16xi32>, vector<16xi32>], vector<16xi32>,
    %swap3A_705 = arith.constant 496 : index
    %swap3A_706 = tpu.vector_load %arg8[%swap3A_705] {strides = array<i32>} : memref<528xi32, #tpu.memory_space<vmem>>, vector<16xi32>,
    tpu.vector_store %arg8[%swap3A_705], %gather3A_704 {strides = array<i32>} : memref<528xi32, #tpu.memory_space<vmem>>, vector<16xi32>,
    %scan3A = arith.constant 0 : i32
    %scan3A_707 = arith.constant 0 : i32
    %scan3A_708 = arith.constant 32 : i32
    %scan3A_709 = arith.addi %scan3A_707, %scan3A_708 : i32
    %scan3A_710 = arith.constant 1 : i32
    scf.for %scan3A_712 = %scan3A_707 to %scan3A_709 step %scan3A_710  : i32 {
      %mul3A_713 = arith.constant 8 : i32
      %mul3A_714 = arith.muli %scan3A_712, %mul3A_713 : i32
      %add3A_715 = arith.constant 0 : i32
      %add3A_716 = arith.addi %mul3A_714, %add3A_715 : i32
      %mul3A_717 = arith.constant 2 : i32
      %mul3A_718 = arith.muli %add3A_716, %mul3A_717 : i32
      %dma_wait3A_719 = arith.constant 0 : i32
      %dma_wait3A_720 = arith.constant 0 : i32
      %dma_wait3A_721 = arith.constant 0 : i32
      %dma_wait3A_722 = arith.constant 0 : i32
      %dma_wait3A_723 = tpu.memref_slice %arg9[%dma_wait3A_719, %dma_wait3A_720, %dma_wait3A_721, %dma_wait3A_722] : memref<8x2x32x128xf32, #tpu.memory_space<vmem>> -> memref<1x1x32x128xf32, #tpu.memory_space<vmem>>
      %dma_wait3A_724 = tpu.memref_squeeze %dma_wait3A_723 : memref<1x1x32x128xf32, #tpu.memory_space<vmem>> -> memref<32x128xf32, #tpu.memory_space<vmem>>
      %dma_wait3A_725 = arith.constant 0 : i32
      %dma_wait3A_726 = arith.constant 0 : i32
      %dma_wait3A_727 = tpu.memref_slice %arg4[%dma_wait3A_725, %dma_wait3A_726] : memref<32x1000000xf32, #tpu.memory_space<hbm>> -> memref<32x128xf32, #tpu.memory_space<hbm>>
      %dma_wait3A_728 = arith.constant 0 : i32
      %dma_wait3A_729 = arith.constant 0 : i32
      %dma_wait3A_730 = tpu.memref_slice %arg9[%dma_wait3A_719, %dma_wait3A_720, %dma_wait3A_728, %dma_wait3A_729] : memref<8x2x32x128xf32, #tpu.memory_space<vmem>> -> memref<1x1x32x128xf32, #tpu.memory_space<vmem>>
      %dma_wait3A_731 = tpu.memref_squeeze %dma_wait3A_730 : memref<1x1x32x128xf32, #tpu.memory_space<vmem>> -> memref<32x128xf32, #tpu.memory_space<vmem>>
      %dma_wait3A_732 = arith.constant 0 : i32
      %dma_wait3A_733 = arith.constant 0 : i32
      %dma_wait3A_734 = tpu.memref_slice %arg4[%dma_wait3A_732, %dma_wait3A_733] : memref<32x1000000xf32, #tpu.memory_space<hbm>> -> memref<32x128xf32, #tpu.memory_space<hbm>>
      tpu.wait_dma2 semaphore(%arg12 : memref<!tpu.dma_semaphore, #tpu.memory_space<semaphore_mem>>) src(%dma_wait3A_734 : memref<32x128xf32, #tpu.memory_space<hbm>>) dst(%dma_wait3A_731 : memref<32x128xf32, #tpu.memory_space<vmem>>)
      %dma_wait3A_735 = arith.constant 0 : i32
      %dma_wait3A_736 = arith.constant 1 : i32
      %dma_wait3A_737 = arith.constant 0 : i32
      %dma_wait3A_738 = arith.constant 0 : i32
      %dma_wait3A_739 = tpu.memref_slice %arg9[%dma_wait3A_735, %dma_wait3A_736, %dma_wait3A_737, %dma_wait3A_738] : memref<8x2x32x128xf32, #tpu.memory_space<vmem>> -> memref<1x1x32x128xf32, #tpu.memory_space<vmem>>
      %dma_wait3A_740 = tpu.memref_squeeze %dma_wait3A_739 : memref<1x1x32x128xf32, #tpu.memory_space<vmem>> -> memref<32x128xf32, #tpu.memory_space<vmem>>
      %dma_wait3A_741 = arith.constant 0 : i32
      %dma_wait3A_742 = arith.constant 0 : i32
      %dma_wait3A_743 = tpu.memref_slice %arg4[%dma_wait3A_741, %dma_wait3A_742] : memref<32x1000000xf32, #tpu.memory_space<hbm>> -> memref<32x128xf32, #tpu.memory_space<hbm>>
      %dma_wait3A_744 = arith.constant 0 : i32
      %dma_wait3A_745 = arith.constant 0 : i32
      %dma_wait3A_746 = tpu.memref_slice %arg9[%dma_wait3A_735, %dma_wait3A_736, %dma_wait3A_744, %dma_wait3A_745] : memref<8x2x32x128xf32, #tpu.memory_space<vmem>> -> memref<1x1x32x128xf32, #tpu.memory_space<vmem>>
      %dma_wait3A_747 = tpu.memref_squeeze %dma_wait3A_746 : memref<1x1x32x128xf32, #tpu.memory_space<vmem>> -> memref<32x128xf32, #tpu.memory_space<vmem>>
      %dma_wait3A_748 = arith.constant 0 : i32
      %dma_wait3A_749 = arith.constant 0 : i32
      %dma_wait3A_750 = tpu.memref_slice %arg4[%dma_wait3A_748, %dma_wait3A_749] : memref<32x1000000xf32, #tpu.memory_space<hbm>> -> memref<32x128xf32, #tpu.memory_space<hbm>>
      tpu.wait_dma2 semaphore(%arg12 : memref<!tpu.dma_semaphore, #tpu.memory_space<semaphore_mem>>) src(%dma_wait3A_750 : memref<32x128xf32, #tpu.memory_space<hbm>>) dst(%dma_wait3A_747 : memref<32x128xf32, #tpu.memory_space<vmem>>)
      %add3A_751 = arith.constant 8 : i32
      %add3A_752 = arith.addi %add3A_716, %add3A_751 : i32
      %sub3A_753 = arith.constant 1 : i32
      %sub3A_754 = arith.subi %add3A_752, %sub3A_753 : i32
      %lt3A = arith.constant 256 : i32
      %lt3A_755 = arith.cmpi slt, %sub3A_754, %lt3A : i32
      %convert_element_type3A = arith.extui %lt3A_755 : i1 to i32
      %cond3A = arith.constant 0 : i32
      %cond3A_756 = arith.cmpi ne, %convert_element_type3A, %cond3A : i32
      scf.if %cond3A_756 {
        %mul3A_1532 = arith.constant 2 : i32
        %mul3A_1533 = arith.muli %sub3A_754, %mul3A_1532 : i32
        %add3A_1534 = arith.constant 0 : i32
        %add3A_1535 = arith.addi %mul3A_1533, %add3A_1534 : i32
        %get3A_1536 = arith.index_cast %add3A_1535 : i32 to index
        %get3A_1537 = tpu.vector_load %arg8[%get3A_1536] {strides = array<i32>} : memref<528xi32, #tpu.memory_space<vmem>>, vector<16xi32>,
        %slice3A_1538 = vector.extract_strided_slice %get3A_1537 {offsets = [0], sizes = [1], strides = [1]} : vector<16xi32> to vector<1xi32>
        %squeeze3A_1539 = vector.extract %slice3A_1538[0] : i32 from vector<1xi32>
        %shift_right_arithmetic3A_1540 = arith.constant 7 : i32
        %shift_right_arithmetic3A_1541 = arith.shrsi %squeeze3A_1539, %shift_right_arithmetic3A_1540 : i32
        %mul3A_1542 = arith.constant 128 : i32
        %mul3A_1543 = arith.muli %shift_right_arithmetic3A_1541, %mul3A_1542 : i32
        %multiple_of3A_1544 = tpu.assume_multiple %mul3A_1543, 128 : i32
        %dma_start3A_1545 = arith.constant 7 : i32
        %dma_start3A_1546 = arith.constant 0 : i32
        %dma_start3A_1547 = arith.constant 0 : i32
        %dma_start3A_1548 = arith.constant 0 : i32
        %dma_start3A_1549 = tpu.memref_slice %arg9[%dma_start3A_1545, %dma_start3A_1546, %dma_start3A_1547, %dma_start3A_1548] : memref<8x2x32x128xf32, #tpu.memory_space<vmem>> -> memref<1x1x32x128xf32, #tpu.memory_space<vmem>>
        %dma_start3A_1550 = tpu.memref_squeeze %dma_start3A_1549 : memref<1x1x32x128xf32, #tpu.memory_space<vmem>> -> memref<32x128xf32, #tpu.memory_space<vmem>>
        %dma_start3A_1551 = arith.constant 0 : i32
        %dma_start3A_1552 = tpu.memref_slice %arg4[%dma_start3A_1551, %multiple_of3A_1544] : memref<32x1000000xf32, #tpu.memory_space<hbm>> -> memref<32x128xf32, #tpu.memory_space<hbm>>
        %dma_start3A_1553 = arith.constant 0 : i32
        %dma_start3A_1554 = arith.constant 0 : i32
        %dma_start3A_1555 = tpu.memref_slice %arg9[%dma_start3A_1545, %dma_start3A_1546, %dma_start3A_1553, %dma_start3A_1554] : memref<8x2x32x128xf32, #tpu.memory_space<vmem>> -> memref<1x1x32x128xf32, #tpu.memory_space<vmem>>
        %dma_start3A_1556 = tpu.memref_squeeze %dma_start3A_1555 : memref<1x1x32x128xf32, #tpu.memory_space<vmem>> -> memref<32x128xf32, #tpu.memory_space<vmem>>
        %dma_start3A_1557 = arith.constant 0 : i32
        %dma_start3A_1558 = tpu.memref_slice %arg4[%dma_start3A_1557, %multiple_of3A_1544] : memref<32x1000000xf32, #tpu.memory_space<hbm>> -> memref<32x128xf32, #tpu.memory_space<hbm>>
        tpu.enqueue_dma source(%dma_start3A_1558 : memref<32x128xf32, #tpu.memory_space<hbm>>) target(%dma_start3A_1556 : memref<32x128xf32, #tpu.memory_space<vmem>>) target_semaphore(%arg19 : memref<!tpu.dma_semaphore, #tpu.memory_space<semaphore_mem>>)
        %mul3A_1559 = arith.constant 2 : i32
        %mul3A_1560 = arith.muli %sub3A_754, %mul3A_1559 : i32
        %add3A_1561 = arith.constant 1 : i32
        %add3A_1562 = arith.addi %mul3A_1560, %add3A_1561 : i32
        %get3A_1563 = arith.index_cast %add3A_1562 : i32 to index
        %get3A_1564 = tpu.vector_load %arg8[%get3A_1563] {strides = array<i32>} : memref<528xi32, #tpu.memory_space<vmem>>, vector<16xi32>,
        %slice3A_1565 = vector.extract_strided_slice %get3A_1564 {offsets = [0], sizes = [1], strides = [1]} : vector<16xi32> to vector<1xi32>
        %squeeze3A_1566 = vector.extract %slice3A_1565[0] : i32 from vector<1xi32>
        %shift_right_arithmetic3A_1567 = arith.constant 7 : i32
        %shift_right_arithmetic3A_1568 = arith.shrsi %squeeze3A_1566, %shift_right_arithmetic3A_1567 : i32
        %mul3A_1569 = arith.constant 128 : i32
        %mul3A_1570 = arith.muli %shift_right_arithmetic3A_1568, %mul3A_1569 : i32
        %multiple_of3A_1571 = tpu.assume_multiple %mul3A_1570, 128 : i32
        %dma_start3A_1572 = arith.constant 7 : i32
        %dma_start3A_1573 = arith.constant 1 : i32
        %dma_start3A_1574 = arith.constant 0 : i32
        %dma_start3A_1575 = arith.constant 0 : i32
        %dma_start3A_1576 = tpu.memref_slice %arg9[%dma_start3A_1572, %dma_start3A_1573, %dma_start3A_1574, %dma_start3A_1575] : memref<8x2x32x128xf32, #tpu.memory_space<vmem>> -> memref<1x1x32x128xf32, #tpu.memory_space<vmem>>
        %dma_start3A_1577 = tpu.memref_squeeze %dma_start3A_1576 : memref<1x1x32x128xf32, #tpu.memory_space<vmem>> -> memref<32x128xf32, #tpu.memory_space<vmem>>
        %dma_start3A_1578 = arith.constant 0 : i32
        %dma_start3A_1579 = tpu.memref_slice %arg4[%dma_start3A_1578, %multiple_of3A_1571] : memref<32x1000000xf32, #tpu.memory_space<hbm>> -> memref<32x128xf32, #tpu.memory_space<hbm>>
        %dma_start3A_1580 = arith.constant 0 : i32
        %dma_start3A_1581 = arith.constant 0 : i32
        %dma_start3A_1582 = tpu.memref_slice %arg9[%dma_start3A_1572, %dma_start3A_1573, %dma_start3A_1580, %dma_start3A_1581] : memref<8x2x32x128xf32, #tpu.memory_space<vmem>> -> memref<1x1x32x128xf32, #tpu.memory_space<vmem>>
        %dma_start3A_1583 = tpu.memref_squeeze %dma_start3A_1582 : memref<1x1x32x128xf32, #tpu.memory_space<vmem>> -> memref<32x128xf32, #tpu.memory_space<vmem>>
        %dma_start3A_1584 = arith.constant 0 : i32
        %dma_start3A_1585 = tpu.memref_slice %arg4[%dma_start3A_1584, %multiple_of3A_1571] : memref<32x1000000xf32, #tpu.memory_space<hbm>> -> memref<32x128xf32, #tpu.memory_space<hbm>>
        tpu.enqueue_dma source(%dma_start3A_1585 : memref<32x128xf32, #tpu.memory_space<hbm>>) target(%dma_start3A_1583 : memref<32x128xf32, #tpu.memory_space<vmem>>) target_semaphore(%arg19 : memref<!tpu.dma_semaphore, #tpu.memory_space<semaphore_mem>>)
      } else {
      }
      %add3A_757 = arith.constant 0 : i32
      %add3A_758 = arith.addi %mul3A_718, %add3A_757 : i32
      %get3A_759 = arith.index_cast %add3A_758 : i32 to index
      %get3A_760 = tpu.vector_load %arg8[%get3A_759] {strides = array<i32>} : memref<528xi32, #tpu.memory_space<vmem>>, vector<16xi32>,
      %slice3A_761 = vector.extract_strided_slice %get3A_760 {offsets = [0], sizes = [1], strides = [1]} : vector<16xi32> to vector<1xi32>
      %squeeze3A_762 = vector.extract %slice3A_761[0] : i32 from vector<1xi32>
      %and3A = arith.constant 127 : i32
      %and3A_763 = arith.andi %squeeze3A_762, %and3A : i32
      %broadcast_in_dim3A = vector.broadcast %and3A_763 : i32 to vector<16xi32>
      %broadcast_in_dim3A_764 = arith.constant 0 : i32
      %broadcast_in_dim3A_765 = vector.broadcast %broadcast_in_dim3A_764 : i32 to vector<16xi32>
      %broadcast_in_dim3A_766 = arith.constant 0 : i32
      %broadcast_in_dim3A_767 = vector.broadcast %broadcast_in_dim3A_766 : i32 to vector<16xi32>
      %broadcast_in_dim3A_768 = vector.broadcast %add3A_758 : i32 to vector<16xi32>
      %add3A_769 = arith.constant 0 : i32
      %add3A_770 = vector.broadcast %add3A_769 : i32 to vector<16xi32>
      %add3A_771 = arith.addi %add3A_770, %iota3A : vector<16xi32>
      %gather3A_772 = tpu.vector_load_idx %arg9[%broadcast_in_dim3A_765, %broadcast_in_dim3A_767, %add3A_771, %broadcast_in_dim3A] : memref<8x2x32x128xf32, #tpu.memory_space<vmem>>[vector<16xi32>, vector<16xi32>, vector<16xi32>, vector<16xi32>], vector<16xf32>,
      %add3A_773 = arith.constant 0 : i32
      %add3A_774 = vector.broadcast %add3A_773 : i32 to vector<16xi32>
      %add3A_775 = arith.addi %add3A_774, %iota3A : vector<16xi32>
      tpu.vector_store_idx %arg10[%add3A_775, %broadcast_in_dim3A_768], %gather3A_772 : memref<32x512xf32, #tpu.memory_space<vmem>>[vector<16xi32>, vector<16xi32>], vector<16xf32>,
      %add3A_776 = arith.constant 16 : i32
      %add3A_777 = vector.broadcast %add3A_776 : i32 to vector<16xi32>
      %add3A_778 = arith.addi %add3A_777, %iota3A : vector<16xi32>
      %gather3A_779 = tpu.vector_load_idx %arg9[%broadcast_in_dim3A_765, %broadcast_in_dim3A_767, %add3A_778, %broadcast_in_dim3A] : memref<8x2x32x128xf32, #tpu.memory_space<vmem>>[vector<16xi32>, vector<16xi32>, vector<16xi32>, vector<16xi32>], vector<16xf32>,
      %add3A_780 = arith.constant 16 : i32
      %add3A_781 = vector.broadcast %add3A_780 : i32 to vector<16xi32>
      %add3A_782 = arith.addi %add3A_781, %iota3A : vector<16xi32>
      tpu.vector_store_idx %arg10[%add3A_782, %broadcast_in_dim3A_768], %gather3A_779 : memref<32x512xf32, #tpu.memory_space<vmem>>[vector<16xi32>, vector<16xi32>], vector<16xf32>,
      %add3A_783 = arith.constant 1 : i32
      %add3A_784 = arith.addi %mul3A_718, %add3A_783 : i32
      %get3A_785 = arith.index_cast %add3A_784 : i32 to index
      %get3A_786 = tpu.vector_load %arg8[%get3A_785] {strides = array<i32>} : memref<528xi32, #tpu.memory_space<vmem>>, vector<16xi32>,
      %slice3A_787 = vector.extract_strided_slice %get3A_786 {offsets = [0], sizes = [1], strides = [1]} : vector<16xi32> to vector<1xi32>
      %squeeze3A_788 = vector.extract %slice3A_787[0] : i32 from vector<1xi32>
      %and3A_789 = arith.constant 127 : i32
      %and3A_790 = arith.andi %squeeze3A_788, %and3A_789 : i32
      %broadcast_in_dim3A_791 = vector.broadcast %and3A_790 : i32 to vector<16xi32>
      %broadcast_in_dim3A_792 = arith.constant 0 : i32
      %broadcast_in_dim3A_793 = vector.broadcast %broadcast_in_dim3A_792 : i32 to vector<16xi32>
      %broadcast_in_dim3A_794 = arith.constant 1 : i32
      %broadcast_in_dim3A_795 = vector.broadcast %broadcast_in_dim3A_794 : i32 to vector<16xi32>
      %broadcast_in_dim3A_796 = vector.broadcast %add3A_784 : i32 to vector<16xi32>
      %add3A_797 = arith.constant 0 : i32
      %add3A_798 = vector.broadcast %add3A_797 : i32 to vector<16xi32>
      %add3A_799 = arith.addi %add3A_798, %iota3A : vector<16xi32>
      %gather3A_800 = tpu.vector_load_idx %arg9[%broadcast_in_dim3A_793, %broadcast_in_dim3A_795, %add3A_799, %broadcast_in_dim3A_791] : memref<8x2x32x128xf32, #tpu.memory_space<vmem>>[vector<16xi32>, vector<16xi32>, vector<16xi32>, vector<16xi32>], vector<16xf32>,
      %add3A_801 = arith.constant 0 : i32
      %add3A_802 = vector.broadcast %add3A_801 : i32 to vector<16xi32>
      %add3A_803 = arith.addi %add3A_802, %iota3A : vector<16xi32>
      tpu.vector_store_idx %arg10[%add3A_803, %broadcast_in_dim3A_796], %gather3A_800 : memref<32x512xf32, #tpu.memory_space<vmem>>[vector<16xi32>, vector<16xi32>], vector<16xf32>,
      %add3A_804 = arith.constant 16 : i32
      %add3A_805 = vector.broadcast %add3A_804 : i32 to vector<16xi32>
      %add3A_806 = arith.addi %add3A_805, %iota3A : vector<16xi32>
      %gather3A_807 = tpu.vector_load_idx %arg9[%broadcast_in_dim3A_793, %broadcast_in_dim3A_795, %add3A_806, %broadcast_in_dim3A_791] : memref<8x2x32x128xf32, #tpu.memory_space<vmem>>[vector<16xi32>, vector<16xi32>, vector<16xi32>, vector<16xi32>], vector<16xf32>,
      %add3A_808 = arith.constant 16 : i32
      %add3A_809 = vector.broadcast %add3A_808 : i32 to vector<16xi32>
      %add3A_810 = arith.addi %add3A_809, %iota3A : vector<16xi32>
      tpu.vector_store_idx %arg10[%add3A_810, %broadcast_in_dim3A_796], %gather3A_807 : memref<32x512xf32, #tpu.memory_space<vmem>>[vector<16xi32>, vector<16xi32>], vector<16xf32>,
      %mul3A_811 = arith.constant 8 : i32
      %mul3A_812 = arith.muli %scan3A_712, %mul3A_811 : i32
      %add3A_813 = arith.constant 1 : i32
      %add3A_814 = arith.addi %mul3A_812, %add3A_813 : i32
      %mul3A_815 = arith.constant 2 : i32
      %mul3A_816 = arith.muli %add3A_814, %mul3A_815 : i32
      %dma_wait3A_817 = arith.constant 1 : i32
      %dma_wait3A_818 = arith.constant 0 : i32
      %dma_wait3A_819 = arith.constant 0 : i32
      %dma_wait3A_820 = arith.constant 0 : i32
      %dma_wait3A_821 = tpu.memref_slice %arg9[%dma_wait3A_817, %dma_wait3A_818, %dma_wait3A_819, %dma_wait3A_820] : memref<8x2x32x128xf32, #tpu.memory_space<vmem>> -> memref<1x1x32x128xf32, #tpu.memory_space<vmem>>
      %dma_wait3A_822 = tpu.memref_squeeze %dma_wait3A_821 : memref<1x1x32x128xf32, #tpu.memory_space<vmem>> -> memref<32x128xf32, #tpu.memory_space<vmem>>
      %dma_wait3A_823 = arith.constant 0 : i32
      %dma_wait3A_824 = arith.constant 0 : i32
      %dma_wait3A_825 = tpu.memref_slice %arg4[%dma_wait3A_823, %dma_wait3A_824] : memref<32x1000000xf32, #tpu.memory_space<hbm>> -> memref<32x128xf32, #tpu.memory_space<hbm>>
      %dma_wait3A_826 = arith.constant 0 : i32
      %dma_wait3A_827 = arith.constant 0 : i32
      %dma_wait3A_828 = tpu.memref_slice %arg9[%dma_wait3A_817, %dma_wait3A_818, %dma_wait3A_826, %dma_wait3A_827] : memref<8x2x32x128xf32, #tpu.memory_space<vmem>> -> memref<1x1x32x128xf32, #tpu.memory_space<vmem>>
      %dma_wait3A_829 = tpu.memref_squeeze %dma_wait3A_828 : memref<1x1x32x128xf32, #tpu.memory_space<vmem>> -> memref<32x128xf32, #tpu.memory_space<vmem>>
      %dma_wait3A_830 = arith.constant 0 : i32
      %dma_wait3A_831 = arith.constant 0 : i32
      %dma_wait3A_832 = tpu.memref_slice %arg4[%dma_wait3A_830, %dma_wait3A_831] : memref<32x1000000xf32, #tpu.memory_space<hbm>> -> memref<32x128xf32, #tpu.memory_space<hbm>>
      tpu.wait_dma2 semaphore(%arg13 : memref<!tpu.dma_semaphore, #tpu.memory_space<semaphore_mem>>) src(%dma_wait3A_832 : memref<32x128xf32, #tpu.memory_space<hbm>>) dst(%dma_wait3A_829 : memref<32x128xf32, #tpu.memory_space<vmem>>)
      %dma_wait3A_833 = arith.constant 1 : i32
      %dma_wait3A_834 = arith.constant 1 : i32
      %dma_wait3A_835 = arith.constant 0 : i32
      %dma_wait3A_836 = arith.constant 0 : i32
      %dma_wait3A_837 = tpu.memref_slice %arg9[%dma_wait3A_833, %dma_wait3A_834, %dma_wait3A_835, %dma_wait3A_836] : memref<8x2x32x128xf32, #tpu.memory_space<vmem>> -> memref<1x1x32x128xf32, #tpu.memory_space<vmem>>
      %dma_wait3A_838 = tpu.memref_squeeze %dma_wait3A_837 : memref<1x1x32x128xf32, #tpu.memory_space<vmem>> -> memref<32x128xf32, #tpu.memory_space<vmem>>
      %dma_wait3A_839 = arith.constant 0 : i32
      %dma_wait3A_840 = arith.constant 0 : i32
      %dma_wait3A_841 = tpu.memref_slice %arg4[%dma_wait3A_839, %dma_wait3A_840] : memref<32x1000000xf32, #tpu.memory_space<hbm>> -> memref<32x128xf32, #tpu.memory_space<hbm>>
      %dma_wait3A_842 = arith.constant 0 : i32
      %dma_wait3A_843 = arith.constant 0 : i32
      %dma_wait3A_844 = tpu.memref_slice %arg9[%dma_wait3A_833, %dma_wait3A_834, %dma_wait3A_842, %dma_wait3A_843] : memref<8x2x32x128xf32, #tpu.memory_space<vmem>> -> memref<1x1x32x128xf32, #tpu.memory_space<vmem>>
      %dma_wait3A_845 = tpu.memref_squeeze %dma_wait3A_844 : memref<1x1x32x128xf32, #tpu.memory_space<vmem>> -> memref<32x128xf32, #tpu.memory_space<vmem>>
      %dma_wait3A_846 = arith.constant 0 : i32
      %dma_wait3A_847 = arith.constant 0 : i32
      %dma_wait3A_848 = tpu.memref_slice %arg4[%dma_wait3A_846, %dma_wait3A_847] : memref<32x1000000xf32, #tpu.memory_space<hbm>> -> memref<32x128xf32, #tpu.memory_space<hbm>>
      tpu.wait_dma2 semaphore(%arg13 : memref<!tpu.dma_semaphore, #tpu.memory_space<semaphore_mem>>) src(%dma_wait3A_848 : memref<32x128xf32, #tpu.memory_space<hbm>>) dst(%dma_wait3A_845 : memref<32x128xf32, #tpu.memory_space<vmem>>)
      %add3A_849 = arith.constant 8 : i32
      %add3A_850 = arith.addi %add3A_814, %add3A_849 : i32
      %sub3A_851 = arith.constant 1 : i32
      %sub3A_852 = arith.subi %add3A_850, %sub3A_851 : i32
      %lt3A_853 = arith.constant 256 : i32
      %lt3A_854 = arith.cmpi slt, %sub3A_852, %lt3A_853 : i32
      %convert_element_type3A_855 = arith.extui %lt3A_854 : i1 to i32
      %cond3A_856 = arith.constant 0 : i32
      %cond3A_857 = arith.cmpi ne, %convert_element_type3A_855, %cond3A_856 : i32
      scf.if %cond3A_857 {
        %mul3A_1532 = arith.constant 2 : i32
        %mul3A_1533 = arith.muli %sub3A_852, %mul3A_1532 : i32
        %add3A_1534 = arith.constant 0 : i32
        %add3A_1535 = arith.addi %mul3A_1533, %add3A_1534 : i32
        %get3A_1536 = arith.index_cast %add3A_1535 : i32 to index
        %get3A_1537 = tpu.vector_load %arg8[%get3A_1536] {strides = array<i32>} : memref<528xi32, #tpu.memory_space<vmem>>, vector<16xi32>,
        %slice3A_1538 = vector.extract_strided_slice %get3A_1537 {offsets = [0], sizes = [1], strides = [1]} : vector<16xi32> to vector<1xi32>
        %squeeze3A_1539 = vector.extract %slice3A_1538[0] : i32 from vector<1xi32>
        %shift_right_arithmetic3A_1540 = arith.constant 7 : i32
        %shift_right_arithmetic3A_1541 = arith.shrsi %squeeze3A_1539, %shift_right_arithmetic3A_1540 : i32
        %mul3A_1542 = arith.constant 128 : i32
        %mul3A_1543 = arith.muli %shift_right_arithmetic3A_1541, %mul3A_1542 : i32
        %multiple_of3A_1544 = tpu.assume_multiple %mul3A_1543, 128 : i32
        %dma_start3A_1545 = arith.constant 0 : i32
        %dma_start3A_1546 = arith.constant 0 : i32
        %dma_start3A_1547 = arith.constant 0 : i32
        %dma_start3A_1548 = arith.constant 0 : i32
        %dma_start3A_1549 = tpu.memref_slice %arg9[%dma_start3A_1545, %dma_start3A_1546, %dma_start3A_1547, %dma_start3A_1548] : memref<8x2x32x128xf32, #tpu.memory_space<vmem>> -> memref<1x1x32x128xf32, #tpu.memory_space<vmem>>
        %dma_start3A_1550 = tpu.memref_squeeze %dma_start3A_1549 : memref<1x1x32x128xf32, #tpu.memory_space<vmem>> -> memref<32x128xf32, #tpu.memory_space<vmem>>
        %dma_start3A_1551 = arith.constant 0 : i32
        %dma_start3A_1552 = tpu.memref_slice %arg4[%dma_start3A_1551, %multiple_of3A_1544] : memref<32x1000000xf32, #tpu.memory_space<hbm>> -> memref<32x128xf32, #tpu.memory_space<hbm>>
        %dma_start3A_1553 = arith.constant 0 : i32
        %dma_start3A_1554 = arith.constant 0 : i32
        %dma_start3A_1555 = tpu.memref_slice %arg9[%dma_start3A_1545, %dma_start3A_1546, %dma_start3A_1553, %dma_start3A_1554] : memref<8x2x32x128xf32, #tpu.memory_space<vmem>> -> memref<1x1x32x128xf32, #tpu.memory_space<vmem>>
        %dma_start3A_1556 = tpu.memref_squeeze %dma_start3A_1555 : memref<1x1x32x128xf32, #tpu.memory_space<vmem>> -> memref<32x128xf32, #tpu.memory_space<vmem>>
        %dma_start3A_1557 = arith.constant 0 : i32
        %dma_start3A_1558 = tpu.memref_slice %arg4[%dma_start3A_1557, %multiple_of3A_1544] : memref<32x1000000xf32, #tpu.memory_space<hbm>> -> memref<32x128xf32, #tpu.memory_space<hbm>>
        tpu.enqueue_dma source(%dma_start3A_1558 : memref<32x128xf32, #tpu.memory_space<hbm>>) target(%dma_start3A_1556 : memref<32x128xf32, #tpu.memory_space<vmem>>) target_semaphore(%arg12 : memref<!tpu.dma_semaphore, #tpu.memory_space<semaphore_mem>>)
        %mul3A_1559 = arith.constant 2 : i32
        %mul3A_1560 = arith.muli %sub3A_852, %mul3A_1559 : i32
        %add3A_1561 = arith.constant 1 : i32
        %add3A_1562 = arith.addi %mul3A_1560, %add3A_1561 : i32
        %get3A_1563 = arith.index_cast %add3A_1562 : i32 to index
        %get3A_1564 = tpu.vector_load %arg8[%get3A_1563] {strides = array<i32>} : memref<528xi32, #tpu.memory_space<vmem>>, vector<16xi32>,
        %slice3A_1565 = vector.extract_strided_slice %get3A_1564 {offsets = [0], sizes = [1], strides = [1]} : vector<16xi32> to vector<1xi32>
        %squeeze3A_1566 = vector.extract %slice3A_1565[0] : i32 from vector<1xi32>
        %shift_right_arithmetic3A_1567 = arith.constant 7 : i32
        %shift_right_arithmetic3A_1568 = arith.shrsi %squeeze3A_1566, %shift_right_arithmetic3A_1567 : i32
        %mul3A_1569 = arith.constant 128 : i32
        %mul3A_1570 = arith.muli %shift_right_arithmetic3A_1568, %mul3A_1569 : i32
        %multiple_of3A_1571 = tpu.assume_multiple %mul3A_1570, 128 : i32
        %dma_start3A_1572 = arith.constant 0 : i32
        %dma_start3A_1573 = arith.constant 1 : i32
        %dma_start3A_1574 = arith.constant 0 : i32
        %dma_start3A_1575 = arith.constant 0 : i32
        %dma_start3A_1576 = tpu.memref_slice %arg9[%dma_start3A_1572, %dma_start3A_1573, %dma_start3A_1574, %dma_start3A_1575] : memref<8x2x32x128xf32, #tpu.memory_space<vmem>> -> memref<1x1x32x128xf32, #tpu.memory_space<vmem>>
        %dma_start3A_1577 = tpu.memref_squeeze %dma_start3A_1576 : memref<1x1x32x128xf32, #tpu.memory_space<vmem>> -> memref<32x128xf32, #tpu.memory_space<vmem>>
        %dma_start3A_1578 = arith.constant 0 : i32
        %dma_start3A_1579 = tpu.memref_slice %arg4[%dma_start3A_1578, %multiple_of3A_1571] : memref<32x1000000xf32, #tpu.memory_space<hbm>> -> memref<32x128xf32, #tpu.memory_space<hbm>>
        %dma_start3A_1580 = arith.constant 0 : i32
        %dma_start3A_1581 = arith.constant 0 : i32
        %dma_start3A_1582 = tpu.memref_slice %arg9[%dma_start3A_1572, %dma_start3A_1573, %dma_start3A_1580, %dma_start3A_1581] : memref<8x2x32x128xf32, #tpu.memory_space<vmem>> -> memref<1x1x32x128xf32, #tpu.memory_space<vmem>>
        %dma_start3A_1583 = tpu.memref_squeeze %dma_start3A_1582 : memref<1x1x32x128xf32, #tpu.memory_space<vmem>> -> memref<32x128xf32, #tpu.memory_space<vmem>>
        %dma_start3A_1584 = arith.constant 0 : i32
        %dma_start3A_1585 = tpu.memref_slice %arg4[%dma_start3A_1584, %multiple_of3A_1571] : memref<32x1000000xf32, #tpu.memory_space<hbm>> -> memref<32x128xf32, #tpu.memory_space<hbm>>
        tpu.enqueue_dma source(%dma_start3A_1585 : memref<32x128xf32, #tpu.memory_space<hbm>>) target(%dma_start3A_1583 : memref<32x128xf32, #tpu.memory_space<vmem>>) target_semaphore(%arg12 : memref<!tpu.dma_semaphore, #tpu.memory_space<semaphore_mem>>)
      } else {
      }
      %add3A_858 = arith.constant 0 : i32
      %add3A_859 = arith.addi %mul3A_816, %add3A_858 : i32
      %get3A_860 = arith.index_cast %add3A_859 : i32 to index
      %get3A_861 = tpu.vector_load %arg8[%get3A_860] {strides = array<i32>} : memref<528xi32, #tpu.memory_space<vmem>>, vector<16xi32>,
      %slice3A_862 = vector.extract_strided_slice %get3A_861 {offsets = [0], sizes = [1], strides = [1]} : vector<16xi32> to vector<1xi32>
      %squeeze3A_863 = vector.extract %slice3A_862[0] : i32 from vector<1xi32>
      %and3A_864 = arith.constant 127 : i32
      %and3A_865 = arith.andi %squeeze3A_863, %and3A_864 : i32
      %broadcast_in_dim3A_866 = vector.broadcast %and3A_865 : i32 to vector<16xi32>
      %broadcast_in_dim3A_867 = arith.constant 1 : i32
      %broadcast_in_dim3A_868 = vector.broadcast %broadcast_in_dim3A_867 : i32 to vector<16xi32>
      %broadcast_in_dim3A_869 = arith.constant 0 : i32
      %broadcast_in_dim3A_870 = vector.broadcast %broadcast_in_dim3A_869 : i32 to vector<16xi32>
      %broadcast_in_dim3A_871 = vector.broadcast %add3A_859 : i32 to vector<16xi32>
      %add3A_872 = arith.constant 0 : i32
      %add3A_873 = vector.broadcast %add3A_872 : i32 to vector<16xi32>
      %add3A_874 = arith.addi %add3A_873, %iota3A : vector<16xi32>
      %gather3A_875 = tpu.vector_load_idx %arg9[%broadcast_in_dim3A_868, %broadcast_in_dim3A_870, %add3A_874, %broadcast_in_dim3A_866] : memref<8x2x32x128xf32, #tpu.memory_space<vmem>>[vector<16xi32>, vector<16xi32>, vector<16xi32>, vector<16xi32>], vector<16xf32>,
      %add3A_876 = arith.constant 0 : i32
      %add3A_877 = vector.broadcast %add3A_876 : i32 to vector<16xi32>
      %add3A_878 = arith.addi %add3A_877, %iota3A : vector<16xi32>
      tpu.vector_store_idx %arg10[%add3A_878, %broadcast_in_dim3A_871], %gather3A_875 : memref<32x512xf32, #tpu.memory_space<vmem>>[vector<16xi32>, vector<16xi32>], vector<16xf32>,
      %add3A_879 = arith.constant 16 : i32
      %add3A_880 = vector.broadcast %add3A_879 : i32 to vector<16xi32>
      %add3A_881 = arith.addi %add3A_880, %iota3A : vector<16xi32>
      %gather3A_882 = tpu.vector_load_idx %arg9[%broadcast_in_dim3A_868, %broadcast_in_dim3A_870, %add3A_881, %broadcast_in_dim3A_866] : memref<8x2x32x128xf32, #tpu.memory_space<vmem>>[vector<16xi32>, vector<16xi32>, vector<16xi32>, vector<16xi32>], vector<16xf32>,
      %add3A_883 = arith.constant 16 : i32
      %add3A_884 = vector.broadcast %add3A_883 : i32 to vector<16xi32>
      %add3A_885 = arith.addi %add3A_884, %iota3A : vector<16xi32>
      tpu.vector_store_idx %arg10[%add3A_885, %broadcast_in_dim3A_871], %gather3A_882 : memref<32x512xf32, #tpu.memory_space<vmem>>[vector<16xi32>, vector<16xi32>], vector<16xf32>,
      %add3A_886 = arith.constant 1 : i32
      %add3A_887 = arith.addi %mul3A_816, %add3A_886 : i32
      %get3A_888 = arith.index_cast %add3A_887 : i32 to index
      %get3A_889 = tpu.vector_load %arg8[%get3A_888] {strides = array<i32>} : memref<528xi32, #tpu.memory_space<vmem>>, vector<16xi32>,
      %slice3A_890 = vector.extract_strided_slice %get3A_889 {offsets = [0], sizes = [1], strides = [1]} : vector<16xi32> to vector<1xi32>
      %squeeze3A_891 = vector.extract %slice3A_890[0] : i32 from vector<1xi32>
      %and3A_892 = arith.constant 127 : i32
      %and3A_893 = arith.andi %squeeze3A_891, %and3A_892 : i32
      %broadcast_in_dim3A_894 = vector.broadcast %and3A_893 : i32 to vector<16xi32>
      %broadcast_in_dim3A_895 = arith.constant 1 : i32
      %broadcast_in_dim3A_896 = vector.broadcast %broadcast_in_dim3A_895 : i32 to vector<16xi32>
      %broadcast_in_dim3A_897 = arith.constant 1 : i32
      %broadcast_in_dim3A_898 = vector.broadcast %broadcast_in_dim3A_897 : i32 to vector<16xi32>
      %broadcast_in_dim3A_899 = vector.broadcast %add3A_887 : i32 to vector<16xi32>
      %add3A_900 = arith.constant 0 : i32
      %add3A_901 = vector.broadcast %add3A_900 : i32 to vector<16xi32>
      %add3A_902 = arith.addi %add3A_901, %iota3A : vector<16xi32>
      %gather3A_903 = tpu.vector_load_idx %arg9[%broadcast_in_dim3A_896, %broadcast_in_dim3A_898, %add3A_902, %broadcast_in_dim3A_894] : memref<8x2x32x128xf32, #tpu.memory_space<vmem>>[vector<16xi32>, vector<16xi32>, vector<16xi32>, vector<16xi32>], vector<16xf32>,
      %add3A_904 = arith.constant 0 : i32
      %add3A_905 = vector.broadcast %add3A_904 : i32 to vector<16xi32>
      %add3A_906 = arith.addi %add3A_905, %iota3A : vector<16xi32>
      tpu.vector_store_idx %arg10[%add3A_906, %broadcast_in_dim3A_899], %gather3A_903 : memref<32x512xf32, #tpu.memory_space<vmem>>[vector<16xi32>, vector<16xi32>], vector<16xf32>,
      %add3A_907 = arith.constant 16 : i32
      %add3A_908 = vector.broadcast %add3A_907 : i32 to vector<16xi32>
      %add3A_909 = arith.addi %add3A_908, %iota3A : vector<16xi32>
      %gather3A_910 = tpu.vector_load_idx %arg9[%broadcast_in_dim3A_896, %broadcast_in_dim3A_898, %add3A_909, %broadcast_in_dim3A_894] : memref<8x2x32x128xf32, #tpu.memory_space<vmem>>[vector<16xi32>, vector<16xi32>, vector<16xi32>, vector<16xi32>], vector<16xf32>,
      %add3A_911 = arith.constant 16 : i32
      %add3A_912 = vector.broadcast %add3A_911 : i32 to vector<16xi32>
      %add3A_913 = arith.addi %add3A_912, %iota3A : vector<16xi32>
      tpu.vector_store_idx %arg10[%add3A_913, %broadcast_in_dim3A_899], %gather3A_910 : memref<32x512xf32, #tpu.memory_space<vmem>>[vector<16xi32>, vector<16xi32>], vector<16xf32>,
      %mul3A_914 = arith.constant 8 : i32
      %mul3A_915 = arith.muli %scan3A_712, %mul3A_914 : i32
      %add3A_916 = arith.constant 2 : i32
      %add3A_917 = arith.addi %mul3A_915, %add3A_916 : i32
      %mul3A_918 = arith.constant 2 : i32
      %mul3A_919 = arith.muli %add3A_917, %mul3A_918 : i32
      %dma_wait3A_920 = arith.constant 2 : i32
      %dma_wait3A_921 = arith.constant 0 : i32
      %dma_wait3A_922 = arith.constant 0 : i32
      %dma_wait3A_923 = arith.constant 0 : i32
      %dma_wait3A_924 = tpu.memref_slice %arg9[%dma_wait3A_920, %dma_wait3A_921, %dma_wait3A_922, %dma_wait3A_923] : memref<8x2x32x128xf32, #tpu.memory_space<vmem>> -> memref<1x1x32x128xf32, #tpu.memory_space<vmem>>
      %dma_wait3A_925 = tpu.memref_squeeze %dma_wait3A_924 : memref<1x1x32x128xf32, #tpu.memory_space<vmem>> -> memref<32x128xf32, #tpu.memory_space<vmem>>
      %dma_wait3A_926 = arith.constant 0 : i32
      %dma_wait3A_927 = arith.constant 0 : i32
      %dma_wait3A_928 = tpu.memref_slice %arg4[%dma_wait3A_926, %dma_wait3A_927] : memref<32x1000000xf32, #tpu.memory_space<hbm>> -> memref<32x128xf32, #tpu.memory_space<hbm>>
      %dma_wait3A_929 = arith.constant 0 : i32
      %dma_wait3A_930 = arith.constant 0 : i32
      %dma_wait3A_931 = tpu.memref_slice %arg9[%dma_wait3A_920, %dma_wait3A_921, %dma_wait3A_929, %dma_wait3A_930] : memref<8x2x32x128xf32, #tpu.memory_space<vmem>> -> memref<1x1x32x128xf32, #tpu.memory_space<vmem>>
      %dma_wait3A_932 = tpu.memref_squeeze %dma_wait3A_931 : memref<1x1x32x128xf32, #tpu.memory_space<vmem>> -> memref<32x128xf32, #tpu.memory_space<vmem>>
      %dma_wait3A_933 = arith.constant 0 : i32
      %dma_wait3A_934 = arith.constant 0 : i32
      %dma_wait3A_935 = tpu.memref_slice %arg4[%dma_wait3A_933, %dma_wait3A_934] : memref<32x1000000xf32, #tpu.memory_space<hbm>> -> memref<32x128xf32, #tpu.memory_space<hbm>>
      tpu.wait_dma2 semaphore(%arg14 : memref<!tpu.dma_semaphore, #tpu.memory_space<semaphore_mem>>) src(%dma_wait3A_935 : memref<32x128xf32, #tpu.memory_space<hbm>>) dst(%dma_wait3A_932 : memref<32x128xf32, #tpu.memory_space<vmem>>)
      %dma_wait3A_936 = arith.constant 2 : i32
      %dma_wait3A_937 = arith.constant 1 : i32
      %dma_wait3A_938 = arith.constant 0 : i32
      %dma_wait3A_939 = arith.constant 0 : i32
      %dma_wait3A_940 = tpu.memref_slice %arg9[%dma_wait3A_936, %dma_wait3A_937, %dma_wait3A_938, %dma_wait3A_939] : memref<8x2x32x128xf32, #tpu.memory_space<vmem>> -> memref<1x1x32x128xf32, #tpu.memory_space<vmem>>
      %dma_wait3A_941 = tpu.memref_squeeze %dma_wait3A_940 : memref<1x1x32x128xf32, #tpu.memory_space<vmem>> -> memref<32x128xf32, #tpu.memory_space<vmem>>
      %dma_wait3A_942 = arith.constant 0 : i32
      %dma_wait3A_943 = arith.constant 0 : i32
      %dma_wait3A_944 = tpu.memref_slice %arg4[%dma_wait3A_942, %dma_wait3A_943] : memref<32x1000000xf32, #tpu.memory_space<hbm>> -> memref<32x128xf32, #tpu.memory_space<hbm>>
      %dma_wait3A_945 = arith.constant 0 : i32
      %dma_wait3A_946 = arith.constant 0 : i32
      %dma_wait3A_947 = tpu.memref_slice %arg9[%dma_wait3A_936, %dma_wait3A_937, %dma_wait3A_945, %dma_wait3A_946] : memref<8x2x32x128xf32, #tpu.memory_space<vmem>> -> memref<1x1x32x128xf32, #tpu.memory_space<vmem>>
      %dma_wait3A_948 = tpu.memref_squeeze %dma_wait3A_947 : memref<1x1x32x128xf32, #tpu.memory_space<vmem>> -> memref<32x128xf32, #tpu.memory_space<vmem>>
      %dma_wait3A_949 = arith.constant 0 : i32
      %dma_wait3A_950 = arith.constant 0 : i32
      %dma_wait3A_951 = tpu.memref_slice %arg4[%dma_wait3A_949, %dma_wait3A_950] : memref<32x1000000xf32, #tpu.memory_space<hbm>> -> memref<32x128xf32, #tpu.memory_space<hbm>>
      tpu.wait_dma2 semaphore(%arg14 : memref<!tpu.dma_semaphore, #tpu.memory_space<semaphore_mem>>) src(%dma_wait3A_951 : memref<32x128xf32, #tpu.memory_space<hbm>>) dst(%dma_wait3A_948 : memref<32x128xf32, #tpu.memory_space<vmem>>)
      %add3A_952 = arith.constant 8 : i32
      %add3A_953 = arith.addi %add3A_917, %add3A_952 : i32
      %sub3A_954 = arith.constant 1 : i32
      %sub3A_955 = arith.subi %add3A_953, %sub3A_954 : i32
      %lt3A_956 = arith.constant 256 : i32
      %lt3A_957 = arith.cmpi slt, %sub3A_955, %lt3A_956 : i32
      %convert_element_type3A_958 = arith.extui %lt3A_957 : i1 to i32
      %cond3A_959 = arith.constant 0 : i32
      %cond3A_960 = arith.cmpi ne, %convert_element_type3A_958, %cond3A_959 : i32
      scf.if %cond3A_960 {
        %mul3A_1532 = arith.constant 2 : i32
        %mul3A_1533 = arith.muli %sub3A_955, %mul3A_1532 : i32
        %add3A_1534 = arith.constant 0 : i32
        %add3A_1535 = arith.addi %mul3A_1533, %add3A_1534 : i32
        %get3A_1536 = arith.index_cast %add3A_1535 : i32 to index
        %get3A_1537 = tpu.vector_load %arg8[%get3A_1536] {strides = array<i32>} : memref<528xi32, #tpu.memory_space<vmem>>, vector<16xi32>,
        %slice3A_1538 = vector.extract_strided_slice %get3A_1537 {offsets = [0], sizes = [1], strides = [1]} : vector<16xi32> to vector<1xi32>
        %squeeze3A_1539 = vector.extract %slice3A_1538[0] : i32 from vector<1xi32>
        %shift_right_arithmetic3A_1540 = arith.constant 7 : i32
        %shift_right_arithmetic3A_1541 = arith.shrsi %squeeze3A_1539, %shift_right_arithmetic3A_1540 : i32
        %mul3A_1542 = arith.constant 128 : i32
        %mul3A_1543 = arith.muli %shift_right_arithmetic3A_1541, %mul3A_1542 : i32
        %multiple_of3A_1544 = tpu.assume_multiple %mul3A_1543, 128 : i32
        %dma_start3A_1545 = arith.constant 1 : i32
        %dma_start3A_1546 = arith.constant 0 : i32
        %dma_start3A_1547 = arith.constant 0 : i32
        %dma_start3A_1548 = arith.constant 0 : i32
        %dma_start3A_1549 = tpu.memref_slice %arg9[%dma_start3A_1545, %dma_start3A_1546, %dma_start3A_1547, %dma_start3A_1548] : memref<8x2x32x128xf32, #tpu.memory_space<vmem>> -> memref<1x1x32x128xf32, #tpu.memory_space<vmem>>
        %dma_start3A_1550 = tpu.memref_squeeze %dma_start3A_1549 : memref<1x1x32x128xf32, #tpu.memory_space<vmem>> -> memref<32x128xf32, #tpu.memory_space<vmem>>
        %dma_start3A_1551 = arith.constant 0 : i32
        %dma_start3A_1552 = tpu.memref_slice %arg4[%dma_start3A_1551, %multiple_of3A_1544] : memref<32x1000000xf32, #tpu.memory_space<hbm>> -> memref<32x128xf32, #tpu.memory_space<hbm>>
        %dma_start3A_1553 = arith.constant 0 : i32
        %dma_start3A_1554 = arith.constant 0 : i32
        %dma_start3A_1555 = tpu.memref_slice %arg9[%dma_start3A_1545, %dma_start3A_1546, %dma_start3A_1553, %dma_start3A_1554] : memref<8x2x32x128xf32, #tpu.memory_space<vmem>> -> memref<1x1x32x128xf32, #tpu.memory_space<vmem>>
        %dma_start3A_1556 = tpu.memref_squeeze %dma_start3A_1555 : memref<1x1x32x128xf32, #tpu.memory_space<vmem>> -> memref<32x128xf32, #tpu.memory_space<vmem>>
        %dma_start3A_1557 = arith.constant 0 : i32
        %dma_start3A_1558 = tpu.memref_slice %arg4[%dma_start3A_1557, %multiple_of3A_1544] : memref<32x1000000xf32, #tpu.memory_space<hbm>> -> memref<32x128xf32, #tpu.memory_space<hbm>>
        tpu.enqueue_dma source(%dma_start3A_1558 : memref<32x128xf32, #tpu.memory_space<hbm>>) target(%dma_start3A_1556 : memref<32x128xf32, #tpu.memory_space<vmem>>) target_semaphore(%arg13 : memref<!tpu.dma_semaphore, #tpu.memory_space<semaphore_mem>>)
        %mul3A_1559 = arith.constant 2 : i32
        %mul3A_1560 = arith.muli %sub3A_955, %mul3A_1559 : i32
        %add3A_1561 = arith.constant 1 : i32
        %add3A_1562 = arith.addi %mul3A_1560, %add3A_1561 : i32
        %get3A_1563 = arith.index_cast %add3A_1562 : i32 to index
        %get3A_1564 = tpu.vector_load %arg8[%get3A_1563] {strides = array<i32>} : memref<528xi32, #tpu.memory_space<vmem>>, vector<16xi32>,
        %slice3A_1565 = vector.extract_strided_slice %get3A_1564 {offsets = [0], sizes = [1], strides = [1]} : vector<16xi32> to vector<1xi32>
        %squeeze3A_1566 = vector.extract %slice3A_1565[0] : i32 from vector<1xi32>
        %shift_right_arithmetic3A_1567 = arith.constant 7 : i32
        %shift_right_arithmetic3A_1568 = arith.shrsi %squeeze3A_1566, %shift_right_arithmetic3A_1567 : i32
        %mul3A_1569 = arith.constant 128 : i32
        %mul3A_1570 = arith.muli %shift_right_arithmetic3A_1568, %mul3A_1569 : i32
        %multiple_of3A_1571 = tpu.assume_multiple %mul3A_1570, 128 : i32
        %dma_start3A_1572 = arith.constant 1 : i32
        %dma_start3A_1573 = arith.constant 1 : i32
        %dma_start3A_1574 = arith.constant 0 : i32
        %dma_start3A_1575 = arith.constant 0 : i32
        %dma_start3A_1576 = tpu.memref_slice %arg9[%dma_start3A_1572, %dma_start3A_1573, %dma_start3A_1574, %dma_start3A_1575] : memref<8x2x32x128xf32, #tpu.memory_space<vmem>> -> memref<1x1x32x128xf32, #tpu.memory_space<vmem>>
        %dma_start3A_1577 = tpu.memref_squeeze %dma_start3A_1576 : memref<1x1x32x128xf32, #tpu.memory_space<vmem>> -> memref<32x128xf32, #tpu.memory_space<vmem>>
        %dma_start3A_1578 = arith.constant 0 : i32
        %dma_start3A_1579 = tpu.memref_slice %arg4[%dma_start3A_1578, %multiple_of3A_1571] : memref<32x1000000xf32, #tpu.memory_space<hbm>> -> memref<32x128xf32, #tpu.memory_space<hbm>>
        %dma_start3A_1580 = arith.constant 0 : i32
        %dma_start3A_1581 = arith.constant 0 : i32
        %dma_start3A_1582 = tpu.memref_slice %arg9[%dma_start3A_1572, %dma_start3A_1573, %dma_start3A_1580, %dma_start3A_1581] : memref<8x2x32x128xf32, #tpu.memory_space<vmem>> -> memref<1x1x32x128xf32, #tpu.memory_space<vmem>>
        %dma_start3A_1583 = tpu.memref_squeeze %dma_start3A_1582 : memref<1x1x32x128xf32, #tpu.memory_space<vmem>> -> memref<32x128xf32, #tpu.memory_space<vmem>>
        %dma_start3A_1584 = arith.constant 0 : i32
        %dma_start3A_1585 = tpu.memref_slice %arg4[%dma_start3A_1584, %multiple_of3A_1571] : memref<32x1000000xf32, #tpu.memory_space<hbm>> -> memref<32x128xf32, #tpu.memory_space<hbm>>
        tpu.enqueue_dma source(%dma_start3A_1585 : memref<32x128xf32, #tpu.memory_space<hbm>>) target(%dma_start3A_1583 : memref<32x128xf32, #tpu.memory_space<vmem>>) target_semaphore(%arg13 : memref<!tpu.dma_semaphore, #tpu.memory_space<semaphore_mem>>)
      } else {
      }
      %add3A_961 = arith.constant 0 : i32
      %add3A_962 = arith.addi %mul3A_919, %add3A_961 : i32
      %get3A_963 = arith.index_cast %add3A_962 : i32 to index
      %get3A_964 = tpu.vector_load %arg8[%get3A_963] {strides = array<i32>} : memref<528xi32, #tpu.memory_space<vmem>>, vector<16xi32>,
      %slice3A_965 = vector.extract_strided_slice %get3A_964 {offsets = [0], sizes = [1], strides = [1]} : vector<16xi32> to vector<1xi32>
      %squeeze3A_966 = vector.extract %slice3A_965[0] : i32 from vector<1xi32>
      %and3A_967 = arith.constant 127 : i32
      %and3A_968 = arith.andi %squeeze3A_966, %and3A_967 : i32
      %broadcast_in_dim3A_969 = vector.broadcast %and3A_968 : i32 to vector<16xi32>
      %broadcast_in_dim3A_970 = arith.constant 2 : i32
      %broadcast_in_dim3A_971 = vector.broadcast %broadcast_in_dim3A_970 : i32 to vector<16xi32>
      %broadcast_in_dim3A_972 = arith.constant 0 : i32
      %broadcast_in_dim3A_973 = vector.broadcast %broadcast_in_dim3A_972 : i32 to vector<16xi32>
      %broadcast_in_dim3A_974 = vector.broadcast %add3A_962 : i32 to vector<16xi32>
      %add3A_975 = arith.constant 0 : i32
      %add3A_976 = vector.broadcast %add3A_975 : i32 to vector<16xi32>
      %add3A_977 = arith.addi %add3A_976, %iota3A : vector<16xi32>
      %gather3A_978 = tpu.vector_load_idx %arg9[%broadcast_in_dim3A_971, %broadcast_in_dim3A_973, %add3A_977, %broadcast_in_dim3A_969] : memref<8x2x32x128xf32, #tpu.memory_space<vmem>>[vector<16xi32>, vector<16xi32>, vector<16xi32>, vector<16xi32>], vector<16xf32>,
      %add3A_979 = arith.constant 0 : i32
      %add3A_980 = vector.broadcast %add3A_979 : i32 to vector<16xi32>
      %add3A_981 = arith.addi %add3A_980, %iota3A : vector<16xi32>
      tpu.vector_store_idx %arg10[%add3A_981, %broadcast_in_dim3A_974], %gather3A_978 : memref<32x512xf32, #tpu.memory_space<vmem>>[vector<16xi32>, vector<16xi32>], vector<16xf32>,
      %add3A_982 = arith.constant 16 : i32
      %add3A_983 = vector.broadcast %add3A_982 : i32 to vector<16xi32>
      %add3A_984 = arith.addi %add3A_983, %iota3A : vector<16xi32>
      %gather3A_985 = tpu.vector_load_idx %arg9[%broadcast_in_dim3A_971, %broadcast_in_dim3A_973, %add3A_984, %broadcast_in_dim3A_969] : memref<8x2x32x128xf32, #tpu.memory_space<vmem>>[vector<16xi32>, vector<16xi32>, vector<16xi32>, vector<16xi32>], vector<16xf32>,
      %add3A_986 = arith.constant 16 : i32
      %add3A_987 = vector.broadcast %add3A_986 : i32 to vector<16xi32>
      %add3A_988 = arith.addi %add3A_987, %iota3A : vector<16xi32>
      tpu.vector_store_idx %arg10[%add3A_988, %broadcast_in_dim3A_974], %gather3A_985 : memref<32x512xf32, #tpu.memory_space<vmem>>[vector<16xi32>, vector<16xi32>], vector<16xf32>,
      %add3A_989 = arith.constant 1 : i32
      %add3A_990 = arith.addi %mul3A_919, %add3A_989 : i32
      %get3A_991 = arith.index_cast %add3A_990 : i32 to index
      %get3A_992 = tpu.vector_load %arg8[%get3A_991] {strides = array<i32>} : memref<528xi32, #tpu.memory_space<vmem>>, vector<16xi32>,
      %slice3A_993 = vector.extract_strided_slice %get3A_992 {offsets = [0], sizes = [1], strides = [1]} : vector<16xi32> to vector<1xi32>
      %squeeze3A_994 = vector.extract %slice3A_993[0] : i32 from vector<1xi32>
      %and3A_995 = arith.constant 127 : i32
      %and3A_996 = arith.andi %squeeze3A_994, %and3A_995 : i32
      %broadcast_in_dim3A_997 = vector.broadcast %and3A_996 : i32 to vector<16xi32>
      %broadcast_in_dim3A_998 = arith.constant 2 : i32
      %broadcast_in_dim3A_999 = vector.broadcast %broadcast_in_dim3A_998 : i32 to vector<16xi32>
      %broadcast_in_dim3A_1000 = arith.constant 1 : i32
      %broadcast_in_dim3A_1001 = vector.broadcast %broadcast_in_dim3A_1000 : i32 to vector<16xi32>
      %broadcast_in_dim3A_1002 = vector.broadcast %add3A_990 : i32 to vector<16xi32>
      %add3A_1003 = arith.constant 0 : i32
      %add3A_1004 = vector.broadcast %add3A_1003 : i32 to vector<16xi32>
      %add3A_1005 = arith.addi %add3A_1004, %iota3A : vector<16xi32>
      %gather3A_1006 = tpu.vector_load_idx %arg9[%broadcast_in_dim3A_999, %broadcast_in_dim3A_1001, %add3A_1005, %broadcast_in_dim3A_997] : memref<8x2x32x128xf32, #tpu.memory_space<vmem>>[vector<16xi32>, vector<16xi32>, vector<16xi32>, vector<16xi32>], vector<16xf32>,
      %add3A_1007 = arith.constant 0 : i32
      %add3A_1008 = vector.broadcast %add3A_1007 : i32 to vector<16xi32>
      %add3A_1009 = arith.addi %add3A_1008, %iota3A : vector<16xi32>
      tpu.vector_store_idx %arg10[%add3A_1009, %broadcast_in_dim3A_1002], %gather3A_1006 : memref<32x512xf32, #tpu.memory_space<vmem>>[vector<16xi32>, vector<16xi32>], vector<16xf32>,
      %add3A_1010 = arith.constant 16 : i32
      %add3A_1011 = vector.broadcast %add3A_1010 : i32 to vector<16xi32>
      %add3A_1012 = arith.addi %add3A_1011, %iota3A : vector<16xi32>
      %gather3A_1013 = tpu.vector_load_idx %arg9[%broadcast_in_dim3A_999, %broadcast_in_dim3A_1001, %add3A_1012, %broadcast_in_dim3A_997] : memref<8x2x32x128xf32, #tpu.memory_space<vmem>>[vector<16xi32>, vector<16xi32>, vector<16xi32>, vector<16xi32>], vector<16xf32>,
      %add3A_1014 = arith.constant 16 : i32
      %add3A_1015 = vector.broadcast %add3A_1014 : i32 to vector<16xi32>
      %add3A_1016 = arith.addi %add3A_1015, %iota3A : vector<16xi32>
      tpu.vector_store_idx %arg10[%add3A_1016, %broadcast_in_dim3A_1002], %gather3A_1013 : memref<32x512xf32, #tpu.memory_space<vmem>>[vector<16xi32>, vector<16xi32>], vector<16xf32>,
      %mul3A_1017 = arith.constant 8 : i32
      %mul3A_1018 = arith.muli %scan3A_712, %mul3A_1017 : i32
      %add3A_1019 = arith.constant 3 : i32
      %add3A_1020 = arith.addi %mul3A_1018, %add3A_1019 : i32
      %mul3A_1021 = arith.constant 2 : i32
      %mul3A_1022 = arith.muli %add3A_1020, %mul3A_1021 : i32
      %dma_wait3A_1023 = arith.constant 3 : i32
      %dma_wait3A_1024 = arith.constant 0 : i32
      %dma_wait3A_1025 = arith.constant 0 : i32
      %dma_wait3A_1026 = arith.constant 0 : i32
      %dma_wait3A_1027 = tpu.memref_slice %arg9[%dma_wait3A_1023, %dma_wait3A_1024, %dma_wait3A_1025, %dma_wait3A_1026] : memref<8x2x32x128xf32, #tpu.memory_space<vmem>> -> memref<1x1x32x128xf32, #tpu.memory_space<vmem>>
      %dma_wait3A_1028 = tpu.memref_squeeze %dma_wait3A_1027 : memref<1x1x32x128xf32, #tpu.memory_space<vmem>> -> memref<32x128xf32, #tpu.memory_space<vmem>>
      %dma_wait3A_1029 = arith.constant 0 : i32
      %dma_wait3A_1030 = arith.constant 0 : i32
      %dma_wait3A_1031 = tpu.memref_slice %arg4[%dma_wait3A_1029, %dma_wait3A_1030] : memref<32x1000000xf32, #tpu.memory_space<hbm>> -> memref<32x128xf32, #tpu.memory_space<hbm>>
      %dma_wait3A_1032 = arith.constant 0 : i32
      %dma_wait3A_1033 = arith.constant 0 : i32
      %dma_wait3A_1034 = tpu.memref_slice %arg9[%dma_wait3A_1023, %dma_wait3A_1024, %dma_wait3A_1032, %dma_wait3A_1033] : memref<8x2x32x128xf32, #tpu.memory_space<vmem>> -> memref<1x1x32x128xf32, #tpu.memory_space<vmem>>
      %dma_wait3A_1035 = tpu.memref_squeeze %dma_wait3A_1034 : memref<1x1x32x128xf32, #tpu.memory_space<vmem>> -> memref<32x128xf32, #tpu.memory_space<vmem>>
      %dma_wait3A_1036 = arith.constant 0 : i32
      %dma_wait3A_1037 = arith.constant 0 : i32
      %dma_wait3A_1038 = tpu.memref_slice %arg4[%dma_wait3A_1036, %dma_wait3A_1037] : memref<32x1000000xf32, #tpu.memory_space<hbm>> -> memref<32x128xf32, #tpu.memory_space<hbm>>
      tpu.wait_dma2 semaphore(%arg15 : memref<!tpu.dma_semaphore, #tpu.memory_space<semaphore_mem>>) src(%dma_wait3A_1038 : memref<32x128xf32, #tpu.memory_space<hbm>>) dst(%dma_wait3A_1035 : memref<32x128xf32, #tpu.memory_space<vmem>>)
      %dma_wait3A_1039 = arith.constant 3 : i32
      %dma_wait3A_1040 = arith.constant 1 : i32
      %dma_wait3A_1041 = arith.constant 0 : i32
      %dma_wait3A_1042 = arith.constant 0 : i32
      %dma_wait3A_1043 = tpu.memref_slice %arg9[%dma_wait3A_1039, %dma_wait3A_1040, %dma_wait3A_1041, %dma_wait3A_1042] : memref<8x2x32x128xf32, #tpu.memory_space<vmem>> -> memref<1x1x32x128xf32, #tpu.memory_space<vmem>>
      %dma_wait3A_1044 = tpu.memref_squeeze %dma_wait3A_1043 : memref<1x1x32x128xf32, #tpu.memory_space<vmem>> -> memref<32x128xf32, #tpu.memory_space<vmem>>
      %dma_wait3A_1045 = arith.constant 0 : i32
      %dma_wait3A_1046 = arith.constant 0 : i32
      %dma_wait3A_1047 = tpu.memref_slice %arg4[%dma_wait3A_1045, %dma_wait3A_1046] : memref<32x1000000xf32, #tpu.memory_space<hbm>> -> memref<32x128xf32, #tpu.memory_space<hbm>>
      %dma_wait3A_1048 = arith.constant 0 : i32
      %dma_wait3A_1049 = arith.constant 0 : i32
      %dma_wait3A_1050 = tpu.memref_slice %arg9[%dma_wait3A_1039, %dma_wait3A_1040, %dma_wait3A_1048, %dma_wait3A_1049] : memref<8x2x32x128xf32, #tpu.memory_space<vmem>> -> memref<1x1x32x128xf32, #tpu.memory_space<vmem>>
      %dma_wait3A_1051 = tpu.memref_squeeze %dma_wait3A_1050 : memref<1x1x32x128xf32, #tpu.memory_space<vmem>> -> memref<32x128xf32, #tpu.memory_space<vmem>>
      %dma_wait3A_1052 = arith.constant 0 : i32
      %dma_wait3A_1053 = arith.constant 0 : i32
      %dma_wait3A_1054 = tpu.memref_slice %arg4[%dma_wait3A_1052, %dma_wait3A_1053] : memref<32x1000000xf32, #tpu.memory_space<hbm>> -> memref<32x128xf32, #tpu.memory_space<hbm>>
      tpu.wait_dma2 semaphore(%arg15 : memref<!tpu.dma_semaphore, #tpu.memory_space<semaphore_mem>>) src(%dma_wait3A_1054 : memref<32x128xf32, #tpu.memory_space<hbm>>) dst(%dma_wait3A_1051 : memref<32x128xf32, #tpu.memory_space<vmem>>)
      %add3A_1055 = arith.constant 8 : i32
      %add3A_1056 = arith.addi %add3A_1020, %add3A_1055 : i32
      %sub3A_1057 = arith.constant 1 : i32
      %sub3A_1058 = arith.subi %add3A_1056, %sub3A_1057 : i32
      %lt3A_1059 = arith.constant 256 : i32
      %lt3A_1060 = arith.cmpi slt, %sub3A_1058, %lt3A_1059 : i32
      %convert_element_type3A_1061 = arith.extui %lt3A_1060 : i1 to i32
      %cond3A_1062 = arith.constant 0 : i32
      %cond3A_1063 = arith.cmpi ne, %convert_element_type3A_1061, %cond3A_1062 : i32
      scf.if %cond3A_1063 {
        %mul3A_1532 = arith.constant 2 : i32
        %mul3A_1533 = arith.muli %sub3A_1058, %mul3A_1532 : i32
        %add3A_1534 = arith.constant 0 : i32
        %add3A_1535 = arith.addi %mul3A_1533, %add3A_1534 : i32
        %get3A_1536 = arith.index_cast %add3A_1535 : i32 to index
        %get3A_1537 = tpu.vector_load %arg8[%get3A_1536] {strides = array<i32>} : memref<528xi32, #tpu.memory_space<vmem>>, vector<16xi32>,
        %slice3A_1538 = vector.extract_strided_slice %get3A_1537 {offsets = [0], sizes = [1], strides = [1]} : vector<16xi32> to vector<1xi32>
        %squeeze3A_1539 = vector.extract %slice3A_1538[0] : i32 from vector<1xi32>
        %shift_right_arithmetic3A_1540 = arith.constant 7 : i32
        %shift_right_arithmetic3A_1541 = arith.shrsi %squeeze3A_1539, %shift_right_arithmetic3A_1540 : i32
        %mul3A_1542 = arith.constant 128 : i32
        %mul3A_1543 = arith.muli %shift_right_arithmetic3A_1541, %mul3A_1542 : i32
        %multiple_of3A_1544 = tpu.assume_multiple %mul3A_1543, 128 : i32
        %dma_start3A_1545 = arith.constant 2 : i32
        %dma_start3A_1546 = arith.constant 0 : i32
        %dma_start3A_1547 = arith.constant 0 : i32
        %dma_start3A_1548 = arith.constant 0 : i32
        %dma_start3A_1549 = tpu.memref_slice %arg9[%dma_start3A_1545, %dma_start3A_1546, %dma_start3A_1547, %dma_start3A_1548] : memref<8x2x32x128xf32, #tpu.memory_space<vmem>> -> memref<1x1x32x128xf32, #tpu.memory_space<vmem>>
        %dma_start3A_1550 = tpu.memref_squeeze %dma_start3A_1549 : memref<1x1x32x128xf32, #tpu.memory_space<vmem>> -> memref<32x128xf32, #tpu.memory_space<vmem>>
        %dma_start3A_1551 = arith.constant 0 : i32
        %dma_start3A_1552 = tpu.memref_slice %arg4[%dma_start3A_1551, %multiple_of3A_1544] : memref<32x1000000xf32, #tpu.memory_space<hbm>> -> memref<32x128xf32, #tpu.memory_space<hbm>>
        %dma_start3A_1553 = arith.constant 0 : i32
        %dma_start3A_1554 = arith.constant 0 : i32
        %dma_start3A_1555 = tpu.memref_slice %arg9[%dma_start3A_1545, %dma_start3A_1546, %dma_start3A_1553, %dma_start3A_1554] : memref<8x2x32x128xf32, #tpu.memory_space<vmem>> -> memref<1x1x32x128xf32, #tpu.memory_space<vmem>>
        %dma_start3A_1556 = tpu.memref_squeeze %dma_start3A_1555 : memref<1x1x32x128xf32, #tpu.memory_space<vmem>> -> memref<32x128xf32, #tpu.memory_space<vmem>>
        %dma_start3A_1557 = arith.constant 0 : i32
        %dma_start3A_1558 = tpu.memref_slice %arg4[%dma_start3A_1557, %multiple_of3A_1544] : memref<32x1000000xf32, #tpu.memory_space<hbm>> -> memref<32x128xf32, #tpu.memory_space<hbm>>
        tpu.enqueue_dma source(%dma_start3A_1558 : memref<32x128xf32, #tpu.memory_space<hbm>>) target(%dma_start3A_1556 : memref<32x128xf32, #tpu.memory_space<vmem>>) target_semaphore(%arg14 : memref<!tpu.dma_semaphore, #tpu.memory_space<semaphore_mem>>)
        %mul3A_1559 = arith.constant 2 : i32
        %mul3A_1560 = arith.muli %sub3A_1058, %mul3A_1559 : i32
        %add3A_1561 = arith.constant 1 : i32
        %add3A_1562 = arith.addi %mul3A_1560, %add3A_1561 : i32
        %get3A_1563 = arith.index_cast %add3A_1562 : i32 to index
        %get3A_1564 = tpu.vector_load %arg8[%get3A_1563] {strides = array<i32>} : memref<528xi32, #tpu.memory_space<vmem>>, vector<16xi32>,
        %slice3A_1565 = vector.extract_strided_slice %get3A_1564 {offsets = [0], sizes = [1], strides = [1]} : vector<16xi32> to vector<1xi32>
        %squeeze3A_1566 = vector.extract %slice3A_1565[0] : i32 from vector<1xi32>
        %shift_right_arithmetic3A_1567 = arith.constant 7 : i32
        %shift_right_arithmetic3A_1568 = arith.shrsi %squeeze3A_1566, %shift_right_arithmetic3A_1567 : i32
        %mul3A_1569 = arith.constant 128 : i32
        %mul3A_1570 = arith.muli %shift_right_arithmetic3A_1568, %mul3A_1569 : i32
        %multiple_of3A_1571 = tpu.assume_multiple %mul3A_1570, 128 : i32
        %dma_start3A_1572 = arith.constant 2 : i32
        %dma_start3A_1573 = arith.constant 1 : i32
        %dma_start3A_1574 = arith.constant 0 : i32
        %dma_start3A_1575 = arith.constant 0 : i32
        %dma_start3A_1576 = tpu.memref_slice %arg9[%dma_start3A_1572, %dma_start3A_1573, %dma_start3A_1574, %dma_start3A_1575] : memref<8x2x32x128xf32, #tpu.memory_space<vmem>> -> memref<1x1x32x128xf32, #tpu.memory_space<vmem>>
        %dma_start3A_1577 = tpu.memref_squeeze %dma_start3A_1576 : memref<1x1x32x128xf32, #tpu.memory_space<vmem>> -> memref<32x128xf32, #tpu.memory_space<vmem>>
        %dma_start3A_1578 = arith.constant 0 : i32
        %dma_start3A_1579 = tpu.memref_slice %arg4[%dma_start3A_1578, %multiple_of3A_1571] : memref<32x1000000xf32, #tpu.memory_space<hbm>> -> memref<32x128xf32, #tpu.memory_space<hbm>>
        %dma_start3A_1580 = arith.constant 0 : i32
        %dma_start3A_1581 = arith.constant 0 : i32
        %dma_start3A_1582 = tpu.memref_slice %arg9[%dma_start3A_1572, %dma_start3A_1573, %dma_start3A_1580, %dma_start3A_1581] : memref<8x2x32x128xf32, #tpu.memory_space<vmem>> -> memref<1x1x32x128xf32, #tpu.memory_space<vmem>>
        %dma_start3A_1583 = tpu.memref_squeeze %dma_start3A_1582 : memref<1x1x32x128xf32, #tpu.memory_space<vmem>> -> memref<32x128xf32, #tpu.memory_space<vmem>>
        %dma_start3A_1584 = arith.constant 0 : i32
        %dma_start3A_1585 = tpu.memref_slice %arg4[%dma_start3A_1584, %multiple_of3A_1571] : memref<32x1000000xf32, #tpu.memory_space<hbm>> -> memref<32x128xf32, #tpu.memory_space<hbm>>
        tpu.enqueue_dma source(%dma_start3A_1585 : memref<32x128xf32, #tpu.memory_space<hbm>>) target(%dma_start3A_1583 : memref<32x128xf32, #tpu.memory_space<vmem>>) target_semaphore(%arg14 : memref<!tpu.dma_semaphore, #tpu.memory_space<semaphore_mem>>)
      } else {
      }
      %add3A_1064 = arith.constant 0 : i32
      %add3A_1065 = arith.addi %mul3A_1022, %add3A_1064 : i32
      %get3A_1066 = arith.index_cast %add3A_1065 : i32 to index
      %get3A_1067 = tpu.vector_load %arg8[%get3A_1066] {strides = array<i32>} : memref<528xi32, #tpu.memory_space<vmem>>, vector<16xi32>,
      %slice3A_1068 = vector.extract_strided_slice %get3A_1067 {offsets = [0], sizes = [1], strides = [1]} : vector<16xi32> to vector<1xi32>
      %squeeze3A_1069 = vector.extract %slice3A_1068[0] : i32 from vector<1xi32>
      %and3A_1070 = arith.constant 127 : i32
      %and3A_1071 = arith.andi %squeeze3A_1069, %and3A_1070 : i32
      %broadcast_in_dim3A_1072 = vector.broadcast %and3A_1071 : i32 to vector<16xi32>
      %broadcast_in_dim3A_1073 = arith.constant 3 : i32
      %broadcast_in_dim3A_1074 = vector.broadcast %broadcast_in_dim3A_1073 : i32 to vector<16xi32>
      %broadcast_in_dim3A_1075 = arith.constant 0 : i32
      %broadcast_in_dim3A_1076 = vector.broadcast %broadcast_in_dim3A_1075 : i32 to vector<16xi32>
      %broadcast_in_dim3A_1077 = vector.broadcast %add3A_1065 : i32 to vector<16xi32>
      %add3A_1078 = arith.constant 0 : i32
      %add3A_1079 = vector.broadcast %add3A_1078 : i32 to vector<16xi32>
      %add3A_1080 = arith.addi %add3A_1079, %iota3A : vector<16xi32>
      %gather3A_1081 = tpu.vector_load_idx %arg9[%broadcast_in_dim3A_1074, %broadcast_in_dim3A_1076, %add3A_1080, %broadcast_in_dim3A_1072] : memref<8x2x32x128xf32, #tpu.memory_space<vmem>>[vector<16xi32>, vector<16xi32>, vector<16xi32>, vector<16xi32>], vector<16xf32>,
      %add3A_1082 = arith.constant 0 : i32
      %add3A_1083 = vector.broadcast %add3A_1082 : i32 to vector<16xi32>
      %add3A_1084 = arith.addi %add3A_1083, %iota3A : vector<16xi32>
      tpu.vector_store_idx %arg10[%add3A_1084, %broadcast_in_dim3A_1077], %gather3A_1081 : memref<32x512xf32, #tpu.memory_space<vmem>>[vector<16xi32>, vector<16xi32>], vector<16xf32>,
      %add3A_1085 = arith.constant 16 : i32
      %add3A_1086 = vector.broadcast %add3A_1085 : i32 to vector<16xi32>
      %add3A_1087 = arith.addi %add3A_1086, %iota3A : vector<16xi32>
      %gather3A_1088 = tpu.vector_load_idx %arg9[%broadcast_in_dim3A_1074, %broadcast_in_dim3A_1076, %add3A_1087, %broadcast_in_dim3A_1072] : memref<8x2x32x128xf32, #tpu.memory_space<vmem>>[vector<16xi32>, vector<16xi32>, vector<16xi32>, vector<16xi32>], vector<16xf32>,
      %add3A_1089 = arith.constant 16 : i32
      %add3A_1090 = vector.broadcast %add3A_1089 : i32 to vector<16xi32>
      %add3A_1091 = arith.addi %add3A_1090, %iota3A : vector<16xi32>
      tpu.vector_store_idx %arg10[%add3A_1091, %broadcast_in_dim3A_1077], %gather3A_1088 : memref<32x512xf32, #tpu.memory_space<vmem>>[vector<16xi32>, vector<16xi32>], vector<16xf32>,
      %add3A_1092 = arith.constant 1 : i32
      %add3A_1093 = arith.addi %mul3A_1022, %add3A_1092 : i32
      %get3A_1094 = arith.index_cast %add3A_1093 : i32 to index
      %get3A_1095 = tpu.vector_load %arg8[%get3A_1094] {strides = array<i32>} : memref<528xi32, #tpu.memory_space<vmem>>, vector<16xi32>,
      %slice3A_1096 = vector.extract_strided_slice %get3A_1095 {offsets = [0], sizes = [1], strides = [1]} : vector<16xi32> to vector<1xi32>
      %squeeze3A_1097 = vector.extract %slice3A_1096[0] : i32 from vector<1xi32>
      %and3A_1098 = arith.constant 127 : i32
      %and3A_1099 = arith.andi %squeeze3A_1097, %and3A_1098 : i32
      %broadcast_in_dim3A_1100 = vector.broadcast %and3A_1099 : i32 to vector<16xi32>
      %broadcast_in_dim3A_1101 = arith.constant 3 : i32
      %broadcast_in_dim3A_1102 = vector.broadcast %broadcast_in_dim3A_1101 : i32 to vector<16xi32>
      %broadcast_in_dim3A_1103 = arith.constant 1 : i32
      %broadcast_in_dim3A_1104 = vector.broadcast %broadcast_in_dim3A_1103 : i32 to vector<16xi32>
      %broadcast_in_dim3A_1105 = vector.broadcast %add3A_1093 : i32 to vector<16xi32>
      %add3A_1106 = arith.constant 0 : i32
      %add3A_1107 = vector.broadcast %add3A_1106 : i32 to vector<16xi32>
      %add3A_1108 = arith.addi %add3A_1107, %iota3A : vector<16xi32>
      %gather3A_1109 = tpu.vector_load_idx %arg9[%broadcast_in_dim3A_1102, %broadcast_in_dim3A_1104, %add3A_1108, %broadcast_in_dim3A_1100] : memref<8x2x32x128xf32, #tpu.memory_space<vmem>>[vector<16xi32>, vector<16xi32>, vector<16xi32>, vector<16xi32>], vector<16xf32>,
      %add3A_1110 = arith.constant 0 : i32
      %add3A_1111 = vector.broadcast %add3A_1110 : i32 to vector<16xi32>
      %add3A_1112 = arith.addi %add3A_1111, %iota3A : vector<16xi32>
      tpu.vector_store_idx %arg10[%add3A_1112, %broadcast_in_dim3A_1105], %gather3A_1109 : memref<32x512xf32, #tpu.memory_space<vmem>>[vector<16xi32>, vector<16xi32>], vector<16xf32>,
      %add3A_1113 = arith.constant 16 : i32
      %add3A_1114 = vector.broadcast %add3A_1113 : i32 to vector<16xi32>
      %add3A_1115 = arith.addi %add3A_1114, %iota3A : vector<16xi32>
      %gather3A_1116 = tpu.vector_load_idx %arg9[%broadcast_in_dim3A_1102, %broadcast_in_dim3A_1104, %add3A_1115, %broadcast_in_dim3A_1100] : memref<8x2x32x128xf32, #tpu.memory_space<vmem>>[vector<16xi32>, vector<16xi32>, vector<16xi32>, vector<16xi32>], vector<16xf32>,
      %add3A_1117 = arith.constant 16 : i32
      %add3A_1118 = vector.broadcast %add3A_1117 : i32 to vector<16xi32>
      %add3A_1119 = arith.addi %add3A_1118, %iota3A : vector<16xi32>
      tpu.vector_store_idx %arg10[%add3A_1119, %broadcast_in_dim3A_1105], %gather3A_1116 : memref<32x512xf32, #tpu.memory_space<vmem>>[vector<16xi32>, vector<16xi32>], vector<16xf32>,
      %mul3A_1120 = arith.constant 8 : i32
      %mul3A_1121 = arith.muli %scan3A_712, %mul3A_1120 : i32
      %add3A_1122 = arith.constant 4 : i32
      %add3A_1123 = arith.addi %mul3A_1121, %add3A_1122 : i32
      %mul3A_1124 = arith.constant 2 : i32
      %mul3A_1125 = arith.muli %add3A_1123, %mul3A_1124 : i32
      %dma_wait3A_1126 = arith.constant 4 : i32
      %dma_wait3A_1127 = arith.constant 0 : i32
      %dma_wait3A_1128 = arith.constant 0 : i32
      %dma_wait3A_1129 = arith.constant 0 : i32
      %dma_wait3A_1130 = tpu.memref_slice %arg9[%dma_wait3A_1126, %dma_wait3A_1127, %dma_wait3A_1128, %dma_wait3A_1129] : memref<8x2x32x128xf32, #tpu.memory_space<vmem>> -> memref<1x1x32x128xf32, #tpu.memory_space<vmem>>
      %dma_wait3A_1131 = tpu.memref_squeeze %dma_wait3A_1130 : memref<1x1x32x128xf32, #tpu.memory_space<vmem>> -> memref<32x128xf32, #tpu.memory_space<vmem>>
      %dma_wait3A_1132 = arith.constant 0 : i32
      %dma_wait3A_1133 = arith.constant 0 : i32
      %dma_wait3A_1134 = tpu.memref_slice %arg4[%dma_wait3A_1132, %dma_wait3A_1133] : memref<32x1000000xf32, #tpu.memory_space<hbm>> -> memref<32x128xf32, #tpu.memory_space<hbm>>
      %dma_wait3A_1135 = arith.constant 0 : i32
      %dma_wait3A_1136 = arith.constant 0 : i32
      %dma_wait3A_1137 = tpu.memref_slice %arg9[%dma_wait3A_1126, %dma_wait3A_1127, %dma_wait3A_1135, %dma_wait3A_1136] : memref<8x2x32x128xf32, #tpu.memory_space<vmem>> -> memref<1x1x32x128xf32, #tpu.memory_space<vmem>>
      %dma_wait3A_1138 = tpu.memref_squeeze %dma_wait3A_1137 : memref<1x1x32x128xf32, #tpu.memory_space<vmem>> -> memref<32x128xf32, #tpu.memory_space<vmem>>
      %dma_wait3A_1139 = arith.constant 0 : i32
      %dma_wait3A_1140 = arith.constant 0 : i32
      %dma_wait3A_1141 = tpu.memref_slice %arg4[%dma_wait3A_1139, %dma_wait3A_1140] : memref<32x1000000xf32, #tpu.memory_space<hbm>> -> memref<32x128xf32, #tpu.memory_space<hbm>>
      tpu.wait_dma2 semaphore(%arg16 : memref<!tpu.dma_semaphore, #tpu.memory_space<semaphore_mem>>) src(%dma_wait3A_1141 : memref<32x128xf32, #tpu.memory_space<hbm>>) dst(%dma_wait3A_1138 : memref<32x128xf32, #tpu.memory_space<vmem>>)
      %dma_wait3A_1142 = arith.constant 4 : i32
      %dma_wait3A_1143 = arith.constant 1 : i32
      %dma_wait3A_1144 = arith.constant 0 : i32
      %dma_wait3A_1145 = arith.constant 0 : i32
      %dma_wait3A_1146 = tpu.memref_slice %arg9[%dma_wait3A_1142, %dma_wait3A_1143, %dma_wait3A_1144, %dma_wait3A_1145] : memref<8x2x32x128xf32, #tpu.memory_space<vmem>> -> memref<1x1x32x128xf32, #tpu.memory_space<vmem>>
      %dma_wait3A_1147 = tpu.memref_squeeze %dma_wait3A_1146 : memref<1x1x32x128xf32, #tpu.memory_space<vmem>> -> memref<32x128xf32, #tpu.memory_space<vmem>>
      %dma_wait3A_1148 = arith.constant 0 : i32
      %dma_wait3A_1149 = arith.constant 0 : i32
      %dma_wait3A_1150 = tpu.memref_slice %arg4[%dma_wait3A_1148, %dma_wait3A_1149] : memref<32x1000000xf32, #tpu.memory_space<hbm>> -> memref<32x128xf32, #tpu.memory_space<hbm>>
      %dma_wait3A_1151 = arith.constant 0 : i32
      %dma_wait3A_1152 = arith.constant 0 : i32
      %dma_wait3A_1153 = tpu.memref_slice %arg9[%dma_wait3A_1142, %dma_wait3A_1143, %dma_wait3A_1151, %dma_wait3A_1152] : memref<8x2x32x128xf32, #tpu.memory_space<vmem>> -> memref<1x1x32x128xf32, #tpu.memory_space<vmem>>
      %dma_wait3A_1154 = tpu.memref_squeeze %dma_wait3A_1153 : memref<1x1x32x128xf32, #tpu.memory_space<vmem>> -> memref<32x128xf32, #tpu.memory_space<vmem>>
      %dma_wait3A_1155 = arith.constant 0 : i32
      %dma_wait3A_1156 = arith.constant 0 : i32
      %dma_wait3A_1157 = tpu.memref_slice %arg4[%dma_wait3A_1155, %dma_wait3A_1156] : memref<32x1000000xf32, #tpu.memory_space<hbm>> -> memref<32x128xf32, #tpu.memory_space<hbm>>
      tpu.wait_dma2 semaphore(%arg16 : memref<!tpu.dma_semaphore, #tpu.memory_space<semaphore_mem>>) src(%dma_wait3A_1157 : memref<32x128xf32, #tpu.memory_space<hbm>>) dst(%dma_wait3A_1154 : memref<32x128xf32, #tpu.memory_space<vmem>>)
      %add3A_1158 = arith.constant 8 : i32
      %add3A_1159 = arith.addi %add3A_1123, %add3A_1158 : i32
      %sub3A_1160 = arith.constant 1 : i32
      %sub3A_1161 = arith.subi %add3A_1159, %sub3A_1160 : i32
      %lt3A_1162 = arith.constant 256 : i32
      %lt3A_1163 = arith.cmpi slt, %sub3A_1161, %lt3A_1162 : i32
      %convert_element_type3A_1164 = arith.extui %lt3A_1163 : i1 to i32
      %cond3A_1165 = arith.constant 0 : i32
      %cond3A_1166 = arith.cmpi ne, %convert_element_type3A_1164, %cond3A_1165 : i32
      scf.if %cond3A_1166 {
        %mul3A_1532 = arith.constant 2 : i32
        %mul3A_1533 = arith.muli %sub3A_1161, %mul3A_1532 : i32
        %add3A_1534 = arith.constant 0 : i32
        %add3A_1535 = arith.addi %mul3A_1533, %add3A_1534 : i32
        %get3A_1536 = arith.index_cast %add3A_1535 : i32 to index
        %get3A_1537 = tpu.vector_load %arg8[%get3A_1536] {strides = array<i32>} : memref<528xi32, #tpu.memory_space<vmem>>, vector<16xi32>,
        %slice3A_1538 = vector.extract_strided_slice %get3A_1537 {offsets = [0], sizes = [1], strides = [1]} : vector<16xi32> to vector<1xi32>
        %squeeze3A_1539 = vector.extract %slice3A_1538[0] : i32 from vector<1xi32>
        %shift_right_arithmetic3A_1540 = arith.constant 7 : i32
        %shift_right_arithmetic3A_1541 = arith.shrsi %squeeze3A_1539, %shift_right_arithmetic3A_1540 : i32
        %mul3A_1542 = arith.constant 128 : i32
        %mul3A_1543 = arith.muli %shift_right_arithmetic3A_1541, %mul3A_1542 : i32
        %multiple_of3A_1544 = tpu.assume_multiple %mul3A_1543, 128 : i32
        %dma_start3A_1545 = arith.constant 3 : i32
        %dma_start3A_1546 = arith.constant 0 : i32
        %dma_start3A_1547 = arith.constant 0 : i32
        %dma_start3A_1548 = arith.constant 0 : i32
        %dma_start3A_1549 = tpu.memref_slice %arg9[%dma_start3A_1545, %dma_start3A_1546, %dma_start3A_1547, %dma_start3A_1548] : memref<8x2x32x128xf32, #tpu.memory_space<vmem>> -> memref<1x1x32x128xf32, #tpu.memory_space<vmem>>
        %dma_start3A_1550 = tpu.memref_squeeze %dma_start3A_1549 : memref<1x1x32x128xf32, #tpu.memory_space<vmem>> -> memref<32x128xf32, #tpu.memory_space<vmem>>
        %dma_start3A_1551 = arith.constant 0 : i32
        %dma_start3A_1552 = tpu.memref_slice %arg4[%dma_start3A_1551, %multiple_of3A_1544] : memref<32x1000000xf32, #tpu.memory_space<hbm>> -> memref<32x128xf32, #tpu.memory_space<hbm>>
        %dma_start3A_1553 = arith.constant 0 : i32
        %dma_start3A_1554 = arith.constant 0 : i32
        %dma_start3A_1555 = tpu.memref_slice %arg9[%dma_start3A_1545, %dma_start3A_1546, %dma_start3A_1553, %dma_start3A_1554] : memref<8x2x32x128xf32, #tpu.memory_space<vmem>> -> memref<1x1x32x128xf32, #tpu.memory_space<vmem>>
        %dma_start3A_1556 = tpu.memref_squeeze %dma_start3A_1555 : memref<1x1x32x128xf32, #tpu.memory_space<vmem>> -> memref<32x128xf32, #tpu.memory_space<vmem>>
        %dma_start3A_1557 = arith.constant 0 : i32
        %dma_start3A_1558 = tpu.memref_slice %arg4[%dma_start3A_1557, %multiple_of3A_1544] : memref<32x1000000xf32, #tpu.memory_space<hbm>> -> memref<32x128xf32, #tpu.memory_space<hbm>>
        tpu.enqueue_dma source(%dma_start3A_1558 : memref<32x128xf32, #tpu.memory_space<hbm>>) target(%dma_start3A_1556 : memref<32x128xf32, #tpu.memory_space<vmem>>) target_semaphore(%arg15 : memref<!tpu.dma_semaphore, #tpu.memory_space<semaphore_mem>>)
        %mul3A_1559 = arith.constant 2 : i32
        %mul3A_1560 = arith.muli %sub3A_1161, %mul3A_1559 : i32
        %add3A_1561 = arith.constant 1 : i32
        %add3A_1562 = arith.addi %mul3A_1560, %add3A_1561 : i32
        %get3A_1563 = arith.index_cast %add3A_1562 : i32 to index
        %get3A_1564 = tpu.vector_load %arg8[%get3A_1563] {strides = array<i32>} : memref<528xi32, #tpu.memory_space<vmem>>, vector<16xi32>,
        %slice3A_1565 = vector.extract_strided_slice %get3A_1564 {offsets = [0], sizes = [1], strides = [1]} : vector<16xi32> to vector<1xi32>
        %squeeze3A_1566 = vector.extract %slice3A_1565[0] : i32 from vector<1xi32>
        %shift_right_arithmetic3A_1567 = arith.constant 7 : i32
        %shift_right_arithmetic3A_1568 = arith.shrsi %squeeze3A_1566, %shift_right_arithmetic3A_1567 : i32
        %mul3A_1569 = arith.constant 128 : i32
        %mul3A_1570 = arith.muli %shift_right_arithmetic3A_1568, %mul3A_1569 : i32
        %multiple_of3A_1571 = tpu.assume_multiple %mul3A_1570, 128 : i32
        %dma_start3A_1572 = arith.constant 3 : i32
        %dma_start3A_1573 = arith.constant 1 : i32
        %dma_start3A_1574 = arith.constant 0 : i32
        %dma_start3A_1575 = arith.constant 0 : i32
        %dma_start3A_1576 = tpu.memref_slice %arg9[%dma_start3A_1572, %dma_start3A_1573, %dma_start3A_1574, %dma_start3A_1575] : memref<8x2x32x128xf32, #tpu.memory_space<vmem>> -> memref<1x1x32x128xf32, #tpu.memory_space<vmem>>
        %dma_start3A_1577 = tpu.memref_squeeze %dma_start3A_1576 : memref<1x1x32x128xf32, #tpu.memory_space<vmem>> -> memref<32x128xf32, #tpu.memory_space<vmem>>
        %dma_start3A_1578 = arith.constant 0 : i32
        %dma_start3A_1579 = tpu.memref_slice %arg4[%dma_start3A_1578, %multiple_of3A_1571] : memref<32x1000000xf32, #tpu.memory_space<hbm>> -> memref<32x128xf32, #tpu.memory_space<hbm>>
        %dma_start3A_1580 = arith.constant 0 : i32
        %dma_start3A_1581 = arith.constant 0 : i32
        %dma_start3A_1582 = tpu.memref_slice %arg9[%dma_start3A_1572, %dma_start3A_1573, %dma_start3A_1580, %dma_start3A_1581] : memref<8x2x32x128xf32, #tpu.memory_space<vmem>> -> memref<1x1x32x128xf32, #tpu.memory_space<vmem>>
        %dma_start3A_1583 = tpu.memref_squeeze %dma_start3A_1582 : memref<1x1x32x128xf32, #tpu.memory_space<vmem>> -> memref<32x128xf32, #tpu.memory_space<vmem>>
        %dma_start3A_1584 = arith.constant 0 : i32
        %dma_start3A_1585 = tpu.memref_slice %arg4[%dma_start3A_1584, %multiple_of3A_1571] : memref<32x1000000xf32, #tpu.memory_space<hbm>> -> memref<32x128xf32, #tpu.memory_space<hbm>>
        tpu.enqueue_dma source(%dma_start3A_1585 : memref<32x128xf32, #tpu.memory_space<hbm>>) target(%dma_start3A_1583 : memref<32x128xf32, #tpu.memory_space<vmem>>) target_semaphore(%arg15 : memref<!tpu.dma_semaphore, #tpu.memory_space<semaphore_mem>>)
      } else {
      }
      %add3A_1167 = arith.constant 0 : i32
      %add3A_1168 = arith.addi %mul3A_1125, %add3A_1167 : i32
      %get3A_1169 = arith.index_cast %add3A_1168 : i32 to index
      %get3A_1170 = tpu.vector_load %arg8[%get3A_1169] {strides = array<i32>} : memref<528xi32, #tpu.memory_space<vmem>>, vector<16xi32>,
      %slice3A_1171 = vector.extract_strided_slice %get3A_1170 {offsets = [0], sizes = [1], strides = [1]} : vector<16xi32> to vector<1xi32>
      %squeeze3A_1172 = vector.extract %slice3A_1171[0] : i32 from vector<1xi32>
      %and3A_1173 = arith.constant 127 : i32
      %and3A_1174 = arith.andi %squeeze3A_1172, %and3A_1173 : i32
      %broadcast_in_dim3A_1175 = vector.broadcast %and3A_1174 : i32 to vector<16xi32>
      %broadcast_in_dim3A_1176 = arith.constant 4 : i32
      %broadcast_in_dim3A_1177 = vector.broadcast %broadcast_in_dim3A_1176 : i32 to vector<16xi32>
      %broadcast_in_dim3A_1178 = arith.constant 0 : i32
      %broadcast_in_dim3A_1179 = vector.broadcast %broadcast_in_dim3A_1178 : i32 to vector<16xi32>
      %broadcast_in_dim3A_1180 = vector.broadcast %add3A_1168 : i32 to vector<16xi32>
      %add3A_1181 = arith.constant 0 : i32
      %add3A_1182 = vector.broadcast %add3A_1181 : i32 to vector<16xi32>
      %add3A_1183 = arith.addi %add3A_1182, %iota3A : vector<16xi32>
      %gather3A_1184 = tpu.vector_load_idx %arg9[%broadcast_in_dim3A_1177, %broadcast_in_dim3A_1179, %add3A_1183, %broadcast_in_dim3A_1175] : memref<8x2x32x128xf32, #tpu.memory_space<vmem>>[vector<16xi32>, vector<16xi32>, vector<16xi32>, vector<16xi32>], vector<16xf32>,
      %add3A_1185 = arith.constant 0 : i32
      %add3A_1186 = vector.broadcast %add3A_1185 : i32 to vector<16xi32>
      %add3A_1187 = arith.addi %add3A_1186, %iota3A : vector<16xi32>
      tpu.vector_store_idx %arg10[%add3A_1187, %broadcast_in_dim3A_1180], %gather3A_1184 : memref<32x512xf32, #tpu.memory_space<vmem>>[vector<16xi32>, vector<16xi32>], vector<16xf32>,
      %add3A_1188 = arith.constant 16 : i32
      %add3A_1189 = vector.broadcast %add3A_1188 : i32 to vector<16xi32>
      %add3A_1190 = arith.addi %add3A_1189, %iota3A : vector<16xi32>
      %gather3A_1191 = tpu.vector_load_idx %arg9[%broadcast_in_dim3A_1177, %broadcast_in_dim3A_1179, %add3A_1190, %broadcast_in_dim3A_1175] : memref<8x2x32x128xf32, #tpu.memory_space<vmem>>[vector<16xi32>, vector<16xi32>, vector<16xi32>, vector<16xi32>], vector<16xf32>,
      %add3A_1192 = arith.constant 16 : i32
      %add3A_1193 = vector.broadcast %add3A_1192 : i32 to vector<16xi32>
      %add3A_1194 = arith.addi %add3A_1193, %iota3A : vector<16xi32>
      tpu.vector_store_idx %arg10[%add3A_1194, %broadcast_in_dim3A_1180], %gather3A_1191 : memref<32x512xf32, #tpu.memory_space<vmem>>[vector<16xi32>, vector<16xi32>], vector<16xf32>,
      %add3A_1195 = arith.constant 1 : i32
      %add3A_1196 = arith.addi %mul3A_1125, %add3A_1195 : i32
      %get3A_1197 = arith.index_cast %add3A_1196 : i32 to index
      %get3A_1198 = tpu.vector_load %arg8[%get3A_1197] {strides = array<i32>} : memref<528xi32, #tpu.memory_space<vmem>>, vector<16xi32>,
      %slice3A_1199 = vector.extract_strided_slice %get3A_1198 {offsets = [0], sizes = [1], strides = [1]} : vector<16xi32> to vector<1xi32>
      %squeeze3A_1200 = vector.extract %slice3A_1199[0] : i32 from vector<1xi32>
      %and3A_1201 = arith.constant 127 : i32
      %and3A_1202 = arith.andi %squeeze3A_1200, %and3A_1201 : i32
      %broadcast_in_dim3A_1203 = vector.broadcast %and3A_1202 : i32 to vector<16xi32>
      %broadcast_in_dim3A_1204 = arith.constant 4 : i32
      %broadcast_in_dim3A_1205 = vector.broadcast %broadcast_in_dim3A_1204 : i32 to vector<16xi32>
      %broadcast_in_dim3A_1206 = arith.constant 1 : i32
      %broadcast_in_dim3A_1207 = vector.broadcast %broadcast_in_dim3A_1206 : i32 to vector<16xi32>
      %broadcast_in_dim3A_1208 = vector.broadcast %add3A_1196 : i32 to vector<16xi32>
      %add3A_1209 = arith.constant 0 : i32
      %add3A_1210 = vector.broadcast %add3A_1209 : i32 to vector<16xi32>
      %add3A_1211 = arith.addi %add3A_1210, %iota3A : vector<16xi32>
      %gather3A_1212 = tpu.vector_load_idx %arg9[%broadcast_in_dim3A_1205, %broadcast_in_dim3A_1207, %add3A_1211, %broadcast_in_dim3A_1203] : memref<8x2x32x128xf32, #tpu.memory_space<vmem>>[vector<16xi32>, vector<16xi32>, vector<16xi32>, vector<16xi32>], vector<16xf32>,
      %add3A_1213 = arith.constant 0 : i32
      %add3A_1214 = vector.broadcast %add3A_1213 : i32 to vector<16xi32>
      %add3A_1215 = arith.addi %add3A_1214, %iota3A : vector<16xi32>
      tpu.vector_store_idx %arg10[%add3A_1215, %broadcast_in_dim3A_1208], %gather3A_1212 : memref<32x512xf32, #tpu.memory_space<vmem>>[vector<16xi32>, vector<16xi32>], vector<16xf32>,
      %add3A_1216 = arith.constant 16 : i32
      %add3A_1217 = vector.broadcast %add3A_1216 : i32 to vector<16xi32>
      %add3A_1218 = arith.addi %add3A_1217, %iota3A : vector<16xi32>
      %gather3A_1219 = tpu.vector_load_idx %arg9[%broadcast_in_dim3A_1205, %broadcast_in_dim3A_1207, %add3A_1218, %broadcast_in_dim3A_1203] : memref<8x2x32x128xf32, #tpu.memory_space<vmem>>[vector<16xi32>, vector<16xi32>, vector<16xi32>, vector<16xi32>], vector<16xf32>,
      %add3A_1220 = arith.constant 16 : i32
      %add3A_1221 = vector.broadcast %add3A_1220 : i32 to vector<16xi32>
      %add3A_1222 = arith.addi %add3A_1221, %iota3A : vector<16xi32>
      tpu.vector_store_idx %arg10[%add3A_1222, %broadcast_in_dim3A_1208], %gather3A_1219 : memref<32x512xf32, #tpu.memory_space<vmem>>[vector<16xi32>, vector<16xi32>], vector<16xf32>,
      %mul3A_1223 = arith.constant 8 : i32
      %mul3A_1224 = arith.muli %scan3A_712, %mul3A_1223 : i32
      %add3A_1225 = arith.constant 5 : i32
      %add3A_1226 = arith.addi %mul3A_1224, %add3A_1225 : i32
      %mul3A_1227 = arith.constant 2 : i32
      %mul3A_1228 = arith.muli %add3A_1226, %mul3A_1227 : i32
      %dma_wait3A_1229 = arith.constant 5 : i32
      %dma_wait3A_1230 = arith.constant 0 : i32
      %dma_wait3A_1231 = arith.constant 0 : i32
      %dma_wait3A_1232 = arith.constant 0 : i32
      %dma_wait3A_1233 = tpu.memref_slice %arg9[%dma_wait3A_1229, %dma_wait3A_1230, %dma_wait3A_1231, %dma_wait3A_1232] : memref<8x2x32x128xf32, #tpu.memory_space<vmem>> -> memref<1x1x32x128xf32, #tpu.memory_space<vmem>>
      %dma_wait3A_1234 = tpu.memref_squeeze %dma_wait3A_1233 : memref<1x1x32x128xf32, #tpu.memory_space<vmem>> -> memref<32x128xf32, #tpu.memory_space<vmem>>
      %dma_wait3A_1235 = arith.constant 0 : i32
      %dma_wait3A_1236 = arith.constant 0 : i32
      %dma_wait3A_1237 = tpu.memref_slice %arg4[%dma_wait3A_1235, %dma_wait3A_1236] : memref<32x1000000xf32, #tpu.memory_space<hbm>> -> memref<32x128xf32, #tpu.memory_space<hbm>>
      %dma_wait3A_1238 = arith.constant 0 : i32
      %dma_wait3A_1239 = arith.constant 0 : i32
      %dma_wait3A_1240 = tpu.memref_slice %arg9[%dma_wait3A_1229, %dma_wait3A_1230, %dma_wait3A_1238, %dma_wait3A_1239] : memref<8x2x32x128xf32, #tpu.memory_space<vmem>> -> memref<1x1x32x128xf32, #tpu.memory_space<vmem>>
      %dma_wait3A_1241 = tpu.memref_squeeze %dma_wait3A_1240 : memref<1x1x32x128xf32, #tpu.memory_space<vmem>> -> memref<32x128xf32, #tpu.memory_space<vmem>>
      %dma_wait3A_1242 = arith.constant 0 : i32
      %dma_wait3A_1243 = arith.constant 0 : i32
      %dma_wait3A_1244 = tpu.memref_slice %arg4[%dma_wait3A_1242, %dma_wait3A_1243] : memref<32x1000000xf32, #tpu.memory_space<hbm>> -> memref<32x128xf32, #tpu.memory_space<hbm>>
      tpu.wait_dma2 semaphore(%arg17 : memref<!tpu.dma_semaphore, #tpu.memory_space<semaphore_mem>>) src(%dma_wait3A_1244 : memref<32x128xf32, #tpu.memory_space<hbm>>) dst(%dma_wait3A_1241 : memref<32x128xf32, #tpu.memory_space<vmem>>)
      %dma_wait3A_1245 = arith.constant 5 : i32
      %dma_wait3A_1246 = arith.constant 1 : i32
      %dma_wait3A_1247 = arith.constant 0 : i32
      %dma_wait3A_1248 = arith.constant 0 : i32
      %dma_wait3A_1249 = tpu.memref_slice %arg9[%dma_wait3A_1245, %dma_wait3A_1246, %dma_wait3A_1247, %dma_wait3A_1248] : memref<8x2x32x128xf32, #tpu.memory_space<vmem>> -> memref<1x1x32x128xf32, #tpu.memory_space<vmem>>
      %dma_wait3A_1250 = tpu.memref_squeeze %dma_wait3A_1249 : memref<1x1x32x128xf32, #tpu.memory_space<vmem>> -> memref<32x128xf32, #tpu.memory_space<vmem>>
      %dma_wait3A_1251 = arith.constant 0 : i32
      %dma_wait3A_1252 = arith.constant 0 : i32
      %dma_wait3A_1253 = tpu.memref_slice %arg4[%dma_wait3A_1251, %dma_wait3A_1252] : memref<32x1000000xf32, #tpu.memory_space<hbm>> -> memref<32x128xf32, #tpu.memory_space<hbm>>
      %dma_wait3A_1254 = arith.constant 0 : i32
      %dma_wait3A_1255 = arith.constant 0 : i32
      %dma_wait3A_1256 = tpu.memref_slice %arg9[%dma_wait3A_1245, %dma_wait3A_1246, %dma_wait3A_1254, %dma_wait3A_1255] : memref<8x2x32x128xf32, #tpu.memory_space<vmem>> -> memref<1x1x32x128xf32, #tpu.memory_space<vmem>>
      %dma_wait3A_1257 = tpu.memref_squeeze %dma_wait3A_1256 : memref<1x1x32x128xf32, #tpu.memory_space<vmem>> -> memref<32x128xf32, #tpu.memory_space<vmem>>
      %dma_wait3A_1258 = arith.constant 0 : i32
      %dma_wait3A_1259 = arith.constant 0 : i32
      %dma_wait3A_1260 = tpu.memref_slice %arg4[%dma_wait3A_1258, %dma_wait3A_1259] : memref<32x1000000xf32, #tpu.memory_space<hbm>> -> memref<32x128xf32, #tpu.memory_space<hbm>>
      tpu.wait_dma2 semaphore(%arg17 : memref<!tpu.dma_semaphore, #tpu.memory_space<semaphore_mem>>) src(%dma_wait3A_1260 : memref<32x128xf32, #tpu.memory_space<hbm>>) dst(%dma_wait3A_1257 : memref<32x128xf32, #tpu.memory_space<vmem>>)
      %add3A_1261 = arith.constant 8 : i32
      %add3A_1262 = arith.addi %add3A_1226, %add3A_1261 : i32
      %sub3A_1263 = arith.constant 1 : i32
      %sub3A_1264 = arith.subi %add3A_1262, %sub3A_1263 : i32
      %lt3A_1265 = arith.constant 256 : i32
      %lt3A_1266 = arith.cmpi slt, %sub3A_1264, %lt3A_1265 : i32
      %convert_element_type3A_1267 = arith.extui %lt3A_1266 : i1 to i32
      %cond3A_1268 = arith.constant 0 : i32
      %cond3A_1269 = arith.cmpi ne, %convert_element_type3A_1267, %cond3A_1268 : i32
      scf.if %cond3A_1269 {
        %mul3A_1532 = arith.constant 2 : i32
        %mul3A_1533 = arith.muli %sub3A_1264, %mul3A_1532 : i32
        %add3A_1534 = arith.constant 0 : i32
        %add3A_1535 = arith.addi %mul3A_1533, %add3A_1534 : i32
        %get3A_1536 = arith.index_cast %add3A_1535 : i32 to index
        %get3A_1537 = tpu.vector_load %arg8[%get3A_1536] {strides = array<i32>} : memref<528xi32, #tpu.memory_space<vmem>>, vector<16xi32>,
        %slice3A_1538 = vector.extract_strided_slice %get3A_1537 {offsets = [0], sizes = [1], strides = [1]} : vector<16xi32> to vector<1xi32>
        %squeeze3A_1539 = vector.extract %slice3A_1538[0] : i32 from vector<1xi32>
        %shift_right_arithmetic3A_1540 = arith.constant 7 : i32
        %shift_right_arithmetic3A_1541 = arith.shrsi %squeeze3A_1539, %shift_right_arithmetic3A_1540 : i32
        %mul3A_1542 = arith.constant 128 : i32
        %mul3A_1543 = arith.muli %shift_right_arithmetic3A_1541, %mul3A_1542 : i32
        %multiple_of3A_1544 = tpu.assume_multiple %mul3A_1543, 128 : i32
        %dma_start3A_1545 = arith.constant 4 : i32
        %dma_start3A_1546 = arith.constant 0 : i32
        %dma_start3A_1547 = arith.constant 0 : i32
        %dma_start3A_1548 = arith.constant 0 : i32
        %dma_start3A_1549 = tpu.memref_slice %arg9[%dma_start3A_1545, %dma_start3A_1546, %dma_start3A_1547, %dma_start3A_1548] : memref<8x2x32x128xf32, #tpu.memory_space<vmem>> -> memref<1x1x32x128xf32, #tpu.memory_space<vmem>>
        %dma_start3A_1550 = tpu.memref_squeeze %dma_start3A_1549 : memref<1x1x32x128xf32, #tpu.memory_space<vmem>> -> memref<32x128xf32, #tpu.memory_space<vmem>>
        %dma_start3A_1551 = arith.constant 0 : i32
        %dma_start3A_1552 = tpu.memref_slice %arg4[%dma_start3A_1551, %multiple_of3A_1544] : memref<32x1000000xf32, #tpu.memory_space<hbm>> -> memref<32x128xf32, #tpu.memory_space<hbm>>
        %dma_start3A_1553 = arith.constant 0 : i32
        %dma_start3A_1554 = arith.constant 0 : i32
        %dma_start3A_1555 = tpu.memref_slice %arg9[%dma_start3A_1545, %dma_start3A_1546, %dma_start3A_1553, %dma_start3A_1554] : memref<8x2x32x128xf32, #tpu.memory_space<vmem>> -> memref<1x1x32x128xf32, #tpu.memory_space<vmem>>
        %dma_start3A_1556 = tpu.memref_squeeze %dma_start3A_1555 : memref<1x1x32x128xf32, #tpu.memory_space<vmem>> -> memref<32x128xf32, #tpu.memory_space<vmem>>
        %dma_start3A_1557 = arith.constant 0 : i32
        %dma_start3A_1558 = tpu.memref_slice %arg4[%dma_start3A_1557, %multiple_of3A_1544] : memref<32x1000000xf32, #tpu.memory_space<hbm>> -> memref<32x128xf32, #tpu.memory_space<hbm>>
        tpu.enqueue_dma source(%dma_start3A_1558 : memref<32x128xf32, #tpu.memory_space<hbm>>) target(%dma_start3A_1556 : memref<32x128xf32, #tpu.memory_space<vmem>>) target_semaphore(%arg16 : memref<!tpu.dma_semaphore, #tpu.memory_space<semaphore_mem>>)
        %mul3A_1559 = arith.constant 2 : i32
        %mul3A_1560 = arith.muli %sub3A_1264, %mul3A_1559 : i32
        %add3A_1561 = arith.constant 1 : i32
        %add3A_1562 = arith.addi %mul3A_1560, %add3A_1561 : i32
        %get3A_1563 = arith.index_cast %add3A_1562 : i32 to index
        %get3A_1564 = tpu.vector_load %arg8[%get3A_1563] {strides = array<i32>} : memref<528xi32, #tpu.memory_space<vmem>>, vector<16xi32>,
        %slice3A_1565 = vector.extract_strided_slice %get3A_1564 {offsets = [0], sizes = [1], strides = [1]} : vector<16xi32> to vector<1xi32>
        %squeeze3A_1566 = vector.extract %slice3A_1565[0] : i32 from vector<1xi32>
        %shift_right_arithmetic3A_1567 = arith.constant 7 : i32
        %shift_right_arithmetic3A_1568 = arith.shrsi %squeeze3A_1566, %shift_right_arithmetic3A_1567 : i32
        %mul3A_1569 = arith.constant 128 : i32
        %mul3A_1570 = arith.muli %shift_right_arithmetic3A_1568, %mul3A_1569 : i32
        %multiple_of3A_1571 = tpu.assume_multiple %mul3A_1570, 128 : i32
        %dma_start3A_1572 = arith.constant 4 : i32
        %dma_start3A_1573 = arith.constant 1 : i32
        %dma_start3A_1574 = arith.constant 0 : i32
        %dma_start3A_1575 = arith.constant 0 : i32
        %dma_start3A_1576 = tpu.memref_slice %arg9[%dma_start3A_1572, %dma_start3A_1573, %dma_start3A_1574, %dma_start3A_1575] : memref<8x2x32x128xf32, #tpu.memory_space<vmem>> -> memref<1x1x32x128xf32, #tpu.memory_space<vmem>>
        %dma_start3A_1577 = tpu.memref_squeeze %dma_start3A_1576 : memref<1x1x32x128xf32, #tpu.memory_space<vmem>> -> memref<32x128xf32, #tpu.memory_space<vmem>>
        %dma_start3A_1578 = arith.constant 0 : i32
        %dma_start3A_1579 = tpu.memref_slice %arg4[%dma_start3A_1578, %multiple_of3A_1571] : memref<32x1000000xf32, #tpu.memory_space<hbm>> -> memref<32x128xf32, #tpu.memory_space<hbm>>
        %dma_start3A_1580 = arith.constant 0 : i32
        %dma_start3A_1581 = arith.constant 0 : i32
        %dma_start3A_1582 = tpu.memref_slice %arg9[%dma_start3A_1572, %dma_start3A_1573, %dma_start3A_1580, %dma_start3A_1581] : memref<8x2x32x128xf32, #tpu.memory_space<vmem>> -> memref<1x1x32x128xf32, #tpu.memory_space<vmem>>
        %dma_start3A_1583 = tpu.memref_squeeze %dma_start3A_1582 : memref<1x1x32x128xf32, #tpu.memory_space<vmem>> -> memref<32x128xf32, #tpu.memory_space<vmem>>
        %dma_start3A_1584 = arith.constant 0 : i32
        %dma_start3A_1585 = tpu.memref_slice %arg4[%dma_start3A_1584, %multiple_of3A_1571] : memref<32x1000000xf32, #tpu.memory_space<hbm>> -> memref<32x128xf32, #tpu.memory_space<hbm>>
        tpu.enqueue_dma source(%dma_start3A_1585 : memref<32x128xf32, #tpu.memory_space<hbm>>) target(%dma_start3A_1583 : memref<32x128xf32, #tpu.memory_space<vmem>>) target_semaphore(%arg16 : memref<!tpu.dma_semaphore, #tpu.memory_space<semaphore_mem>>)
      } else {
      }
      %add3A_1270 = arith.constant 0 : i32
      %add3A_1271 = arith.addi %mul3A_1228, %add3A_1270 : i32
      %get3A_1272 = arith.index_cast %add3A_1271 : i32 to index
      %get3A_1273 = tpu.vector_load %arg8[%get3A_1272] {strides = array<i32>} : memref<528xi32, #tpu.memory_space<vmem>>, vector<16xi32>,
      %slice3A_1274 = vector.extract_strided_slice %get3A_1273 {offsets = [0], sizes = [1], strides = [1]} : vector<16xi32> to vector<1xi32>
      %squeeze3A_1275 = vector.extract %slice3A_1274[0] : i32 from vector<1xi32>
      %and3A_1276 = arith.constant 127 : i32
      %and3A_1277 = arith.andi %squeeze3A_1275, %and3A_1276 : i32
      %broadcast_in_dim3A_1278 = vector.broadcast %and3A_1277 : i32 to vector<16xi32>
      %broadcast_in_dim3A_1279 = arith.constant 5 : i32
      %broadcast_in_dim3A_1280 = vector.broadcast %broadcast_in_dim3A_1279 : i32 to vector<16xi32>
      %broadcast_in_dim3A_1281 = arith.constant 0 : i32
      %broadcast_in_dim3A_1282 = vector.broadcast %broadcast_in_dim3A_1281 : i32 to vector<16xi32>
      %broadcast_in_dim3A_1283 = vector.broadcast %add3A_1271 : i32 to vector<16xi32>
      %add3A_1284 = arith.constant 0 : i32
      %add3A_1285 = vector.broadcast %add3A_1284 : i32 to vector<16xi32>
      %add3A_1286 = arith.addi %add3A_1285, %iota3A : vector<16xi32>
      %gather3A_1287 = tpu.vector_load_idx %arg9[%broadcast_in_dim3A_1280, %broadcast_in_dim3A_1282, %add3A_1286, %broadcast_in_dim3A_1278] : memref<8x2x32x128xf32, #tpu.memory_space<vmem>>[vector<16xi32>, vector<16xi32>, vector<16xi32>, vector<16xi32>], vector<16xf32>,
      %add3A_1288 = arith.constant 0 : i32
      %add3A_1289 = vector.broadcast %add3A_1288 : i32 to vector<16xi32>
      %add3A_1290 = arith.addi %add3A_1289, %iota3A : vector<16xi32>
      tpu.vector_store_idx %arg10[%add3A_1290, %broadcast_in_dim3A_1283], %gather3A_1287 : memref<32x512xf32, #tpu.memory_space<vmem>>[vector<16xi32>, vector<16xi32>], vector<16xf32>,
      %add3A_1291 = arith.constant 16 : i32
      %add3A_1292 = vector.broadcast %add3A_1291 : i32 to vector<16xi32>
      %add3A_1293 = arith.addi %add3A_1292, %iota3A : vector<16xi32>
      %gather3A_1294 = tpu.vector_load_idx %arg9[%broadcast_in_dim3A_1280, %broadcast_in_dim3A_1282, %add3A_1293, %broadcast_in_dim3A_1278] : memref<8x2x32x128xf32, #tpu.memory_space<vmem>>[vector<16xi32>, vector<16xi32>, vector<16xi32>, vector<16xi32>], vector<16xf32>,
      %add3A_1295 = arith.constant 16 : i32
      %add3A_1296 = vector.broadcast %add3A_1295 : i32 to vector<16xi32>
      %add3A_1297 = arith.addi %add3A_1296, %iota3A : vector<16xi32>
      tpu.vector_store_idx %arg10[%add3A_1297, %broadcast_in_dim3A_1283], %gather3A_1294 : memref<32x512xf32, #tpu.memory_space<vmem>>[vector<16xi32>, vector<16xi32>], vector<16xf32>,
      %add3A_1298 = arith.constant 1 : i32
      %add3A_1299 = arith.addi %mul3A_1228, %add3A_1298 : i32
      %get3A_1300 = arith.index_cast %add3A_1299 : i32 to index
      %get3A_1301 = tpu.vector_load %arg8[%get3A_1300] {strides = array<i32>} : memref<528xi32, #tpu.memory_space<vmem>>, vector<16xi32>,
      %slice3A_1302 = vector.extract_strided_slice %get3A_1301 {offsets = [0], sizes = [1], strides = [1]} : vector<16xi32> to vector<1xi32>
      %squeeze3A_1303 = vector.extract %slice3A_1302[0] : i32 from vector<1xi32>
      %and3A_1304 = arith.constant 127 : i32
      %and3A_1305 = arith.andi %squeeze3A_1303, %and3A_1304 : i32
      %broadcast_in_dim3A_1306 = vector.broadcast %and3A_1305 : i32 to vector<16xi32>
      %broadcast_in_dim3A_1307 = arith.constant 5 : i32
      %broadcast_in_dim3A_1308 = vector.broadcast %broadcast_in_dim3A_1307 : i32 to vector<16xi32>
      %broadcast_in_dim3A_1309 = arith.constant 1 : i32
      %broadcast_in_dim3A_1310 = vector.broadcast %broadcast_in_dim3A_1309 : i32 to vector<16xi32>
      %broadcast_in_dim3A_1311 = vector.broadcast %add3A_1299 : i32 to vector<16xi32>
      %add3A_1312 = arith.constant 0 : i32
      %add3A_1313 = vector.broadcast %add3A_1312 : i32 to vector<16xi32>
      %add3A_1314 = arith.addi %add3A_1313, %iota3A : vector<16xi32>
      %gather3A_1315 = tpu.vector_load_idx %arg9[%broadcast_in_dim3A_1308, %broadcast_in_dim3A_1310, %add3A_1314, %broadcast_in_dim3A_1306] : memref<8x2x32x128xf32, #tpu.memory_space<vmem>>[vector<16xi32>, vector<16xi32>, vector<16xi32>, vector<16xi32>], vector<16xf32>,
      %add3A_1316 = arith.constant 0 : i32
      %add3A_1317 = vector.broadcast %add3A_1316 : i32 to vector<16xi32>
      %add3A_1318 = arith.addi %add3A_1317, %iota3A : vector<16xi32>
      tpu.vector_store_idx %arg10[%add3A_1318, %broadcast_in_dim3A_1311], %gather3A_1315 : memref<32x512xf32, #tpu.memory_space<vmem>>[vector<16xi32>, vector<16xi32>], vector<16xf32>,
      %add3A_1319 = arith.constant 16 : i32
      %add3A_1320 = vector.broadcast %add3A_1319 : i32 to vector<16xi32>
      %add3A_1321 = arith.addi %add3A_1320, %iota3A : vector<16xi32>
      %gather3A_1322 = tpu.vector_load_idx %arg9[%broadcast_in_dim3A_1308, %broadcast_in_dim3A_1310, %add3A_1321, %broadcast_in_dim3A_1306] : memref<8x2x32x128xf32, #tpu.memory_space<vmem>>[vector<16xi32>, vector<16xi32>, vector<16xi32>, vector<16xi32>], vector<16xf32>,
      %add3A_1323 = arith.constant 16 : i32
      %add3A_1324 = vector.broadcast %add3A_1323 : i32 to vector<16xi32>
      %add3A_1325 = arith.addi %add3A_1324, %iota3A : vector<16xi32>
      tpu.vector_store_idx %arg10[%add3A_1325, %broadcast_in_dim3A_1311], %gather3A_1322 : memref<32x512xf32, #tpu.memory_space<vmem>>[vector<16xi32>, vector<16xi32>], vector<16xf32>,
      %mul3A_1326 = arith.constant 8 : i32
      %mul3A_1327 = arith.muli %scan3A_712, %mul3A_1326 : i32
      %add3A_1328 = arith.constant 6 : i32
      %add3A_1329 = arith.addi %mul3A_1327, %add3A_1328 : i32
      %mul3A_1330 = arith.constant 2 : i32
      %mul3A_1331 = arith.muli %add3A_1329, %mul3A_1330 : i32
      %dma_wait3A_1332 = arith.constant 6 : i32
      %dma_wait3A_1333 = arith.constant 0 : i32
      %dma_wait3A_1334 = arith.constant 0 : i32
      %dma_wait3A_1335 = arith.constant 0 : i32
      %dma_wait3A_1336 = tpu.memref_slice %arg9[%dma_wait3A_1332, %dma_wait3A_1333, %dma_wait3A_1334, %dma_wait3A_1335] : memref<8x2x32x128xf32, #tpu.memory_space<vmem>> -> memref<1x1x32x128xf32, #tpu.memory_space<vmem>>
      %dma_wait3A_1337 = tpu.memref_squeeze %dma_wait3A_1336 : memref<1x1x32x128xf32, #tpu.memory_space<vmem>> -> memref<32x128xf32, #tpu.memory_space<vmem>>
      %dma_wait3A_1338 = arith.constant 0 : i32
      %dma_wait3A_1339 = arith.constant 0 : i32
      %dma_wait3A_1340 = tpu.memref_slice %arg4[%dma_wait3A_1338, %dma_wait3A_1339] : memref<32x1000000xf32, #tpu.memory_space<hbm>> -> memref<32x128xf32, #tpu.memory_space<hbm>>
      %dma_wait3A_1341 = arith.constant 0 : i32
      %dma_wait3A_1342 = arith.constant 0 : i32
      %dma_wait3A_1343 = tpu.memref_slice %arg9[%dma_wait3A_1332, %dma_wait3A_1333, %dma_wait3A_1341, %dma_wait3A_1342] : memref<8x2x32x128xf32, #tpu.memory_space<vmem>> -> memref<1x1x32x128xf32, #tpu.memory_space<vmem>>
      %dma_wait3A_1344 = tpu.memref_squeeze %dma_wait3A_1343 : memref<1x1x32x128xf32, #tpu.memory_space<vmem>> -> memref<32x128xf32, #tpu.memory_space<vmem>>
      %dma_wait3A_1345 = arith.constant 0 : i32
      %dma_wait3A_1346 = arith.constant 0 : i32
      %dma_wait3A_1347 = tpu.memref_slice %arg4[%dma_wait3A_1345, %dma_wait3A_1346] : memref<32x1000000xf32, #tpu.memory_space<hbm>> -> memref<32x128xf32, #tpu.memory_space<hbm>>
      tpu.wait_dma2 semaphore(%arg18 : memref<!tpu.dma_semaphore, #tpu.memory_space<semaphore_mem>>) src(%dma_wait3A_1347 : memref<32x128xf32, #tpu.memory_space<hbm>>) dst(%dma_wait3A_1344 : memref<32x128xf32, #tpu.memory_space<vmem>>)
      %dma_wait3A_1348 = arith.constant 6 : i32
      %dma_wait3A_1349 = arith.constant 1 : i32
      %dma_wait3A_1350 = arith.constant 0 : i32
      %dma_wait3A_1351 = arith.constant 0 : i32
      %dma_wait3A_1352 = tpu.memref_slice %arg9[%dma_wait3A_1348, %dma_wait3A_1349, %dma_wait3A_1350, %dma_wait3A_1351] : memref<8x2x32x128xf32, #tpu.memory_space<vmem>> -> memref<1x1x32x128xf32, #tpu.memory_space<vmem>>
      %dma_wait3A_1353 = tpu.memref_squeeze %dma_wait3A_1352 : memref<1x1x32x128xf32, #tpu.memory_space<vmem>> -> memref<32x128xf32, #tpu.memory_space<vmem>>
      %dma_wait3A_1354 = arith.constant 0 : i32
      %dma_wait3A_1355 = arith.constant 0 : i32
      %dma_wait3A_1356 = tpu.memref_slice %arg4[%dma_wait3A_1354, %dma_wait3A_1355] : memref<32x1000000xf32, #tpu.memory_space<hbm>> -> memref<32x128xf32, #tpu.memory_space<hbm>>
      %dma_wait3A_1357 = arith.constant 0 : i32
      %dma_wait3A_1358 = arith.constant 0 : i32
      %dma_wait3A_1359 = tpu.memref_slice %arg9[%dma_wait3A_1348, %dma_wait3A_1349, %dma_wait3A_1357, %dma_wait3A_1358] : memref<8x2x32x128xf32, #tpu.memory_space<vmem>> -> memref<1x1x32x128xf32, #tpu.memory_space<vmem>>
      %dma_wait3A_1360 = tpu.memref_squeeze %dma_wait3A_1359 : memref<1x1x32x128xf32, #tpu.memory_space<vmem>> -> memref<32x128xf32, #tpu.memory_space<vmem>>
      %dma_wait3A_1361 = arith.constant 0 : i32
      %dma_wait3A_1362 = arith.constant 0 : i32
      %dma_wait3A_1363 = tpu.memref_slice %arg4[%dma_wait3A_1361, %dma_wait3A_1362] : memref<32x1000000xf32, #tpu.memory_space<hbm>> -> memref<32x128xf32, #tpu.memory_space<hbm>>
      tpu.wait_dma2 semaphore(%arg18 : memref<!tpu.dma_semaphore, #tpu.memory_space<semaphore_mem>>) src(%dma_wait3A_1363 : memref<32x128xf32, #tpu.memory_space<hbm>>) dst(%dma_wait3A_1360 : memref<32x128xf32, #tpu.memory_space<vmem>>)
      %add3A_1364 = arith.constant 8 : i32
      %add3A_1365 = arith.addi %add3A_1329, %add3A_1364 : i32
      %sub3A_1366 = arith.constant 1 : i32
      %sub3A_1367 = arith.subi %add3A_1365, %sub3A_1366 : i32
      %lt3A_1368 = arith.constant 256 : i32
      %lt3A_1369 = arith.cmpi slt, %sub3A_1367, %lt3A_1368 : i32
      %convert_element_type3A_1370 = arith.extui %lt3A_1369 : i1 to i32
      %cond3A_1371 = arith.constant 0 : i32
      %cond3A_1372 = arith.cmpi ne, %convert_element_type3A_1370, %cond3A_1371 : i32
      scf.if %cond3A_1372 {
        %mul3A_1532 = arith.constant 2 : i32
        %mul3A_1533 = arith.muli %sub3A_1367, %mul3A_1532 : i32
        %add3A_1534 = arith.constant 0 : i32
        %add3A_1535 = arith.addi %mul3A_1533, %add3A_1534 : i32
        %get3A_1536 = arith.index_cast %add3A_1535 : i32 to index
        %get3A_1537 = tpu.vector_load %arg8[%get3A_1536] {strides = array<i32>} : memref<528xi32, #tpu.memory_space<vmem>>, vector<16xi32>,
        %slice3A_1538 = vector.extract_strided_slice %get3A_1537 {offsets = [0], sizes = [1], strides = [1]} : vector<16xi32> to vector<1xi32>
        %squeeze3A_1539 = vector.extract %slice3A_1538[0] : i32 from vector<1xi32>
        %shift_right_arithmetic3A_1540 = arith.constant 7 : i32
        %shift_right_arithmetic3A_1541 = arith.shrsi %squeeze3A_1539, %shift_right_arithmetic3A_1540 : i32
        %mul3A_1542 = arith.constant 128 : i32
        %mul3A_1543 = arith.muli %shift_right_arithmetic3A_1541, %mul3A_1542 : i32
        %multiple_of3A_1544 = tpu.assume_multiple %mul3A_1543, 128 : i32
        %dma_start3A_1545 = arith.constant 5 : i32
        %dma_start3A_1546 = arith.constant 0 : i32
        %dma_start3A_1547 = arith.constant 0 : i32
        %dma_start3A_1548 = arith.constant 0 : i32
        %dma_start3A_1549 = tpu.memref_slice %arg9[%dma_start3A_1545, %dma_start3A_1546, %dma_start3A_1547, %dma_start3A_1548] : memref<8x2x32x128xf32, #tpu.memory_space<vmem>> -> memref<1x1x32x128xf32, #tpu.memory_space<vmem>>
        %dma_start3A_1550 = tpu.memref_squeeze %dma_start3A_1549 : memref<1x1x32x128xf32, #tpu.memory_space<vmem>> -> memref<32x128xf32, #tpu.memory_space<vmem>>
        %dma_start3A_1551 = arith.constant 0 : i32
        %dma_start3A_1552 = tpu.memref_slice %arg4[%dma_start3A_1551, %multiple_of3A_1544] : memref<32x1000000xf32, #tpu.memory_space<hbm>> -> memref<32x128xf32, #tpu.memory_space<hbm>>
        %dma_start3A_1553 = arith.constant 0 : i32
        %dma_start3A_1554 = arith.constant 0 : i32
        %dma_start3A_1555 = tpu.memref_slice %arg9[%dma_start3A_1545, %dma_start3A_1546, %dma_start3A_1553, %dma_start3A_1554] : memref<8x2x32x128xf32, #tpu.memory_space<vmem>> -> memref<1x1x32x128xf32, #tpu.memory_space<vmem>>
        %dma_start3A_1556 = tpu.memref_squeeze %dma_start3A_1555 : memref<1x1x32x128xf32, #tpu.memory_space<vmem>> -> memref<32x128xf32, #tpu.memory_space<vmem>>
        %dma_start3A_1557 = arith.constant 0 : i32
        %dma_start3A_1558 = tpu.memref_slice %arg4[%dma_start3A_1557, %multiple_of3A_1544] : memref<32x1000000xf32, #tpu.memory_space<hbm>> -> memref<32x128xf32, #tpu.memory_space<hbm>>
        tpu.enqueue_dma source(%dma_start3A_1558 : memref<32x128xf32, #tpu.memory_space<hbm>>) target(%dma_start3A_1556 : memref<32x128xf32, #tpu.memory_space<vmem>>) target_semaphore(%arg17 : memref<!tpu.dma_semaphore, #tpu.memory_space<semaphore_mem>>)
        %mul3A_1559 = arith.constant 2 : i32
        %mul3A_1560 = arith.muli %sub3A_1367, %mul3A_1559 : i32
        %add3A_1561 = arith.constant 1 : i32
        %add3A_1562 = arith.addi %mul3A_1560, %add3A_1561 : i32
        %get3A_1563 = arith.index_cast %add3A_1562 : i32 to index
        %get3A_1564 = tpu.vector_load %arg8[%get3A_1563] {strides = array<i32>} : memref<528xi32, #tpu.memory_space<vmem>>, vector<16xi32>,
        %slice3A_1565 = vector.extract_strided_slice %get3A_1564 {offsets = [0], sizes = [1], strides = [1]} : vector<16xi32> to vector<1xi32>
        %squeeze3A_1566 = vector.extract %slice3A_1565[0] : i32 from vector<1xi32>
        %shift_right_arithmetic3A_1567 = arith.constant 7 : i32
        %shift_right_arithmetic3A_1568 = arith.shrsi %squeeze3A_1566, %shift_right_arithmetic3A_1567 : i32
        %mul3A_1569 = arith.constant 128 : i32
        %mul3A_1570 = arith.muli %shift_right_arithmetic3A_1568, %mul3A_1569 : i32
        %multiple_of3A_1571 = tpu.assume_multiple %mul3A_1570, 128 : i32
        %dma_start3A_1572 = arith.constant 5 : i32
        %dma_start3A_1573 = arith.constant 1 : i32
        %dma_start3A_1574 = arith.constant 0 : i32
        %dma_start3A_1575 = arith.constant 0 : i32
        %dma_start3A_1576 = tpu.memref_slice %arg9[%dma_start3A_1572, %dma_start3A_1573, %dma_start3A_1574, %dma_start3A_1575] : memref<8x2x32x128xf32, #tpu.memory_space<vmem>> -> memref<1x1x32x128xf32, #tpu.memory_space<vmem>>
        %dma_start3A_1577 = tpu.memref_squeeze %dma_start3A_1576 : memref<1x1x32x128xf32, #tpu.memory_space<vmem>> -> memref<32x128xf32, #tpu.memory_space<vmem>>
        %dma_start3A_1578 = arith.constant 0 : i32
        %dma_start3A_1579 = tpu.memref_slice %arg4[%dma_start3A_1578, %multiple_of3A_1571] : memref<32x1000000xf32, #tpu.memory_space<hbm>> -> memref<32x128xf32, #tpu.memory_space<hbm>>
        %dma_start3A_1580 = arith.constant 0 : i32
        %dma_start3A_1581 = arith.constant 0 : i32
        %dma_start3A_1582 = tpu.memref_slice %arg9[%dma_start3A_1572, %dma_start3A_1573, %dma_start3A_1580, %dma_start3A_1581] : memref<8x2x32x128xf32, #tpu.memory_space<vmem>> -> memref<1x1x32x128xf32, #tpu.memory_space<vmem>>
        %dma_start3A_1583 = tpu.memref_squeeze %dma_start3A_1582 : memref<1x1x32x128xf32, #tpu.memory_space<vmem>> -> memref<32x128xf32, #tpu.memory_space<vmem>>
        %dma_start3A_1584 = arith.constant 0 : i32
        %dma_start3A_1585 = tpu.memref_slice %arg4[%dma_start3A_1584, %multiple_of3A_1571] : memref<32x1000000xf32, #tpu.memory_space<hbm>> -> memref<32x128xf32, #tpu.memory_space<hbm>>
        tpu.enqueue_dma source(%dma_start3A_1585 : memref<32x128xf32, #tpu.memory_space<hbm>>) target(%dma_start3A_1583 : memref<32x128xf32, #tpu.memory_space<vmem>>) target_semaphore(%arg17 : memref<!tpu.dma_semaphore, #tpu.memory_space<semaphore_mem>>)
      } else {
      }
      %add3A_1373 = arith.constant 0 : i32
      %add3A_1374 = arith.addi %mul3A_1331, %add3A_1373 : i32
      %get3A_1375 = arith.index_cast %add3A_1374 : i32 to index
      %get3A_1376 = tpu.vector_load %arg8[%get3A_1375] {strides = array<i32>} : memref<528xi32, #tpu.memory_space<vmem>>, vector<16xi32>,
      %slice3A_1377 = vector.extract_strided_slice %get3A_1376 {offsets = [0], sizes = [1], strides = [1]} : vector<16xi32> to vector<1xi32>
      %squeeze3A_1378 = vector.extract %slice3A_1377[0] : i32 from vector<1xi32>
      %and3A_1379 = arith.constant 127 : i32
      %and3A_1380 = arith.andi %squeeze3A_1378, %and3A_1379 : i32
      %broadcast_in_dim3A_1381 = vector.broadcast %and3A_1380 : i32 to vector<16xi32>
      %broadcast_in_dim3A_1382 = arith.constant 6 : i32
      %broadcast_in_dim3A_1383 = vector.broadcast %broadcast_in_dim3A_1382 : i32 to vector<16xi32>
      %broadcast_in_dim3A_1384 = arith.constant 0 : i32
      %broadcast_in_dim3A_1385 = vector.broadcast %broadcast_in_dim3A_1384 : i32 to vector<16xi32>
      %broadcast_in_dim3A_1386 = vector.broadcast %add3A_1374 : i32 to vector<16xi32>
      %add3A_1387 = arith.constant 0 : i32
      %add3A_1388 = vector.broadcast %add3A_1387 : i32 to vector<16xi32>
      %add3A_1389 = arith.addi %add3A_1388, %iota3A : vector<16xi32>
      %gather3A_1390 = tpu.vector_load_idx %arg9[%broadcast_in_dim3A_1383, %broadcast_in_dim3A_1385, %add3A_1389, %broadcast_in_dim3A_1381] : memref<8x2x32x128xf32, #tpu.memory_space<vmem>>[vector<16xi32>, vector<16xi32>, vector<16xi32>, vector<16xi32>], vector<16xf32>,
      %add3A_1391 = arith.constant 0 : i32
      %add3A_1392 = vector.broadcast %add3A_1391 : i32 to vector<16xi32>
      %add3A_1393 = arith.addi %add3A_1392, %iota3A : vector<16xi32>
      tpu.vector_store_idx %arg10[%add3A_1393, %broadcast_in_dim3A_1386], %gather3A_1390 : memref<32x512xf32, #tpu.memory_space<vmem>>[vector<16xi32>, vector<16xi32>], vector<16xf32>,
      %add3A_1394 = arith.constant 16 : i32
      %add3A_1395 = vector.broadcast %add3A_1394 : i32 to vector<16xi32>
      %add3A_1396 = arith.addi %add3A_1395, %iota3A : vector<16xi32>
      %gather3A_1397 = tpu.vector_load_idx %arg9[%broadcast_in_dim3A_1383, %broadcast_in_dim3A_1385, %add3A_1396, %broadcast_in_dim3A_1381] : memref<8x2x32x128xf32, #tpu.memory_space<vmem>>[vector<16xi32>, vector<16xi32>, vector<16xi32>, vector<16xi32>], vector<16xf32>,
      %add3A_1398 = arith.constant 16 : i32
      %add3A_1399 = vector.broadcast %add3A_1398 : i32 to vector<16xi32>
      %add3A_1400 = arith.addi %add3A_1399, %iota3A : vector<16xi32>
      tpu.vector_store_idx %arg10[%add3A_1400, %broadcast_in_dim3A_1386], %gather3A_1397 : memref<32x512xf32, #tpu.memory_space<vmem>>[vector<16xi32>, vector<16xi32>], vector<16xf32>,
      %add3A_1401 = arith.constant 1 : i32
      %add3A_1402 = arith.addi %mul3A_1331, %add3A_1401 : i32
      %get3A_1403 = arith.index_cast %add3A_1402 : i32 to index
      %get3A_1404 = tpu.vector_load %arg8[%get3A_1403] {strides = array<i32>} : memref<528xi32, #tpu.memory_space<vmem>>, vector<16xi32>,
      %slice3A_1405 = vector.extract_strided_slice %get3A_1404 {offsets = [0], sizes = [1], strides = [1]} : vector<16xi32> to vector<1xi32>
      %squeeze3A_1406 = vector.extract %slice3A_1405[0] : i32 from vector<1xi32>
      %and3A_1407 = arith.constant 127 : i32
      %and3A_1408 = arith.andi %squeeze3A_1406, %and3A_1407 : i32
      %broadcast_in_dim3A_1409 = vector.broadcast %and3A_1408 : i32 to vector<16xi32>
      %broadcast_in_dim3A_1410 = arith.constant 6 : i32
      %broadcast_in_dim3A_1411 = vector.broadcast %broadcast_in_dim3A_1410 : i32 to vector<16xi32>
      %broadcast_in_dim3A_1412 = arith.constant 1 : i32
      %broadcast_in_dim3A_1413 = vector.broadcast %broadcast_in_dim3A_1412 : i32 to vector<16xi32>
      %broadcast_in_dim3A_1414 = vector.broadcast %add3A_1402 : i32 to vector<16xi32>
      %add3A_1415 = arith.constant 0 : i32
      %add3A_1416 = vector.broadcast %add3A_1415 : i32 to vector<16xi32>
      %add3A_1417 = arith.addi %add3A_1416, %iota3A : vector<16xi32>
      %gather3A_1418 = tpu.vector_load_idx %arg9[%broadcast_in_dim3A_1411, %broadcast_in_dim3A_1413, %add3A_1417, %broadcast_in_dim3A_1409] : memref<8x2x32x128xf32, #tpu.memory_space<vmem>>[vector<16xi32>, vector<16xi32>, vector<16xi32>, vector<16xi32>], vector<16xf32>,
      %add3A_1419 = arith.constant 0 : i32
      %add3A_1420 = vector.broadcast %add3A_1419 : i32 to vector<16xi32>
      %add3A_1421 = arith.addi %add3A_1420, %iota3A : vector<16xi32>
      tpu.vector_store_idx %arg10[%add3A_1421, %broadcast_in_dim3A_1414], %gather3A_1418 : memref<32x512xf32, #tpu.memory_space<vmem>>[vector<16xi32>, vector<16xi32>], vector<16xf32>,
      %add3A_1422 = arith.constant 16 : i32
      %add3A_1423 = vector.broadcast %add3A_1422 : i32 to vector<16xi32>
      %add3A_1424 = arith.addi %add3A_1423, %iota3A : vector<16xi32>
      %gather3A_1425 = tpu.vector_load_idx %arg9[%broadcast_in_dim3A_1411, %broadcast_in_dim3A_1413, %add3A_1424, %broadcast_in_dim3A_1409] : memref<8x2x32x128xf32, #tpu.memory_space<vmem>>[vector<16xi32>, vector<16xi32>, vector<16xi32>, vector<16xi32>], vector<16xf32>,
      %add3A_1426 = arith.constant 16 : i32
      %add3A_1427 = vector.broadcast %add3A_1426 : i32 to vector<16xi32>
      %add3A_1428 = arith.addi %add3A_1427, %iota3A : vector<16xi32>
      tpu.vector_store_idx %arg10[%add3A_1428, %broadcast_in_dim3A_1414], %gather3A_1425 : memref<32x512xf32, #tpu.memory_space<vmem>>[vector<16xi32>, vector<16xi32>], vector<16xf32>,
      %mul3A_1429 = arith.constant 8 : i32
      %mul3A_1430 = arith.muli %scan3A_712, %mul3A_1429 : i32
      %add3A_1431 = arith.constant 7 : i32
      %add3A_1432 = arith.addi %mul3A_1430, %add3A_1431 : i32
      %mul3A_1433 = arith.constant 2 : i32
      %mul3A_1434 = arith.muli %add3A_1432, %mul3A_1433 : i32
      %dma_wait3A_1435 = arith.constant 7 : i32
      %dma_wait3A_1436 = arith.constant 0 : i32
      %dma_wait3A_1437 = arith.constant 0 : i32
      %dma_wait3A_1438 = arith.constant 0 : i32
      %dma_wait3A_1439 = tpu.memref_slice %arg9[%dma_wait3A_1435, %dma_wait3A_1436, %dma_wait3A_1437, %dma_wait3A_1438] : memref<8x2x32x128xf32, #tpu.memory_space<vmem>> -> memref<1x1x32x128xf32, #tpu.memory_space<vmem>>
      %dma_wait3A_1440 = tpu.memref_squeeze %dma_wait3A_1439 : memref<1x1x32x128xf32, #tpu.memory_space<vmem>> -> memref<32x128xf32, #tpu.memory_space<vmem>>
      %dma_wait3A_1441 = arith.constant 0 : i32
      %dma_wait3A_1442 = arith.constant 0 : i32
      %dma_wait3A_1443 = tpu.memref_slice %arg4[%dma_wait3A_1441, %dma_wait3A_1442] : memref<32x1000000xf32, #tpu.memory_space<hbm>> -> memref<32x128xf32, #tpu.memory_space<hbm>>
      %dma_wait3A_1444 = arith.constant 0 : i32
      %dma_wait3A_1445 = arith.constant 0 : i32
      %dma_wait3A_1446 = tpu.memref_slice %arg9[%dma_wait3A_1435, %dma_wait3A_1436, %dma_wait3A_1444, %dma_wait3A_1445] : memref<8x2x32x128xf32, #tpu.memory_space<vmem>> -> memref<1x1x32x128xf32, #tpu.memory_space<vmem>>
      %dma_wait3A_1447 = tpu.memref_squeeze %dma_wait3A_1446 : memref<1x1x32x128xf32, #tpu.memory_space<vmem>> -> memref<32x128xf32, #tpu.memory_space<vmem>>
      %dma_wait3A_1448 = arith.constant 0 : i32
      %dma_wait3A_1449 = arith.constant 0 : i32
      %dma_wait3A_1450 = tpu.memref_slice %arg4[%dma_wait3A_1448, %dma_wait3A_1449] : memref<32x1000000xf32, #tpu.memory_space<hbm>> -> memref<32x128xf32, #tpu.memory_space<hbm>>
      tpu.wait_dma2 semaphore(%arg19 : memref<!tpu.dma_semaphore, #tpu.memory_space<semaphore_mem>>) src(%dma_wait3A_1450 : memref<32x128xf32, #tpu.memory_space<hbm>>) dst(%dma_wait3A_1447 : memref<32x128xf32, #tpu.memory_space<vmem>>)
      %dma_wait3A_1451 = arith.constant 7 : i32
      %dma_wait3A_1452 = arith.constant 1 : i32
      %dma_wait3A_1453 = arith.constant 0 : i32
      %dma_wait3A_1454 = arith.constant 0 : i32
      %dma_wait3A_1455 = tpu.memref_slice %arg9[%dma_wait3A_1451, %dma_wait3A_1452, %dma_wait3A_1453, %dma_wait3A_1454] : memref<8x2x32x128xf32, #tpu.memory_space<vmem>> -> memref<1x1x32x128xf32, #tpu.memory_space<vmem>>
      %dma_wait3A_1456 = tpu.memref_squeeze %dma_wait3A_1455 : memref<1x1x32x128xf32, #tpu.memory_space<vmem>> -> memref<32x128xf32, #tpu.memory_space<vmem>>
      %dma_wait3A_1457 = arith.constant 0 : i32
      %dma_wait3A_1458 = arith.constant 0 : i32
      %dma_wait3A_1459 = tpu.memref_slice %arg4[%dma_wait3A_1457, %dma_wait3A_1458] : memref<32x1000000xf32, #tpu.memory_space<hbm>> -> memref<32x128xf32, #tpu.memory_space<hbm>>
      %dma_wait3A_1460 = arith.constant 0 : i32
      %dma_wait3A_1461 = arith.constant 0 : i32
      %dma_wait3A_1462 = tpu.memref_slice %arg9[%dma_wait3A_1451, %dma_wait3A_1452, %dma_wait3A_1460, %dma_wait3A_1461] : memref<8x2x32x128xf32, #tpu.memory_space<vmem>> -> memref<1x1x32x128xf32, #tpu.memory_space<vmem>>
      %dma_wait3A_1463 = tpu.memref_squeeze %dma_wait3A_1462 : memref<1x1x32x128xf32, #tpu.memory_space<vmem>> -> memref<32x128xf32, #tpu.memory_space<vmem>>
      %dma_wait3A_1464 = arith.constant 0 : i32
      %dma_wait3A_1465 = arith.constant 0 : i32
      %dma_wait3A_1466 = tpu.memref_slice %arg4[%dma_wait3A_1464, %dma_wait3A_1465] : memref<32x1000000xf32, #tpu.memory_space<hbm>> -> memref<32x128xf32, #tpu.memory_space<hbm>>
      tpu.wait_dma2 semaphore(%arg19 : memref<!tpu.dma_semaphore, #tpu.memory_space<semaphore_mem>>) src(%dma_wait3A_1466 : memref<32x128xf32, #tpu.memory_space<hbm>>) dst(%dma_wait3A_1463 : memref<32x128xf32, #tpu.memory_space<vmem>>)
      %add3A_1467 = arith.constant 8 : i32
      %add3A_1468 = arith.addi %add3A_1432, %add3A_1467 : i32
      %sub3A_1469 = arith.constant 1 : i32
      %sub3A_1470 = arith.subi %add3A_1468, %sub3A_1469 : i32
      %lt3A_1471 = arith.constant 256 : i32
      %lt3A_1472 = arith.cmpi slt, %sub3A_1470, %lt3A_1471 : i32
      %convert_element_type3A_1473 = arith.extui %lt3A_1472 : i1 to i32
      %cond3A_1474 = arith.constant 0 : i32
      %cond3A_1475 = arith.cmpi ne, %convert_element_type3A_1473, %cond3A_1474 : i32
      scf.if %cond3A_1475 {
        %mul3A_1532 = arith.constant 2 : i32
        %mul3A_1533 = arith.muli %sub3A_1470, %mul3A_1532 : i32
        %add3A_1534 = arith.constant 0 : i32
        %add3A_1535 = arith.addi %mul3A_1533, %add3A_1534 : i32
        %get3A_1536 = arith.index_cast %add3A_1535 : i32 to index
        %get3A_1537 = tpu.vector_load %arg8[%get3A_1536] {strides = array<i32>} : memref<528xi32, #tpu.memory_space<vmem>>, vector<16xi32>,
        %slice3A_1538 = vector.extract_strided_slice %get3A_1537 {offsets = [0], sizes = [1], strides = [1]} : vector<16xi32> to vector<1xi32>
        %squeeze3A_1539 = vector.extract %slice3A_1538[0] : i32 from vector<1xi32>
        %shift_right_arithmetic3A_1540 = arith.constant 7 : i32
        %shift_right_arithmetic3A_1541 = arith.shrsi %squeeze3A_1539, %shift_right_arithmetic3A_1540 : i32
        %mul3A_1542 = arith.constant 128 : i32
        %mul3A_1543 = arith.muli %shift_right_arithmetic3A_1541, %mul3A_1542 : i32
        %multiple_of3A_1544 = tpu.assume_multiple %mul3A_1543, 128 : i32
        %dma_start3A_1545 = arith.constant 6 : i32
        %dma_start3A_1546 = arith.constant 0 : i32
        %dma_start3A_1547 = arith.constant 0 : i32
        %dma_start3A_1548 = arith.constant 0 : i32
        %dma_start3A_1549 = tpu.memref_slice %arg9[%dma_start3A_1545, %dma_start3A_1546, %dma_start3A_1547, %dma_start3A_1548] : memref<8x2x32x128xf32, #tpu.memory_space<vmem>> -> memref<1x1x32x128xf32, #tpu.memory_space<vmem>>
        %dma_start3A_1550 = tpu.memref_squeeze %dma_start3A_1549 : memref<1x1x32x128xf32, #tpu.memory_space<vmem>> -> memref<32x128xf32, #tpu.memory_space<vmem>>
        %dma_start3A_1551 = arith.constant 0 : i32
        %dma_start3A_1552 = tpu.memref_slice %arg4[%dma_start3A_1551, %multiple_of3A_1544] : memref<32x1000000xf32, #tpu.memory_space<hbm>> -> memref<32x128xf32, #tpu.memory_space<hbm>>
        %dma_start3A_1553 = arith.constant 0 : i32
        %dma_start3A_1554 = arith.constant 0 : i32
        %dma_start3A_1555 = tpu.memref_slice %arg9[%dma_start3A_1545, %dma_start3A_1546, %dma_start3A_1553, %dma_start3A_1554] : memref<8x2x32x128xf32, #tpu.memory_space<vmem>> -> memref<1x1x32x128xf32, #tpu.memory_space<vmem>>
        %dma_start3A_1556 = tpu.memref_squeeze %dma_start3A_1555 : memref<1x1x32x128xf32, #tpu.memory_space<vmem>> -> memref<32x128xf32, #tpu.memory_space<vmem>>
        %dma_start3A_1557 = arith.constant 0 : i32
        %dma_start3A_1558 = tpu.memref_slice %arg4[%dma_start3A_1557, %multiple_of3A_1544] : memref<32x1000000xf32, #tpu.memory_space<hbm>> -> memref<32x128xf32, #tpu.memory_space<hbm>>
        tpu.enqueue_dma source(%dma_start3A_1558 : memref<32x128xf32, #tpu.memory_space<hbm>>) target(%dma_start3A_1556 : memref<32x128xf32, #tpu.memory_space<vmem>>) target_semaphore(%arg18 : memref<!tpu.dma_semaphore, #tpu.memory_space<semaphore_mem>>)
        %mul3A_1559 = arith.constant 2 : i32
        %mul3A_1560 = arith.muli %sub3A_1470, %mul3A_1559 : i32
        %add3A_1561 = arith.constant 1 : i32
        %add3A_1562 = arith.addi %mul3A_1560, %add3A_1561 : i32
        %get3A_1563 = arith.index_cast %add3A_1562 : i32 to index
        %get3A_1564 = tpu.vector_load %arg8[%get3A_1563] {strides = array<i32>} : memref<528xi32, #tpu.memory_space<vmem>>, vector<16xi32>,
        %slice3A_1565 = vector.extract_strided_slice %get3A_1564 {offsets = [0], sizes = [1], strides = [1]} : vector<16xi32> to vector<1xi32>
        %squeeze3A_1566 = vector.extract %slice3A_1565[0] : i32 from vector<1xi32>
        %shift_right_arithmetic3A_1567 = arith.constant 7 : i32
        %shift_right_arithmetic3A_1568 = arith.shrsi %squeeze3A_1566, %shift_right_arithmetic3A_1567 : i32
        %mul3A_1569 = arith.constant 128 : i32
        %mul3A_1570 = arith.muli %shift_right_arithmetic3A_1568, %mul3A_1569 : i32
        %multiple_of3A_1571 = tpu.assume_multiple %mul3A_1570, 128 : i32
        %dma_start3A_1572 = arith.constant 6 : i32
        %dma_start3A_1573 = arith.constant 1 : i32
        %dma_start3A_1574 = arith.constant 0 : i32
        %dma_start3A_1575 = arith.constant 0 : i32
        %dma_start3A_1576 = tpu.memref_slice %arg9[%dma_start3A_1572, %dma_start3A_1573, %dma_start3A_1574, %dma_start3A_1575] : memref<8x2x32x128xf32, #tpu.memory_space<vmem>> -> memref<1x1x32x128xf32, #tpu.memory_space<vmem>>
        %dma_start3A_1577 = tpu.memref_squeeze %dma_start3A_1576 : memref<1x1x32x128xf32, #tpu.memory_space<vmem>> -> memref<32x128xf32, #tpu.memory_space<vmem>>
        %dma_start3A_1578 = arith.constant 0 : i32
        %dma_start3A_1579 = tpu.memref_slice %arg4[%dma_start3A_1578, %multiple_of3A_1571] : memref<32x1000000xf32, #tpu.memory_space<hbm>> -> memref<32x128xf32, #tpu.memory_space<hbm>>
        %dma_start3A_1580 = arith.constant 0 : i32
        %dma_start3A_1581 = arith.constant 0 : i32
        %dma_start3A_1582 = tpu.memref_slice %arg9[%dma_start3A_1572, %dma_start3A_1573, %dma_start3A_1580, %dma_start3A_1581] : memref<8x2x32x128xf32, #tpu.memory_space<vmem>> -> memref<1x1x32x128xf32, #tpu.memory_space<vmem>>
        %dma_start3A_1583 = tpu.memref_squeeze %dma_start3A_1582 : memref<1x1x32x128xf32, #tpu.memory_space<vmem>> -> memref<32x128xf32, #tpu.memory_space<vmem>>
        %dma_start3A_1584 = arith.constant 0 : i32
        %dma_start3A_1585 = tpu.memref_slice %arg4[%dma_start3A_1584, %multiple_of3A_1571] : memref<32x1000000xf32, #tpu.memory_space<hbm>> -> memref<32x128xf32, #tpu.memory_space<hbm>>
        tpu.enqueue_dma source(%dma_start3A_1585 : memref<32x128xf32, #tpu.memory_space<hbm>>) target(%dma_start3A_1583 : memref<32x128xf32, #tpu.memory_space<vmem>>) target_semaphore(%arg18 : memref<!tpu.dma_semaphore, #tpu.memory_space<semaphore_mem>>)
      } else {
      }
      %add3A_1476 = arith.constant 0 : i32
      %add3A_1477 = arith.addi %mul3A_1434, %add3A_1476 : i32
      %get3A_1478 = arith.index_cast %add3A_1477 : i32 to index
      %get3A_1479 = tpu.vector_load %arg8[%get3A_1478] {strides = array<i32>} : memref<528xi32, #tpu.memory_space<vmem>>, vector<16xi32>,
      %slice3A_1480 = vector.extract_strided_slice %get3A_1479 {offsets = [0], sizes = [1], strides = [1]} : vector<16xi32> to vector<1xi32>
      %squeeze3A_1481 = vector.extract %slice3A_1480[0] : i32 from vector<1xi32>
      %and3A_1482 = arith.constant 127 : i32
      %and3A_1483 = arith.andi %squeeze3A_1481, %and3A_1482 : i32
      %broadcast_in_dim3A_1484 = vector.broadcast %and3A_1483 : i32 to vector<16xi32>
      %broadcast_in_dim3A_1485 = arith.constant 7 : i32
      %broadcast_in_dim3A_1486 = vector.broadcast %broadcast_in_dim3A_1485 : i32 to vector<16xi32>
      %broadcast_in_dim3A_1487 = arith.constant 0 : i32
      %broadcast_in_dim3A_1488 = vector.broadcast %broadcast_in_dim3A_1487 : i32 to vector<16xi32>
      %broadcast_in_dim3A_1489 = vector.broadcast %add3A_1477 : i32 to vector<16xi32>
      %add3A_1490 = arith.constant 0 : i32
      %add3A_1491 = vector.broadcast %add3A_1490 : i32 to vector<16xi32>
      %add3A_1492 = arith.addi %add3A_1491, %iota3A : vector<16xi32>
      %gather3A_1493 = tpu.vector_load_idx %arg9[%broadcast_in_dim3A_1486, %broadcast_in_dim3A_1488, %add3A_1492, %broadcast_in_dim3A_1484] : memref<8x2x32x128xf32, #tpu.memory_space<vmem>>[vector<16xi32>, vector<16xi32>, vector<16xi32>, vector<16xi32>], vector<16xf32>,
      %add3A_1494 = arith.constant 0 : i32
      %add3A_1495 = vector.broadcast %add3A_1494 : i32 to vector<16xi32>
      %add3A_1496 = arith.addi %add3A_1495, %iota3A : vector<16xi32>
      tpu.vector_store_idx %arg10[%add3A_1496, %broadcast_in_dim3A_1489], %gather3A_1493 : memref<32x512xf32, #tpu.memory_space<vmem>>[vector<16xi32>, vector<16xi32>], vector<16xf32>,
      %add3A_1497 = arith.constant 16 : i32
      %add3A_1498 = vector.broadcast %add3A_1497 : i32 to vector<16xi32>
      %add3A_1499 = arith.addi %add3A_1498, %iota3A : vector<16xi32>
      %gather3A_1500 = tpu.vector_load_idx %arg9[%broadcast_in_dim3A_1486, %broadcast_in_dim3A_1488, %add3A_1499, %broadcast_in_dim3A_1484] : memref<8x2x32x128xf32, #tpu.memory_space<vmem>>[vector<16xi32>, vector<16xi32>, vector<16xi32>, vector<16xi32>], vector<16xf32>,
      %add3A_1501 = arith.constant 16 : i32
      %add3A_1502 = vector.broadcast %add3A_1501 : i32 to vector<16xi32>
      %add3A_1503 = arith.addi %add3A_1502, %iota3A : vector<16xi32>
      tpu.vector_store_idx %arg10[%add3A_1503, %broadcast_in_dim3A_1489], %gather3A_1500 : memref<32x512xf32, #tpu.memory_space<vmem>>[vector<16xi32>, vector<16xi32>], vector<16xf32>,
      %add3A_1504 = arith.constant 1 : i32
      %add3A_1505 = arith.addi %mul3A_1434, %add3A_1504 : i32
      %get3A_1506 = arith.index_cast %add3A_1505 : i32 to index
      %get3A_1507 = tpu.vector_load %arg8[%get3A_1506] {strides = array<i32>} : memref<528xi32, #tpu.memory_space<vmem>>, vector<16xi32>,
      %slice3A_1508 = vector.extract_strided_slice %get3A_1507 {offsets = [0], sizes = [1], strides = [1]} : vector<16xi32> to vector<1xi32>
      %squeeze3A_1509 = vector.extract %slice3A_1508[0] : i32 from vector<1xi32>
      %and3A_1510 = arith.constant 127 : i32
      %and3A_1511 = arith.andi %squeeze3A_1509, %and3A_1510 : i32
      %broadcast_in_dim3A_1512 = vector.broadcast %and3A_1511 : i32 to vector<16xi32>
      %broadcast_in_dim3A_1513 = arith.constant 7 : i32
      %broadcast_in_dim3A_1514 = vector.broadcast %broadcast_in_dim3A_1513 : i32 to vector<16xi32>
      %broadcast_in_dim3A_1515 = arith.constant 1 : i32
      %broadcast_in_dim3A_1516 = vector.broadcast %broadcast_in_dim3A_1515 : i32 to vector<16xi32>
      %broadcast_in_dim3A_1517 = vector.broadcast %add3A_1505 : i32 to vector<16xi32>
      %add3A_1518 = arith.constant 0 : i32
      %add3A_1519 = vector.broadcast %add3A_1518 : i32 to vector<16xi32>
      %add3A_1520 = arith.addi %add3A_1519, %iota3A : vector<16xi32>
      %gather3A_1521 = tpu.vector_load_idx %arg9[%broadcast_in_dim3A_1514, %broadcast_in_dim3A_1516, %add3A_1520, %broadcast_in_dim3A_1512] : memref<8x2x32x128xf32, #tpu.memory_space<vmem>>[vector<16xi32>, vector<16xi32>, vector<16xi32>, vector<16xi32>], vector<16xf32>,
      %add3A_1522 = arith.constant 0 : i32
      %add3A_1523 = vector.broadcast %add3A_1522 : i32 to vector<16xi32>
      %add3A_1524 = arith.addi %add3A_1523, %iota3A : vector<16xi32>
      tpu.vector_store_idx %arg10[%add3A_1524, %broadcast_in_dim3A_1517], %gather3A_1521 : memref<32x512xf32, #tpu.memory_space<vmem>>[vector<16xi32>, vector<16xi32>], vector<16xf32>,
      %add3A_1525 = arith.constant 16 : i32
      %add3A_1526 = vector.broadcast %add3A_1525 : i32 to vector<16xi32>
      %add3A_1527 = arith.addi %add3A_1526, %iota3A : vector<16xi32>
      %gather3A_1528 = tpu.vector_load_idx %arg9[%broadcast_in_dim3A_1514, %broadcast_in_dim3A_1516, %add3A_1527, %broadcast_in_dim3A_1512] : memref<8x2x32x128xf32, #tpu.memory_space<vmem>>[vector<16xi32>, vector<16xi32>, vector<16xi32>, vector<16xi32>], vector<16xf32>,
      %add3A_1529 = arith.constant 16 : i32
      %add3A_1530 = vector.broadcast %add3A_1529 : i32 to vector<16xi32>
      %add3A_1531 = arith.addi %add3A_1530, %iota3A : vector<16xi32>
      tpu.vector_store_idx %arg10[%add3A_1531, %broadcast_in_dim3A_1517], %gather3A_1528 : memref<32x512xf32, #tpu.memory_space<vmem>>[vector<16xi32>, vector<16xi32>], vector<16xf32>,
    }
    %scan3A_711 = arith.constant 32 : i32
    "tpu.region"() ({
      %run_scoped3A = tpu.sem_alloc : memref<!tpu.dma_semaphore, #tpu.memory_space<semaphore_mem>>
      %dma_start3A_712 = arith.constant 0 : i32
      %dma_start3A_713 = tpu.memref_slice %arg5[%dma_start3A_712, %mul3A_2] : memref<32x16384xf32, #tpu.memory_space<hbm>> -> memref<32x512xf32, #tpu.memory_space<hbm>>
      %dma_start3A_714 = arith.constant 0 : i32
      %dma_start3A_715 = tpu.memref_slice %arg5[%dma_start3A_714, %mul3A_2] : memref<32x16384xf32, #tpu.memory_space<hbm>> -> memref<32x512xf32, #tpu.memory_space<hbm>>
      tpu.enqueue_dma source(%arg10 : memref<32x512xf32, #tpu.memory_space<vmem>>) target(%dma_start3A_715 : memref<32x512xf32, #tpu.memory_space<hbm>>) target_semaphore(%run_scoped3A : memref<!tpu.dma_semaphore, #tpu.memory_space<semaphore_mem>>)
      %dma_wait3A_716 = arith.constant 0 : i32
      %dma_wait3A_717 = tpu.memref_slice %arg5[%dma_wait3A_716, %mul3A_2] : memref<32x16384xf32, #tpu.memory_space<hbm>> -> memref<32x512xf32, #tpu.memory_space<hbm>>
      %dma_wait3A_718 = arith.constant 0 : i32
      %dma_wait3A_719 = tpu.memref_slice %arg5[%dma_wait3A_718, %mul3A_2] : memref<32x16384xf32, #tpu.memory_space<hbm>> -> memref<32x512xf32, #tpu.memory_space<hbm>>
      tpu.wait_dma2 semaphore(%run_scoped3A : memref<!tpu.dma_semaphore, #tpu.memory_space<semaphore_mem>>) src(%arg10 : memref<32x512xf32, #tpu.memory_space<vmem>>) dst(%dma_wait3A_719 : memref<32x512xf32, #tpu.memory_space<hbm>>)
      tpu.yield
    }) : () -> ()
    return
  }
}

</mosaic_0001>

<sc_bundles>
// kernel: kernel.3.cloned.1.call-start
scs
__scs_entry_jumppad:
0x0: {  	(pc) =	sbr.rel $0x88, $3  }
0x1: {  	(tag) =	ssettag $0x0;
	lr =	simm.s32 $0x1  }
0x2: {  	[smem:$0x3F9E] =	sst lr;
	_ =	strace $0xD0000000  }
0x3: {  	_ = 	snop  }
0x4: {  	_ = 	snop  }
0x5: {  	_ = 	snop  }
0x6: {  	_ = 	snop  }
0x7: {  	_ = 	snop  }
__scs_overlays_trampoline_lowered:
0x8: {  	[smem:$0x3FAD] =	sst s0  }
0x9: {  	[smem:$0x3FAE] =	sst s1  }
0xa: {  	[smem:$0x3FAF] =	sst s2  }
0xb: {  	[smem:$0x3FB0] =	sst s3  }
0xc: {  	[smem:$0x3FB1] =	sst s4  }
0xd: {  	[smem:$0x3FB2] =	sst s5  }
0xe: {  	[smem:$0x3FB3] =	sst s6  }
0xf: {  	[smem:$0x3FB4] =	sst s7  }
0x10: {  	[smem:$0x3FB5] =	sst s8  }
0x11: {  	[smem:$0x3FB6] =	sst s9;
	s0 =	simm.s32 @!p0 $0x0  }
0x12: {  	s1 =	sld [smem:$0x3F9C];
	s0 =	simm.s32 @p0 $0x1  }
0x13: {  	[smem:$0x3FB7] =	sst s0;
	s0 =	simm.s32 @!p1 $0x0  }
0x14: {  	s2 =	sld [smem:$0x3F9B];
	s0 =	simm.s32 @p1 $0x1  }
0x15: {  	[smem:$0x3FB8] =	sst s0;
	s0 =	simm.s32 @!p2 $0x0  }
0x16: {  	s3 =	sld [smem:$0x3FDB];
	s0 =	simm.s32 @p2 $0x1  }
0x17: {  	s4 =	simm.s32 $0x1BF5;
	[smem:$0x3FBA] =	sst s0  }
0x18: {  	s0 =	sld [smem:$0x3F9D];
	_ =	swait.ge [sflag:s4], $0x0  }
0x19: {  	s7 =	sld [smem:$0x3F9E]  }
0x1a: {  	s8 =	sadd.s32 $0xFFFFE003, lr  }
0x1b: {  	s9 =	sadd.s32 $0xFFFFFEF7, lr;
	s5 =	simm.s32 $0xFFFFFFFF;
	p2 =	slt.u32 s8, $0xFFFFF086  }
0x1c: {  	p1 =	slt.u32 s9, $0xF7A;
	s5 =	simm.s32 @!p2 $0x0  }
0x1d: {  	s5 =	simm.s32 @p1 $0x1;
	p0 =	seq.s32 s7, s2  }
0x1e: {  	s7 =	smul.u32 @!p0 $0xF7A, s2;
	p2 =	seq.s32 @!p0 s5, $0x0  }
0x1f: {  	s9 =	smul.u32 $0xF7A, s1;
	s8 =	simm.s32 @!p0 $0x1BF5;
	p2 =	por !p2, p0  }
0x20: {  	[sflag:s8] =	ssyncset.s32 @!p0 $0xFFFFF086;
	s6 =	sadd.s32 @!p0 s3, s7;
	s7 =	simm.s32 @!p0 $0x108  }
0x21: {  	s3 =	sadd.s32 s3, s9;
	s6 =	sadd.s32 @!p0 $0x88, s6;
	s7 =	simm.s32 @p2 $0x1082  }
0x22: {  	[simem:s7], [sflag:s8] =	dma.local @!p0 [hbm:s6], $0xF7A  }
0x23: {  	s9 =	sor.u32 $0xD0000000, s2;
	s6 =	simm.s32 $0x108;
	_ =	swait.ge @!p0 [sflag:s8], $0x0  }
0x24: {  	s3 =	sadd.s32 $0x88, s3;
	s6 =	simm.s32 @!p1 $0x1082;
	[sflag:s4] =	ssyncset.s32 $0xFFFFF086  }
0x25: {  	[simem:s6], [sflag:s4] =	dma.local [hbm:s3], $0xF7A  }
0x26: {  	[smem:$0x3F9E] =	sst s1;
	(tag) =	ssettag s2;
	_ =	strace s9  }
0x27: {  	s1 =	sld [smem:$0x3FAE]  }
0x28: {  	s2 =	sld [smem:$0x3FAF]  }
0x29: {  	s4 =	sld [smem:$0x3FB1]  }
0x2a: {  	p0 =	seq.s32 s5, $0x0;
	s5 =	sld [smem:$0x3FB2]  }
0x2b: {  	s6 =	sld [smem:$0x3FB3]  }
0x2c: {  	s7 =	sld [smem:$0x3FB4]  }
0x2d: {  	s3 =	simm.s32 $0x108;
	s8 =	sld [smem:$0x3FB5]  }
0x2e: {  	s3 =	simm.s32 @!p0 $0x1082;
	s9 =	sld [smem:$0x3FB6]  }
0x2f: {  	lr =	sadd.s32 s0, s3;
	s0 =	sld [smem:$0x3FAD]  }
0x30: {  	s3 =	sld [smem:$0x3FB0]  }
0x31: {  	[smem:$0x3FB9] =	sst s10  }
0x32: {  	s10 =	sld [smem:$0x3FB7];
	_ =	sdelay $0x3  }
0x33: {  	p0 =	seq.s32 s10, $0x1;
	s10 =	sld [smem:$0x3FB9];
	_ =	sdelay $0x3  }
0x34: {  	[smem:$0x3FB9] =	sst s10  }
0x35: {  	s10 =	sld [smem:$0x3FB8];
	_ =	sdelay $0x3  }
0x36: {  	p1 =	seq.s32 s10, $0x1;
	s10 =	sld [smem:$0x3FB9];
	_ =	sdelay $0x3  }
0x37: {  	[smem:$0x3FB9] =	sst s10  }
0x38: {  	s10 =	sld [smem:$0x3FBA]  }
0x39: {  	_ = 	snop;
	(pc) =	sbr.ind lr, $3  }
0x3a: {  	_ = 	snop  }
0x3b: {  	_ = 	snop  }
0x3c: {  	p2 =	seq.s32 s10, $0x1;
	s10 =	sld [smem:$0x3FB9]  }
0x3d: {  	_ =	shalt  }
0x3e: {  	_ =	shalt  }
0x3f: {  	_ =	shalt  }
0x40: {  	_ =	shalt  }
0x41: {  	_ =	shalt  }
0x42: {  	_ =	shalt  }
0x43: {  	_ =	shalt  }
0x44: {  	_ =	shalt  }
0x45: {  	_ =	shalt  }
0x46: {  	_ =	shalt  }
0x47: {  	_ =	shalt  }
0x48: {  	_ =	shalt  }
0x49: {  	_ =	shalt  }
0x4a: {  	_ =	shalt  }
0x4b: {  	_ =	shalt  }
0x4c: {  	_ =	shalt  }
0x4d: {  	_ =	shalt  }
0x4e: {  	_ =	shalt  }
0x4f: {  	_ =	shalt  }
0x50: {  	_ =	shalt  }
0x51: {  	_ =	shalt  }
0x52: {  	_ =	shalt  }
0x53: {  	_ =	shalt  }
0x54: {  	_ =	shalt  }
0x55: {  	_ =	shalt  }
0x56: {  	_ =	shalt  }
0x57: {  	_ =	shalt  }
0x58: {  	_ =	shalt  }
0x59: {  	_ =	shalt  }
0x5a: {  	_ =	shalt  }
0x5b: {  	_ =	shalt  }
0x5c: {  	_ =	shalt  }
0x5d: {  	_ =	shalt  }
0x5e: {  	_ =	shalt  }
0x5f: {  	_ =	shalt  }
0x60: {  	_ =	shalt  }
0x61: {  	_ =	shalt  }
0x62: {  	_ =	shalt  }
0x63: {  	_ =	shalt  }
0x64: {  	_ =	shalt  }
0x65: {  	_ =	shalt  }
0x66: {  	_ =	shalt  }
0x67: {  	_ =	shalt  }
0x68: {  	_ =	shalt  }
0x69: {  	_ =	shalt  }
0x6a: {  	_ =	shalt  }
0x6b: {  	_ =	shalt  }
0x6c: {  	_ =	shalt  }
0x6d: {  	_ =	shalt  }
0x6e: {  	_ =	shalt  }
0x6f: {  	_ =	shalt  }
0x70: {  	_ =	shalt  }
0x71: {  	_ =	shalt  }
0x72: {  	_ =	shalt  }
0x73: {  	_ =	shalt  }
0x74: {  	_ =	shalt  }
0x75: {  	_ =	shalt  }
0x76: {  	_ =	shalt  }
0x77: {  	_ =	shalt  }
0x78: {  	_ =	shalt  }
0x79: {  	_ =	shalt  }
0x7a: {  	_ =	shalt  }
0x7b: {  	_ =	shalt  }
0x7c: {  	_ =	shalt  }
0x7d: {  	_ =	shalt  }
0x7e: {  	_ =	shalt  }
0x7f: {  	_ =	shalt  }
0x80: {  	_ =	shalt  }
0x81: {  	_ =	shalt  }
0x82: {  	_ =	shalt  }
0x83: {  	_ =	shalt  }
0x84: {  	_ =	shalt  }
0x85: {  	_ =	shalt  }
0x86: {  	_ =	shalt  }
0x87: {  	_ =	shalt  }
.Lfunc_end0:
.L_simem_size_0:
called_computation_lowered:
.L_overlay_start_0:
0x88: {  	s2 =	sld [smem:$0x3FD9]  }
0x89: {  	s3 =	sld [smem:$0x3FFE];
	_ =	sdelay $0x1  }
0x8a: {  	s1 =	srdreg.scid  }
0x8b: {  	s0 =	sand.u32 $0x1, s1  }
0x8c: {  	s18 =	sshll.u32 s0, $0xA;
	s2 =	sadd.s32 s3, s2  }
0x8d: {  	s2 =	sadd.s32 s2, s18  }
0x8e: {  	[smem:$0x3FC5] =	sst s2  }
0x8f: {  	_ = 	snop  }
0x90: {  	s2 =	sld [smem:$0x3FC9]  }
0x91: {  	s19 =	sld [smem:$0x3FC8]  }
0x92: {  	s4 =	sld [smem:$0x3FC7]  }
0x93: {  	s5 =	sld [smem:$0x3FD0];
	(tm) =	ssettm $0x1  }
0x94: {  	s6 =	sld [smem:$0x3FFB];
	_ =	sdelay $0x3  }
0x95: {  	_ =	strace s6  }
0x96: {  	s6 =	sld [smem:$0x3FFC];
	_ =	sdelay $0x3  }
0x97: {  	_ =	strace s6  }
0x98: {  	s6 =	sld [smem:$0x3FFD];
	_ =	sdelay $0x3  }
0x99: {  	_ =	strace s6  }
0x9a: {  	_ =	strace $0x8FFFFFFF  }
0x9b: {  	s20 =	sld [smem:$0x3FDB];
	_ =	sdelay $0x1  }
0x9c: {  	s7 =	simm.s32 $_scs_section_size  }
0x9d: {  	s8 =	simm.s32 $_size__tile_overlayer_lowered;
	s9 =	simm.s32 $_tile_overlayer_lowered  }
0x9e: {  	s23 =	simm.s32 $0x1BFF;
	s22 =	sshll.u32 s9, $0x1;
	s6 =	sadd.s32 s7, s20  }
0x9f: {  	s10 =	simm.s32 $0x0;
	s21 =	sshll.u32 s8, $0x1;
	s8 =	sadd.s32 s22, s6  }
0xa0: {  	[timem:s10], [sflag:s23] =	dma.local [hbm:s8], s21  }
0xa1: {  	_ =	swait.ge [sflag:s23], s21  }
0xa2: {  	s7 =	ssub.s32 $0x0, s21;
	[sflag:s23] =	ssyncset.done $0x0  }
0xa3: {  	[sflag:s23] =	ssyncadd.s32 s7;
	_ =	sdelay $0x1  }
0xa4: {  	s24 =	simm.s32 $0x1B8B  }
0xa5: {  	_ =	swait.ge [sflag:s24], $0x1  }
0xa6: {  	[sflag:s24] =	ssyncset.done $0x0  }
0xa7: {  	s25 =	simm.s32 $0x1B8E;
	[sflag:s24] =	ssyncadd.s32 $0xFFFFFFFF  }
0xa8: {  	s26 =	simm.s32 $execute0_lowered;
	[smem:$0x3FD2] =	sst s25  }
0xa9: {  	s7 =	sshll.u32 s26, $0x1;
	_ =	strace $0x80000046;
	[dreg:$0x1] =	wrdreg $0xFFFFFFFF  }
0xaa: {  	s28 =	simm.s32 $_size_execute0_lowered;
	s6 =	sadd.s32 s6, s7;
	[dreg:$0x0] =	wrdreg $0x0  }
0xab: {  	s7 =	sshll.u32 s28, $0x1;
	[dreg:$0x2] =	wrdreg s6  }
0xac: {  	[dreg:$0x3] =	wrdreg s7  }
0xad: {  	[dreg:$0x4] =	wrdreg $0xC0  }
0xae: {  	_ =	task [dreg:s10], $0x5FFFF  }
0xaf: {  	[dreg:$0x1] =	wrdreg $0xFFFFFFFF  }
0xb0: {  	[dreg:$0x0] =	wrdreg $0x60  }
0xb1: {  	[dreg:$0x2] =	wrdreg s2  }
0xb2: {  	[dreg:$0x3] =	wrdreg s19  }
0xb3: {  	[dreg:$0x4] =	wrdreg s4  }
0xb4: {  	[dreg:$0x5] =	wrdreg s5  }
0xb5: {  	[dreg:$0x6] =	wrdreg $0x9  }
0xb6: {  	_ =	task.clear_ibuf [dreg:s10], $0x7FFFF;
	_ =	strace $0x90000046  }
0xb7: {  	s29 =	simm.s32 $0x9;
	_ =	strace $0x80000048  }
0xb8: {  	_ =	swait.ge [sflag:s29], $0x1  }
0xb9: {  	[sflag:s29] =	ssyncadd.s32 $0xFFFFFFFF  }
0xba: {  	_ =	strace $0x90000048  }
0xbb: {  	_ =	sfence  }
0xbc: {  	s30 =	sld [smem:$0x0];
	_ =	sdelay $0x2  }
0xbd: {  	s31 =	sshll.u32 s1, $0xD;
	s1 =	sshrl.u32 s1, $0x2  }
0xbe: {  	s3 =	sand.u32 $0x4000, s31;
	s1 =	sadd.s32 s1, s30  }
0xbf: {  	s0 =	sor.u32 s3, s0;
	s1 =	sshll.u32 s1, $0x11  }
0xc0: {  	s0 =	sor.u32 s1, s0  }
0xc1: {  	s0 =	sadd.s32 $0x8F2B, s0  }
0xc2: {  	[sflag:s0] =	ssyncadd.remote.s32 $0x1  }
0xc3: {  	_ =	sfence.sel $0xFFFF  }
0xc4: {  	[dreg:$0x0] =	wrdreg $0xFFFFFFFF;
	(pc) =	sbr.abs _section_cstart, $3  }
0xc5: {  	[dreg:$0x1] =	wrdreg $0xFFFFFFFF  }
0xc6: {  	_ =	task.clear_ibuf [dreg:s10], $0x2FFFF;
	_ =	strace $0x9FFFFFFF  }
0xc7: {  	(tm) =	ssettm $0x7FFFFFFF  }
tec
execute0_lowered:
.L_overlay_start_1:
0x0: {  	(tag) =	ssettag $0x1  }
0x1: {  	v8 =	vlaneseq.u32  }
0x2: {  	v9 =	vimm.s32 $0x1380;
	vm0 =	vcmask $0x300;
	v10 =	vimm.s32 $0x3380  }
0x3: {  	vm1 =	vcmask $0x704;
	vm15 =	vcmask $0xB08;
	vm4 =	vcmask $0xF0C  }
0x4: {  	vm5 =	vcmask $0x1310;
	vm6 =	vcmask $0x1714;
	vm7 =	vcmask $0x1B18  }
0x5: {  	vm8 =	vcmask $0x1F1C;
	vm9 =	vcmask $0x2320;
	vm10 =	vcmask $0x2724  }
0x6: {  	vm11 =	vcmask $0x2B28;
	vm12 =	vcmask $0x2F2C;
	vm13 =	vcmask $0x3330  }
0x7: {  	v0 =	vor.u32 $0xFFFFFF80, v8;
	v1 =	vor.u32 $0xFFFFFF90, v8;
	v2 =	vor.u32 $0xFFFFFFA0, v8  }
0x8: {  	v3 =	vor.u32 $0xFFFFFFB0, v8;
	v4 =	vor.u32 $0xFFFFFFC0, v8;
	v5 =	vor.u32 $0xFFFFFFD0, v8  }
0x9: {  	v6 =	vor.u32 $0xFFFFFFE0, v8;
	v7 =	vor.u32 $0xFFFFFFF0, v8;
	v9 =	vsel vm0, $0x0, v9  }
0xa: {  	v8 =	vmul.u32 $0x80, v8;
	v10 =	vsel vm0, $0x2000, v10;
	v9 =	vsel vm1, $0x80, v9  }
0xb: {  	vm14 =	vcmask $0x3734;
	v10 =	vsel vm1, $0x2080, v10;
	v9 =	vsel vm15, $0x100, v9  }
0xc: {  	v10 =	vsel vm15, $0x2100, v10;
	vm15 =	vcmask $0x3B38;
	v12 =	vor.u32 $0x1000, v8  }
0xd: {  	v13 =	vor.u32 $0x1800, v8;
	v14 =	vor.u32 $0x2000, v8;
	v15 =	vor.u32 $0x2800, v8  }
0xe: {  	s1 =	rddreg [dreg:$0x0];
	v16 =	vor.u32 $0x3000, v8;
	v17 =	vor.u32 $0x3800, v8;
	v18 =	vor.u32 $0x4000, v8  }
0xf: {  	s2 =	rddreg [dreg:$0x1];
	v19 =	vor.u32 $0x4800, v8;
	v20 =	vor.u32 $0x5000, v8;
	v21 =	vor.u32 $0x5800, v8  }
0x10: {  	s0 =	rddreg [dreg:$0x2];
	v22 =	vor.u32 $0x6000, v8;
	v23 =	vor.u32 $0x6800, v8;
	v24 =	vor.u32 $0x7000, v8  }
0x11: {  	s3 =	rddreg [dreg:$0x3];
	s4 =	srdreg.scid;
	s6 =	simm.s32 $0x0;
	v25 =	vor.u32 $0x7800, v8;
	v26 =	vor.u32 $0x8000, v8;
	v27 =	vor.u32 $0x8800, v8  }
0x12: {  	s10 =	simm.s32 $0xA;
	s11 =	simm.s32 $0x400;
	s12 =	simm.s32 $0x20000;
	v28 =	vor.u32 $0x9000, v8;
	v29 =	vor.u32 $0x9800, v8;
	v30 =	vor.u32 $0xA000, v8  }
0x13: {  	s5 =	stileid.u32;
	s14 =	simm.s32 $0x200;
	s15 =	simm.s32 $0x7A1400;
	v31 =	vor.u32 $0xA800, v8;
	v9 =	vsel vm4, $0x180, v9;
	v10 =	vsel vm4, $0x2180, v10  }
0x14: {  	s16 =	simm.s32 $0x1;
	s17 =	simm.s32 $0x6880;
	s30 =	simm.s32 $0x14880;
	v32 =	vor.u32 $0xB000, v8;
	v9 =	vsel vm5, $0x200, v9;
	v10 =	vsel vm5, $0x2200, v10  }
0x15: {  	s31 =	simm.s32 $0x15880;
	s18 =	simm.s32 $0x4;
	s19 =	simm.s32 $0x5;
	v33 =	vor.u32 $0xB800, v8;
	v9 =	vsel vm6, $0x280, v9;
	v10 =	vsel vm6, $0x2280, v10  }
0x16: {  	s20 =	simm.s32 $0x6;
	s21 =	simm.s32 $0x7;
	s22 =	simm.s32 $0x8;
	v34 =	vor.u32 $0xC000, v8;
	v9 =	vsel vm7, $0x300, v9;
	v10 =	vsel vm7, $0x2300, v10  }
0x17: {  	s23 =	simm.s32 $0x9;
	s25 =	simm.s32 $0x0;
	s4 =	sand.u32 $0x1, s4;
	v35 =	vor.u32 $0xC800, v8;
	v9 =	vsel vm8, $0x380, v9;
	v10 =	vsel vm8, $0x2380, v10  }
0x18: {  	[smem:$0x7FF] =	sst s6;
	s5 =	sshll.u32 s5, $0xA;
	s26 =	sshll.u32 s4, $0x9;
	v36 =	vor.u32 $0xD000, v8;
	v9 =	vsel vm9, $0x1000, v9;
	v10 =	vsel vm9, $0x3000, v10  }
0x19: {  	_ =	strace $0x80000047;
	s7 =	ssub.s32 $0x2, s4;
	[dreg:$0x5] =	wrdreg s30;
	v37 =	vor.u32 $0xD800, v8;
	v9 =	vsel vm10, $0x1080, v9;
	v10 =	vsel vm10, $0x3080, v10  }
0x1a: {  	[dreg:$0x6] =	wrdreg s31;
	s9 =	sor.u32 s26, s5;
	s28 =	sshrl.u32 s7, $0x1;
	v38 =	vor.u32 $0xE000, v8;
	v9 =	vsel vm11, $0x1100, v9;
	v10 =	vsel vm11, $0x3100, v10  }
0x1b: {  	v39 =	vor.u32 $0xE800, v8;
	s6 =	sshrl.u32 s9, $0x3;
	s4 =	sadd.s32 s1, s9;
	s29 =	ssub.s32 s7, s28;
	v9 =	vsel vm12, $0x1180, v9;
	v10 =	vsel vm12, $0x3180, v10  }
0x1c: {  	v40 =	vor.u32 $0xF000, v8;
	s9 =	sadd.s32 s3, s9;
	s1 =	simm.s32 $0x2;
	s3 =	simm.s32 $0x3;
	v9 =	vsel vm13, $0x1200, v9;
	v10 =	vsel vm13, $0x3200, v10  }
0x1d: {  	v41 =	vor.u32 $0xF800, v8;
	s5 =	sadd.s32 s2, s6;
	s6 =	sadd.s32 $0x80, s4;
	s7 =	sadd.s32 $0x100, s4;
	v9 =	vsel vm14, $0x1280, v9;
	v11 =	vsel vm14, $0x3280, v10  }
0x1e: {  	s8 =	sadd.s32 $0x180, s4;
	s13 =	smax.u32 s29, $0x1;
	s2 =	simm.s32 $0x16880;
	v10 =	vor.u32 $0x800, v8;
	v9 =	vsel vm15, $0x1300, v9;
	v11 =	vsel vm15, $0x3300, v11  }
.LBB2_1:
0x1f: {  	s24 =	simm.s32 $0x0  }
0x20: {  	[tilespmem:s24], [sflag:$0xA] =	stream.linear.gather [hbm4b:s5+s24], $0x200, $0x38;
	[tilespmem:$0x1A880] =	vst v63  }
0x21: {  	_ =	swait.ge [sflag:s10], $0x200  }
0x22: {  	[sflag:s10] =	ssyncset.done $0x0  }
0x23: {  	[sflag:s10] =	ssyncadd.s32 $0xFFFFFE00  }
0x24: {  	[tilespmem:s14], [sflag:$0x1] =	stream.strided.gather [hbm4b:s4+s11], $0x6400, s12, s11, $0x38;
	[tilespmem:$0x1A880] =	vst v63  }
0x25: {  	_ =	swait.ge [sflag:s16], $0x6400  }
0x26: {  	[sflag:s16] =	ssyncset.done $0x0  }
0x27: {  	[sflag:s16] =	ssyncadd.s32 $0xFFFF9C00  }
0x28: {  	v42 =	vld [tilespmem:$0x0];
	_ =	sdelay $0x4  }
0x29: {  	v42 =	vshll.u32 v42, $0x7  }
0x2a: {  	v43 =	vld [tilespmem:$0x10];
	v42 =	vadd.s32 v0, v42;
	_ =	sdelay $0x4  }
0x2b: {  	v43 =	vshll.u32 v43, $0x7;
	v42 =	vld.idx.msk [tilespmem:v42+s14+$0x0], $0xffff  }
0x2c: {  	v44 =	vld [tilespmem:$0x20];
	v43 =	vadd.s32 v1, v43;
	_ =	sdelay $0x3  }
0x2d: {  	[tilespmem:$0x6600] =	vst v42  }
0x2e: {  	v44 =	vshll.u32 v44, $0x7;
	v43 =	vld.idx.msk [tilespmem:v43+s14+$0x0], $0xffff  }
0x2f: {  	v45 =	vld [tilespmem:$0x30];
	v44 =	vadd.s32 v2, v44;
	_ =	sdelay $0x3  }
0x30: {  	[tilespmem:$0x6610] =	vst v43  }
0x31: {  	v51 =	vshll.u32 v45, $0x7;
	v43 =	vld.idx.msk [tilespmem:v44+s14+$0x0], $0xffff  }
0x32: {  	v52 =	vld [tilespmem:$0x40];
	v44 =	vadd.s32 v3, v51;
	_ =	sdelay $0x3  }
0x33: {  	[tilespmem:$0x6620] =	vst v43  }
0x34: {  	v53 =	vshll.u32 v52, $0x7;
	v43 =	vld.idx.msk [tilespmem:v44+s14+$0x0], $0xffff  }
0x35: {  	v54 =	vld [tilespmem:$0x50];
	v44 =	vadd.s32 v4, v53;
	_ =	sdelay $0x3  }
0x36: {  	[tilespmem:$0x6630] =	vst v43  }
0x37: {  	v55 =	vshll.u32 v54, $0x7;
	v43 =	vld.idx.msk [tilespmem:v44+s14+$0x0], $0xffff  }
0x38: {  	v56 =	vld [tilespmem:$0x60];
	v44 =	vadd.s32 v5, v55;
	_ =	sdelay $0x3  }
0x39: {  	[tilespmem:$0x6640] =	vst v43  }
0x3a: {  	v57 =	vshll.u32 v56, $0x7;
	(v2sf) =	vpush v42, $0x0;
	v43 =	vld.idx.msk [tilespmem:v44+s14+$0x0], $0xffff  }
0x3b: {  	v59 =	vld [tilespmem:$0x70];
	v58 =	vadd.s32 v6, v57;
	_ =	sdelay $0x3  }
0x3c: {  	[tilespmem:$0x6650] =	vst v43  }
0x3d: {  	v60 =	vshll.u32 v59, $0x7;
	v42 =	vld.idx.msk [tilespmem:v58+s14+$0x0], $0xffff  }
0x3e: {  	v43 =	vadd.s32 v7, v60;
	_ =	sdelay $0x3  }
0x3f: {  	[tilespmem:$0x6660] =	vst v42  }
0x40: {  	v42 =	vld.idx.msk [tilespmem:v43+s14+$0x0], $0xffff;
	_ =	sdelay $0x2  }
0x41: {  	s26 =	spop (v2sf)  }
0x42: {  	s26 =	sand.u32 $0xFFFFF80, s26  }
0x43: {  	s26 =	sadd.s32 s0, s26;
	[tilespmem:$0x6670] =	vst v42  }
0x44: {  	[tilespmem:s17], [sflag:$0x2] =	stream.strided.gather [hbm4b:s26+s11], $0x1000, s15, s11, $0x38;
	[tilespmem:$0x1A880] =	vst v63  }
0x45: {  	v61 =	vld [tilespmem:$0x6601];
	_ =	sdelay $0x4  }
0x46: {  	(v2sf) =	vpush v61, $0x0;
	_ =	sdelay $0xe  }
0x47: {  	s30 =	spop (v2sf)  }
0x48: {  	s26 =	sand.u32 $0xFFFFF80, s30  }
0x49: {  	s31 =	simm.s32 $0x7880;
	s26 =	sadd.s32 s0, s26  }
0x4a: {  	[tilespmem:s31], [sflag:$0x2] =	stream.strided.gather [hbm4b:s26+s11], $0x1000, s15, s11, $0x38;
	[tilespmem:$0x1A880] =	vst v63  }
0x4b: {  	v62 =	vld [tilespmem:$0x6602];
	_ =	sdelay $0x4  }
0x4c: {  	(v2sf) =	vpush v62, $0x0;
	_ =	sdelay $0xe  }
0x4d: {  	s24 =	spop (v2sf)  }
0x4e: {  	s26 =	sand.u32 $0xFFFFF80, s24  }
0x4f: {  	s29 =	simm.s32 $0x8880;
	s26 =	sadd.s32 s0, s26  }
0x50: {  	[tilespmem:s29], [sflag:$0x3] =	stream.strided.gather [hbm4b:s26+s11], $0x1000, s15, s11, $0x38;
	[tilespmem:$0x1A880] =	vst v63  }
0x51: {  	v63 =	vld [tilespmem:$0x6603];
	_ =	sdelay $0x4  }
0x52: {  	(v2sf) =	vpush v63, $0x0;
	_ =	sdelay $0xe  }
0x53: {  	s30 =	spop (v2sf)  }
0x54: {  	s26 =	sand.u32 $0xFFFFF80, s30  }
0x55: {  	s31 =	simm.s32 $0x9880;
	s26 =	sadd.s32 s0, s26  }
0x56: {  	[tilespmem:s31], [sflag:$0x3] =	stream.strided.gather [hbm4b:s26+s11], $0x1000, s15, s11, $0x38;
	[tilespmem:$0x1A880] =	vst v63  }
0x57: {  	v45 =	vld [tilespmem:$0x6604];
	_ =	sdelay $0x4  }
0x58: {  	(v2sf) =	vpush v45, $0x0;
	_ =	sdelay $0xe  }
0x59: {  	s24 =	spop (v2sf)  }
0x5a: {  	s26 =	sand.u32 $0xFFFFF80, s24  }
0x5b: {  	s29 =	simm.s32 $0xA880;
	s26 =	sadd.s32 s0, s26  }
0x5c: {  	[tilespmem:s29], [sflag:$0x4] =	stream.strided.gather [hbm4b:s26+s11], $0x1000, s15, s11, $0x38;
	[tilespmem:$0x1A880] =	vst v63  }
0x5d: {  	v46 =	vld [tilespmem:$0x6605];
	_ =	sdelay $0x4  }
0x5e: {  	(v2sf) =	vpush v46, $0x0;
	_ =	sdelay $0xe  }
0x5f: {  	s30 =	spop (v2sf)  }
0x60: {  	s26 =	sand.u32 $0xFFFFF80, s30  }
0x61: {  	s31 =	simm.s32 $0xB880;
	s26 =	sadd.s32 s0, s26  }
0x62: {  	[tilespmem:s31], [sflag:$0x4] =	stream.strided.gather [hbm4b:s26+s11], $0x1000, s15, s11, $0x38;
	[tilespmem:$0x1A880] =	vst v63  }
0x63: {  	v47 =	vld [tilespmem:$0x6606];
	_ =	sdelay $0x4  }
0x64: {  	(v2sf) =	vpush v47, $0x0;
	_ =	sdelay $0xe  }
0x65: {  	s24 =	spop (v2sf)  }
0x66: {  	s26 =	sand.u32 $0xFFFFF80, s24  }
0x67: {  	s29 =	simm.s32 $0xC880;
	s26 =	sadd.s32 s0, s26  }
0x68: {  	[tilespmem:s29], [sflag:$0x5] =	stream.strided.gather [hbm4b:s26+s11], $0x1000, s15, s11, $0x38;
	[tilespmem:$0x1A880] =	vst v63  }
0x69: {  	v48 =	vld [tilespmem:$0x6607];
	_ =	sdelay $0x4  }
0x6a: {  	(v2sf) =	vpush v48, $0x0;
	_ =	sdelay $0xe  }
0x6b: {  	s30 =	spop (v2sf)  }
0x6c: {  	s26 =	sand.u32 $0xFFFFF80, s30  }
0x6d: {  	s31 =	simm.s32 $0xD880;
	s26 =	sadd.s32 s0, s26  }
0x6e: {  	[tilespmem:s31], [sflag:$0x5] =	stream.strided.gather [hbm4b:s26+s11], $0x1000, s15, s11, $0x38;
	[tilespmem:$0x1A880] =	vst v63  }
0x6f: {  	v49 =	vld [tilespmem:$0x6608];
	_ =	sdelay $0x4  }
0x70: {  	(v2sf) =	vpush v49, $0x0;
	_ =	sdelay $0xe  }
0x71: {  	s24 =	spop (v2sf)  }
0x72: {  	s26 =	sand.u32 $0xFFFFF80, s24  }
0x73: {  	s29 =	simm.s32 $0xE880;
	s26 =	sadd.s32 s0, s26  }
0x74: {  	[tilespmem:s29], [sflag:$0x6] =	stream.strided.gather [hbm4b:s26+s11], $0x1000, s15, s11, $0x38;
	[tilespmem:$0x1A880] =	vst v63  }
0x75: {  	v50 =	vld [tilespmem:$0x6609];
	_ =	sdelay $0x4  }
0x76: {  	(v2sf) =	vpush v50, $0x0;
	_ =	sdelay $0xe  }
0x77: {  	s30 =	spop (v2sf)  }
0x78: {  	s26 =	sand.u32 $0xFFFFF80, s30  }
0x79: {  	s31 =	simm.s32 $0xF880;
	s26 =	sadd.s32 s0, s26  }
0x7a: {  	[tilespmem:s31], [sflag:$0x6] =	stream.strided.gather [hbm4b:s26+s11], $0x1000, s15, s11, $0x38;
	[tilespmem:$0x1A880] =	vst v63  }
0x7b: {  	v51 =	vld [tilespmem:$0x660A];
	_ =	sdelay $0x4  }
0x7c: {  	(v2sf) =	vpush v51, $0x0;
	_ =	sdelay $0xe  }
0x7d: {  	s24 =	spop (v2sf)  }
0x7e: {  	s26 =	sand.u32 $0xFFFFF80, s24  }
0x7f: {  	s29 =	simm.s32 $0x10880;
	s26 =	sadd.s32 s0, s26  }
0x80: {  	[tilespmem:s29], [sflag:$0x7] =	stream.strided.gather [hbm4b:s26+s11], $0x1000, s15, s11, $0x38;
	[tilespmem:$0x1A880] =	vst v63  }
0x81: {  	v52 =	vld [tilespmem:$0x660B];
	_ =	sdelay $0x4  }
0x82: {  	(v2sf) =	vpush v52, $0x0;
	_ =	sdelay $0xe  }
0x83: {  	s30 =	spop (v2sf)  }
0x84: {  	s26 =	sand.u32 $0xFFFFF80, s30  }
0x85: {  	s31 =	simm.s32 $0x11880;
	s26 =	sadd.s32 s0, s26  }
0x86: {  	[tilespmem:s31], [sflag:$0x7] =	stream.strided.gather [hbm4b:s26+s11], $0x1000, s15, s11, $0x38;
	[tilespmem:$0x1A880] =	vst v63  }
0x87: {  	v53 =	vld [tilespmem:$0x660C];
	_ =	sdelay $0x4  }
0x88: {  	(v2sf) =	vpush v53, $0x0;
	_ =	sdelay $0xe  }
0x89: {  	s24 =	spop (v2sf)  }
0x8a: {  	s26 =	sand.u32 $0xFFFFF80, s24  }
0x8b: {  	s29 =	simm.s32 $0x12880;
	s26 =	sadd.s32 s0, s26  }
0x8c: {  	[tilespmem:s29], [sflag:$0x8] =	stream.strided.gather [hbm4b:s26+s11], $0x1000, s15, s11, $0x38;
	[tilespmem:$0x1A880] =	vst v63  }
0x8d: {  	v54 =	vld [tilespmem:$0x660D];
	_ =	sdelay $0x4  }
0x8e: {  	(v2sf) =	vpush v54, $0x0;
	_ =	sdelay $0xe  }
0x8f: {  	s30 =	spop (v2sf)  }
0x90: {  	s26 =	sand.u32 $0xFFFFF80, s30  }
0x91: {  	s31 =	simm.s32 $0x13880;
	s26 =	sadd.s32 s0, s26  }
0x92: {  	[tilespmem:s31], [sflag:$0x8] =	stream.strided.gather [hbm4b:s26+s11], $0x1000, s15, s11, $0x38;
	[tilespmem:$0x1A880] =	vst v63  }
0x93: {  	_ = 	snop  }
0x94: {  	[tilespmem:s14], [sflag:$0x1] =	stream.strided.gather [hbm4b:s6+s11], $0x6400, s12, s11, $0x38;
	[tilespmem:$0x1A880] =	vst v63  }
0x95: {  	_ =	swait.ge [sflag:s16], $0x6400  }
0x96: {  	[sflag:s16] =	ssyncset.done $0x0  }
0x97: {  	[sflag:s16] =	ssyncadd.s32 $0xFFFF9C00  }
0x98: {  	v55 =	vld [tilespmem:$0x80];
	_ =	sdelay $0x4  }
0x99: {  	v42 =	vshll.u32 v55, $0x7  }
0x9a: {  	v56 =	vld [tilespmem:$0x90];
	v42 =	vadd.s32 v0, v42;
	_ =	sdelay $0x4  }
0x9b: {  	v43 =	vshll.u32 v56, $0x7;
	v42 =	vld.idx.msk [tilespmem:v42+s14+$0x0], $0xffff  }
0x9c: {  	v57 =	vld [tilespmem:$0xA0];
	v43 =	vadd.s32 v1, v43;
	_ =	sdelay $0x3  }
0x9d: {  	[tilespmem:$0x6680] =	vst v42  }
0x9e: {  	v58 =	vshll.u32 v57, $0x7;
	v42 =	vld.idx.msk [tilespmem:v43+s14+$0x0], $0xffff  }
0x9f: {  	v59 =	vld [tilespmem:$0xB0];
	v43 =	vadd.s32 v2, v58;
	_ =	sdelay $0x3  }
0xa0: {  	[tilespmem:$0x6690] =	vst v42  }
0xa1: {  	v60 =	vshll.u32 v59, $0x7;
	v42 =	vld.idx.msk [tilespmem:v43+s14+$0x0], $0xffff  }
0xa2: {  	v61 =	vld [tilespmem:$0xC0];
	v43 =	vadd.s32 v3, v60;
	_ =	sdelay $0x3  }
0xa3: {  	[tilespmem:$0x66A0] =	vst v42  }
0xa4: {  	v62 =	vshll.u32 v61, $0x7;
	v42 =	vld.idx.msk [tilespmem:v43+s14+$0x0], $0xffff  }
0xa5: {  	v63 =	vld [tilespmem:$0xD0];
	v43 =	vadd.s32 v4, v62;
	_ =	sdelay $0x3  }
0xa6: {  	[tilespmem:$0x66B0] =	vst v42  }
0xa7: {  	v48 =	vshll.u32 v63, $0x7;
	v42 =	vld.idx.msk [tilespmem:v43+s14+$0x0], $0xffff  }
0xa8: {  	v49 =	vld [tilespmem:$0xE0];
	v43 =	vadd.s32 v5, v48;
	_ =	sdelay $0x3  }
0xa9: {  	[tilespmem:$0x66C0] =	vst v42  }
0xaa: {  	v50 =	vshll.u32 v49, $0x7;
	v42 =	vld.idx.msk [tilespmem:v43+s14+$0x0], $0xffff  }
0xab: {  	v51 =	vld [tilespmem:$0xF0];
	v43 =	vadd.s32 v6, v50;
	_ =	sdelay $0x3  }
0xac: {  	[tilespmem:$0x66D0] =	vst v42  }
0xad: {  	v52 =	vshll.u32 v51, $0x7;
	v42 =	vld.idx.msk [tilespmem:v43+s14+$0x0], $0xffff  }
0xae: {  	v43 =	vadd.s32 v7, v52;
	_ =	sdelay $0x3  }
0xaf: {  	[tilespmem:$0x66E0] =	vst v42  }
0xb0: {  	v42 =	vld.idx.msk [tilespmem:v43+s14+$0x0], $0xffff;
	_ =	sdelay $0x4  }
0xb1: {  	[tilespmem:$0x66F0] =	vst v42  }
0xb2: {  	[tilespmem:s14], [sflag:$0x1] =	stream.strided.gather [hbm4b:s7+s11], $0x6400, s12, s11, $0x38;
	[tilespmem:$0x1A880] =	vst v63  }
0xb3: {  	_ =	swait.ge [sflag:s16], $0x6400  }
0xb4: {  	[sflag:s16] =	ssyncset.done $0x0  }
0xb5: {  	[sflag:s16] =	ssyncadd.s32 $0xFFFF9C00  }
0xb6: {  	v53 =	vld [tilespmem:$0x100];
	_ =	sdelay $0x4  }
0xb7: {  	v42 =	vshll.u32 v53, $0x7  }
0xb8: {  	v54 =	vld [tilespmem:$0x110];
	v42 =	vadd.s32 v0, v42;
	_ =	sdelay $0x4  }
0xb9: {  	v43 =	vshll.u32 v54, $0x7;
	v42 =	vld.idx.msk [tilespmem:v42+s14+$0x0], $0xffff  }
0xba: {  	v55 =	vld [tilespmem:$0x120];
	v43 =	vadd.s32 v1, v43;
	_ =	sdelay $0x3  }
0xbb: {  	[tilespmem:$0x6700] =	vst v42  }
0xbc: {  	v56 =	vshll.u32 v55, $0x7;
	v42 =	vld.idx.msk [tilespmem:v43+s14+$0x0], $0xffff  }
0xbd: {  	v57 =	vld [tilespmem:$0x130];
	v43 =	vadd.s32 v2, v56;
	_ =	sdelay $0x3  }
0xbe: {  	[tilespmem:$0x6710] =	vst v42  }
0xbf: {  	v58 =	vshll.u32 v57, $0x7;
	v42 =	vld.idx.msk [tilespmem:v43+s14+$0x0], $0xffff  }
0xc0: {  	v59 =	vld [tilespmem:$0x140];
	v43 =	vadd.s32 v3, v58;
	_ =	sdelay $0x3  }
0xc1: {  	[tilespmem:$0x6720] =	vst v42  }
0xc2: {  	v60 =	vshll.u32 v59, $0x7;
	v42 =	vld.idx.msk [tilespmem:v43+s14+$0x0], $0xffff  }
0xc3: {  	v61 =	vld [tilespmem:$0x150];
	v43 =	vadd.s32 v4, v60;
	_ =	sdelay $0x3  }
0xc4: {  	[tilespmem:$0x6730] =	vst v42  }
0xc5: {  	v62 =	vshll.u32 v61, $0x7;
	v42 =	vld.idx.msk [tilespmem:v43+s14+$0x0], $0xffff  }
0xc6: {  	v63 =	vld [tilespmem:$0x160];
	v43 =	vadd.s32 v5, v62;
	_ =	sdelay $0x3  }
0xc7: {  	[tilespmem:$0x6740] =	vst v42  }
0xc8: {  	v47 =	vshll.u32 v63, $0x7;
	v42 =	vld.idx.msk [tilespmem:v43+s14+$0x0], $0xffff  }
0xc9: {  	v48 =	vld [tilespmem:$0x170];
	v43 =	vadd.s32 v6, v47;
	_ =	sdelay $0x3  }
0xca: {  	[tilespmem:$0x6750] =	vst v42  }
0xcb: {  	v49 =	vshll.u32 v48, $0x7;
	v42 =	vld.idx.msk [tilespmem:v43+s14+$0x0], $0xffff  }
0xcc: {  	v43 =	vadd.s32 v7, v49;
	_ =	sdelay $0x3  }
0xcd: {  	[tilespmem:$0x6760] =	vst v42  }
0xce: {  	v42 =	vld.idx.msk [tilespmem:v43+s14+$0x0], $0xffff;
	_ =	sdelay $0x4  }
0xcf: {  	[tilespmem:$0x6770] =	vst v42  }
0xd0: {  	[tilespmem:s14], [sflag:$0x1] =	stream.strided.gather [hbm4b:s8+s11], $0x6400, s12, s11, $0x38;
	[tilespmem:$0x1A880] =	vst v63  }
0xd1: {  	_ =	swait.ge [sflag:s16], $0x6400  }
0xd2: {  	[sflag:s16] =	ssyncset.done $0x0  }
0xd3: {  	[sflag:s16] =	ssyncadd.s32 $0xFFFF9C00  }
0xd4: {  	v50 =	vld [tilespmem:$0x180];
	_ =	sdelay $0x4  }
0xd5: {  	v42 =	vshll.u32 v50, $0x7  }
0xd6: {  	v51 =	vld [tilespmem:$0x190];
	v42 =	vadd.s32 v0, v42;
	_ =	sdelay $0x4  }
0xd7: {  	v43 =	vshll.u32 v51, $0x7;
	v42 =	vld.idx.msk [tilespmem:v42+s14+$0x0], $0xffff  }
0xd8: {  	v52 =	vld [tilespmem:$0x1A0];
	v43 =	vadd.s32 v1, v43;
	_ =	sdelay $0x3  }
0xd9: {  	[tilespmem:$0x6780] =	vst v42  }
0xda: {  	v53 =	vshll.u32 v52, $0x7;
	v42 =	vld.idx.msk [tilespmem:v43+s14+$0x0], $0xffff  }
0xdb: {  	v54 =	vld [tilespmem:$0x1B0];
	v43 =	vadd.s32 v2, v53;
	_ =	sdelay $0x3  }
0xdc: {  	[tilespmem:$0x6790] =	vst v42  }
0xdd: {  	v55 =	vshll.u32 v54, $0x7;
	v42 =	vld.idx.msk [tilespmem:v43+s14+$0x0], $0xffff  }
0xde: {  	v56 =	vld [tilespmem:$0x1C0];
	v43 =	vadd.s32 v3, v55;
	_ =	sdelay $0x3  }
0xdf: {  	[tilespmem:$0x67A0] =	vst v42  }
0xe0: {  	v57 =	vshll.u32 v56, $0x7;
	v42 =	vld.idx.msk [tilespmem:v43+s14+$0x0], $0xffff  }
0xe1: {  	v58 =	vld [tilespmem:$0x1D0];
	v43 =	vadd.s32 v4, v57;
	_ =	sdelay $0x3  }
0xe2: {  	[tilespmem:$0x67B0] =	vst v42  }
0xe3: {  	v59 =	vshll.u32 v58, $0x7;
	v42 =	vld.idx.msk [tilespmem:v43+s14+$0x0], $0xffff  }
0xe4: {  	v60 =	vld [tilespmem:$0x1E0];
	v43 =	vadd.s32 v5, v59;
	_ =	sdelay $0x3  }
0xe5: {  	[tilespmem:$0x67C0] =	vst v42  }
0xe6: {  	v61 =	vshll.u32 v60, $0x7;
	v42 =	vld.idx.msk [tilespmem:v43+s14+$0x0], $0xffff  }
0xe7: {  	v62 =	vld [tilespmem:$0x1F0];
	v43 =	vadd.s32 v6, v61;
	_ =	sdelay $0x3  }
0xe8: {  	[tilespmem:$0x67D0] =	vst v42  }
0xe9: {  	v63 =	vshll.u32 v62, $0x7;
	v42 =	vld.idx.msk [tilespmem:v43+s14+$0x0], $0xffff  }
0xea: {  	v43 =	vadd.s32 v7, v63;
	_ =	sdelay $0x3  }
0xeb: {  	[tilespmem:$0x67E0] =	vst v42  }
0xec: {  	v42 =	vld.idx.msk [tilespmem:v43+s14+$0x0], $0xffff;
	_ =	sdelay $0x4  }
0xed: {  	s28 =	simm.s32 $0x0;
	s26 =	simm.s32 $0x660F;
	[tilespmem:$0x67F0] =	vst v42  }
.LBB2_2:
0xee: {  	_ =	swait.ge [sflag:s1], $0x1000  }
0xef: {  	[sflag:s1] =	ssyncset.done $0x0  }
0xf0: {  	[sflag:s1] =	ssyncadd.s32 $0xFFFFF000  }
0xf1: {  	_ =	swait.ge [sflag:s1], $0x1000  }
0xf2: {  	[sflag:s1] =	ssyncset.done $0x0  }
0xf3: {  	[sflag:s1] =	ssyncadd.s32 $0xFFFFF000  }
0xf4: {  	v42 =	vld [tilespmem:s26+$0xFFFFFFFF];
	_ =	sdelay $0x4  }
0xf5: {  	(v2sf) =	vpush v42, $0x0;
	_ =	sdelay $0xe  }
0xf6: {  	s29 =	spop (v2sf)  }
0xf7: {  	s29 =	sand.u32 $0xFFFFF80, s29  }
0xf8: {  	s30 =	rddreg [dreg:$0x5];
	s29 =	sadd.s32 s0, s29  }
0xf9: {  	[tilespmem:s30], [sflag:$0x9] =	stream.strided.gather [hbm4b:s29+s11], $0x1000, s15, s11, $0x38;
	[tilespmem:$0x1A880] =	vst v63  }
0xfa: {  	v58 =	vld [tilespmem:s26+$0x0];
	_ =	sdelay $0x4  }
0xfb: {  	(v2sf) =	vpush v58, $0x0;
	_ =	sdelay $0xe  }
0xfc: {  	s31 =	spop (v2sf)  }
0xfd: {  	s29 =	sand.u32 $0xFFFFF80, s31  }
0xfe: {  	s24 =	rddreg [dreg:$0x6];
	s29 =	sadd.s32 s0, s29  }
0xff: {  	[tilespmem:s24], [sflag:$0x9] =	stream.strided.gather [hbm4b:s29+s11], $0x1000, s15, s11, $0x38;
	[tilespmem:$0x1A880] =	vst v63  }
0x100: {  	v59 =	vld [tilespmem:s26+$0xFFFFFFF1];
	_ =	sdelay $0x4  }
0x101: {  	(v2sf) =	vpush v59, $0x0;
	_ =	sdelay $0xe  }
0x102: {  	s30 =	spop (v2sf)  }
0x103: {  	s29 =	sand.u32 $0x7F, s30  }
0x104: {  	v60 =	vor.u32 s29, v8  }
0x105: {  	v43 =	vmov s28  }
0x106: {  	v44 =	vshll.u32 v43, $0x3  }
0x107: {  	v43 =	vand.u32 $0x70, v43;
	v44 =	vand.u32 $0xC00, v44  }
0x108: {  	v43 =	vor.u32 v43, v44  }
0x109: {  	v44 =	vor.u32 v9, v43;
	v42 =	vld.idx.msk [tilespmem:v60+s17+$0x0], $0xffff  }
0x10a: {  	v45 =	vor.u32 s29, v10;
	_ =	sdelay $0x3  }
0x10b: {  	[tilespmem:v44+s2+$0x0] =	vst.idx.msk $0xffff, v42  }
0x10c: {  	v43 =	vor.u32 v11, v43;
	v42 =	vld.idx.msk [tilespmem:v45+s17+$0x0], $0xffff;
	_ =	sdelay $0x4  }
0x10d: {  	[tilespmem:v43+s2+$0x0] =	vst.idx.msk $0xffff, v42  }
0x10e: {  	v42 =	vld [tilespmem:s26+$0xFFFFFFF2];
	_ =	sdelay $0x4  }
0x10f: {  	(v2sf) =	vpush v42, $0x0;
	_ =	sdelay $0xe  }
0x110: {  	s31 =	spop (v2sf)  }
0x111: {  	s29 =	sand.u32 $0x7F, s31  }
0x112: {  	s24 =	sadd.s32 $0x1, s28;
	v61 =	vor.u32 s29, v12  }
0x113: {  	v62 =	vmov s24  }
0x114: {  	v63 =	vshll.u32 v62, $0x3  }
0x115: {  	v44 =	vand.u32 $0xC00, v63;
	v43 =	vand.u32 $0x71, v62  }
0x116: {  	v43 =	vor.u32 v43, v44  }
0x117: {  	v44 =	vor.u32 v9, v43;
	v42 =	vld.idx.msk [tilespmem:v61+s17+$0x0], $0xffff  }
0x118: {  	v48 =	vor.u32 s29, v13;
	_ =	sdelay $0x3  }
0x119: {  	[tilespmem:v44+s2+$0x0] =	vst.idx.msk $0xffff, v42  }
0x11a: {  	v43 =	vor.u32 v11, v43;
	v42 =	vld.idx.msk [tilespmem:v48+s17+$0x0], $0xffff;
	_ =	sdelay $0x4  }
0x11b: {  	[tilespmem:v43+s2+$0x0] =	vst.idx.msk $0xffff, v42  }
0x11c: {  	_ =	swait.ge [sflag:s3], $0x1000  }
0x11d: {  	[sflag:s3] =	ssyncset.done $0x0  }
0x11e: {  	[sflag:s3] =	ssyncadd.s32 $0xFFFFF000  }
0x11f: {  	_ =	swait.ge [sflag:s3], $0x1000  }
0x120: {  	[sflag:s3] =	ssyncset.done $0x0  }
0x121: {  	p0 =	seq.s32 s28, $0x1F0;
	[sflag:s3] =	ssyncadd.s32 $0xFFFFF000  }
0x122: {  	v42 =	vld @!p0 [tilespmem:s26+$0x1];
	_ =	sdelay $0x4  }
0x123: {  	(v2sf) =	vpush @!p0 v42, $0x0;
	_ =	sdelay $0xe  }
0x124: {  	s29 =	spop @!p0 (v2sf)  }
0x125: {  	s24 =	simm.s32 @!p0 $0x6880;
	s29 =	sand.u32 @!p0 $0xFFFFF80, s29  }
0x126: {  	s30 =	simm.s32 @!p0 $0x7A1400;
	s31 =	sadd.s32 @!p0 s0, s29;
	s29 =	simm.s32 @!p0 $0x400  }
0x127: {  	[tilespmem:s24], [sflag:$0x2] =	stream.strided.gather @!p0 [hbm4b:s31+s29], $0x1000, s30, s29, $0x38;
	[tilespmem:$0x1A880] =	vst v63  }
0x128: {  	v42 =	vld @!p0 [tilespmem:s26+$0x2];
	_ =	sdelay $0x4  }
0x129: {  	(v2sf) =	vpush @!p0 v42, $0x0;
	_ =	sdelay $0xe  }
0x12a: {  	s24 =	spop @!p0 (v2sf)  }
0x12b: {  	s24 =	sand.u32 @!p0 $0xFFFFF80, s24  }
0x12c: {  	s31 =	simm.s32 @!p0 $0x7880;
	s24 =	sadd.s32 @!p0 s0, s24  }
0x12d: {  	[tilespmem:s31], [sflag:$0x2] =	stream.strided.gather @!p0 [hbm4b:s24+s29], $0x1000, s30, s29, $0x38;
	[tilespmem:$0x1A880] =	vst v63  }
0x12e: {  	v49 =	vld [tilespmem:s26+$0xFFFFFFF3];
	_ =	sdelay $0x4  }
0x12f: {  	(v2sf) =	vpush v49, $0x0;
	_ =	sdelay $0xe  }
0x130: {  	s31 =	spop (v2sf)  }
0x131: {  	s24 =	sand.u32 $0x7F, s31  }
0x132: {  	s31 =	sadd.s32 $0x2, s28;
	v50 =	vor.u32 s24, v14  }
0x133: {  	v51 =	vmov s31  }
0x134: {  	v52 =	vshll.u32 v51, $0x3  }
0x135: {  	v43 =	vand.u32 $0x72, v51;
	v44 =	vand.u32 $0xC00, v52  }
0x136: {  	v43 =	vor.u32 v43, v44  }
0x137: {  	v44 =	vor.u32 v9, v43;
	v42 =	vld.idx.msk [tilespmem:v50+s17+$0x0], $0xffff  }
0x138: {  	v53 =	vor.u32 s24, v15;
	_ =	sdelay $0x3  }
0x139: {  	[tilespmem:v44+s2+$0x0] =	vst.idx.msk $0xffff, v42  }
0x13a: {  	v43 =	vor.u32 v11, v43;
	v42 =	vld.idx.msk [tilespmem:v53+s17+$0x0], $0xffff;
	_ =	sdelay $0x4  }
0x13b: {  	[tilespmem:v43+s2+$0x0] =	vst.idx.msk $0xffff, v42  }
0x13c: {  	v42 =	vld [tilespmem:s26+$0xFFFFFFF4];
	_ =	sdelay $0x4  }
0x13d: {  	(v2sf) =	vpush v42, $0x0;
	_ =	sdelay $0xe  }
0x13e: {  	s31 =	spop (v2sf)  }
0x13f: {  	s24 =	sand.u32 $0x7F, s31  }
0x140: {  	s31 =	sadd.s32 $0x3, s28;
	v54 =	vor.u32 s24, v16  }
0x141: {  	v55 =	vmov s31  }
0x142: {  	v56 =	vshll.u32 v55, $0x3  }
0x143: {  	v43 =	vand.u32 $0x73, v55;
	v44 =	vand.u32 $0xC00, v56  }
0x144: {  	v43 =	vor.u32 v43, v44  }
0x145: {  	v44 =	vor.u32 v9, v43;
	v42 =	vld.idx.msk [tilespmem:v54+s17+$0x0], $0xffff  }
0x146: {  	v57 =	vor.u32 s24, v17;
	_ =	sdelay $0x3  }
0x147: {  	[tilespmem:v44+s2+$0x0] =	vst.idx.msk $0xffff, v42  }
0x148: {  	v43 =	vor.u32 v11, v43;
	v42 =	vld.idx.msk [tilespmem:v57+s17+$0x0], $0xffff;
	_ =	sdelay $0x4  }
0x149: {  	[tilespmem:v43+s2+$0x0] =	vst.idx.msk $0xffff, v42  }
0x14a: {  	_ =	swait.ge [sflag:s18], $0x1000  }
0x14b: {  	[sflag:s18] =	ssyncset.done $0x0  }
0x14c: {  	[sflag:s18] =	ssyncadd.s32 $0xFFFFF000  }
0x14d: {  	_ =	swait.ge [sflag:s18], $0x1000  }
0x14e: {  	[sflag:s18] =	ssyncset.done $0x0  }
0x14f: {  	[sflag:s18] =	ssyncadd.s32 $0xFFFFF000  }
0x150: {  	v42 =	vld @!p0 [tilespmem:s26+$0x3];
	_ =	sdelay $0x4  }
0x151: {  	(v2sf) =	vpush @!p0 v42, $0x0;
	_ =	sdelay $0xe  }
0x152: {  	s24 =	spop @!p0 (v2sf)  }
0x153: {  	s24 =	sand.u32 @!p0 $0xFFFFF80, s24  }
0x154: {  	s31 =	simm.s32 @!p0 $0x8880;
	s24 =	sadd.s32 @!p0 s0, s24  }
0x155: {  	[tilespmem:s31], [sflag:$0x3] =	stream.strided.gather @!p0 [hbm4b:s24+s29], $0x1000, s30, s29, $0x38;
	[tilespmem:$0x1A880] =	vst v63  }
0x156: {  	v42 =	vld @!p0 [tilespmem:s26+$0x4];
	_ =	sdelay $0x4  }
0x157: {  	(v2sf) =	vpush @!p0 v42, $0x0;
	_ =	sdelay $0xe  }
0x158: {  	s24 =	spop @!p0 (v2sf)  }
0x159: {  	s24 =	sand.u32 @!p0 $0xFFFFF80, s24  }
0x15a: {  	s31 =	simm.s32 @!p0 $0x9880;
	s24 =	sadd.s32 @!p0 s0, s24  }
0x15b: {  	[tilespmem:s31], [sflag:$0x3] =	stream.strided.gather @!p0 [hbm4b:s24+s29], $0x1000, s30, s29, $0x38;
	[tilespmem:$0x1A880] =	vst v63  }
0x15c: {  	v58 =	vld [tilespmem:s26+$0xFFFFFFF5];
	_ =	sdelay $0x4  }
0x15d: {  	(v2sf) =	vpush v58, $0x0;
	_ =	sdelay $0xe  }
0x15e: {  	s31 =	spop (v2sf)  }
0x15f: {  	s24 =	sand.u32 $0x7F, s31  }
0x160: {  	s31 =	sadd.s32 $0x4, s28;
	v59 =	vor.u32 s24, v18  }
0x161: {  	v60 =	vmov s31  }
0x162: {  	v61 =	vshll.u32 v60, $0x3  }
0x163: {  	v43 =	vand.u32 $0x74, v60;
	v44 =	vand.u32 $0xC00, v61  }
0x164: {  	v43 =	vor.u32 v43, v44  }
0x165: {  	v44 =	vor.u32 v9, v43;
	v42 =	vld.idx.msk [tilespmem:v59+s17+$0x0], $0xffff  }
0x166: {  	v62 =	vor.u32 s24, v19;
	_ =	sdelay $0x3  }
0x167: {  	[tilespmem:v44+s2+$0x0] =	vst.idx.msk $0xffff, v42  }
0x168: {  	v43 =	vor.u32 v11, v43;
	v42 =	vld.idx.msk [tilespmem:v62+s17+$0x0], $0xffff;
	_ =	sdelay $0x4  }
0x169: {  	[tilespmem:v43+s2+$0x0] =	vst.idx.msk $0xffff, v42  }
0x16a: {  	v42 =	vld [tilespmem:s26+$0xFFFFFFF6];
	_ =	sdelay $0x4  }
0x16b: {  	(v2sf) =	vpush v42, $0x0;
	_ =	sdelay $0xe  }
0x16c: {  	s31 =	spop (v2sf)  }
0x16d: {  	s24 =	sand.u32 $0x7F, s31  }
0x16e: {  	s31 =	sadd.s32 $0x5, s28;
	v63 =	vor.u32 s24, v20  }
0x16f: {  	v48 =	vmov s31  }
0x170: {  	v49 =	vshll.u32 v48, $0x3  }
0x171: {  	v43 =	vand.u32 $0x75, v48;
	v44 =	vand.u32 $0xC00, v49  }
0x172: {  	v43 =	vor.u32 v43, v44  }
0x173: {  	v44 =	vor.u32 v9, v43;
	v42 =	vld.idx.msk [tilespmem:v63+s17+$0x0], $0xffff  }
0x174: {  	v50 =	vor.u32 s24, v21;
	_ =	sdelay $0x3  }
0x175: {  	[tilespmem:v44+s2+$0x0] =	vst.idx.msk $0xffff, v42  }
0x176: {  	v43 =	vor.u32 v11, v43;
	v42 =	vld.idx.msk [tilespmem:v50+s17+$0x0], $0xffff;
	_ =	sdelay $0x4  }
0x177: {  	[tilespmem:v43+s2+$0x0] =	vst.idx.msk $0xffff, v42  }
0x178: {  	_ =	swait.ge [sflag:s19], $0x1000  }
0x179: {  	[sflag:s19] =	ssyncset.done $0x0  }
0x17a: {  	[sflag:s19] =	ssyncadd.s32 $0xFFFFF000  }
0x17b: {  	_ =	swait.ge [sflag:s19], $0x1000  }
0x17c: {  	[sflag:s19] =	ssyncset.done $0x0  }
0x17d: {  	[sflag:s19] =	ssyncadd.s32 $0xFFFFF000  }
0x17e: {  	v42 =	vld @!p0 [tilespmem:s26+$0x5];
	_ =	sdelay $0x4  }
0x17f: {  	(v2sf) =	vpush @!p0 v42, $0x0;
	_ =	sdelay $0xe  }
0x180: {  	s24 =	spop @!p0 (v2sf)  }
0x181: {  	s24 =	sand.u32 @!p0 $0xFFFFF80, s24  }
0x182: {  	s31 =	simm.s32 @!p0 $0xA880;
	s24 =	sadd.s32 @!p0 s0, s24  }
0x183: {  	[tilespmem:s31], [sflag:$0x4] =	stream.strided.gather @!p0 [hbm4b:s24+s29], $0x1000, s30, s29, $0x38;
	[tilespmem:$0x1A880] =	vst v63  }
0x184: {  	v42 =	vld @!p0 [tilespmem:s26+$0x6];
	_ =	sdelay $0x4  }
0x185: {  	(v2sf) =	vpush @!p0 v42, $0x0;
	_ =	sdelay $0xe  }
0x186: {  	s24 =	spop @!p0 (v2sf)  }
0x187: {  	s24 =	sand.u32 @!p0 $0xFFFFF80, s24  }
0x188: {  	s31 =	simm.s32 @!p0 $0xB880;
	s24 =	sadd.s32 @!p0 s0, s24  }
0x189: {  	[tilespmem:s31], [sflag:$0x4] =	stream.strided.gather @!p0 [hbm4b:s24+s29], $0x1000, s30, s29, $0x38;
	[tilespmem:$0x1A880] =	vst v63  }
0x18a: {  	v51 =	vld [tilespmem:s26+$0xFFFFFFF7];
	_ =	sdelay $0x4  }
0x18b: {  	(v2sf) =	vpush v51, $0x0;
	_ =	sdelay $0xe  }
0x18c: {  	s31 =	spop (v2sf)  }
0x18d: {  	s24 =	sand.u32 $0x7F, s31  }
0x18e: {  	s31 =	sadd.s32 $0x6, s28;
	v52 =	vor.u32 s24, v22  }
0x18f: {  	v53 =	vmov s31  }
0x190: {  	v54 =	vshll.u32 v53, $0x3  }
0x191: {  	v43 =	vand.u32 $0x76, v53;
	v44 =	vand.u32 $0xC00, v54  }
0x192: {  	v43 =	vor.u32 v43, v44  }
0x193: {  	v44 =	vor.u32 v9, v43;
	v42 =	vld.idx.msk [tilespmem:v52+s17+$0x0], $0xffff  }
0x194: {  	v55 =	vor.u32 s24, v23;
	_ =	sdelay $0x3  }
0x195: {  	[tilespmem:v44+s2+$0x0] =	vst.idx.msk $0xffff, v42  }
0x196: {  	v43 =	vor.u32 v11, v43;
	v42 =	vld.idx.msk [tilespmem:v55+s17+$0x0], $0xffff;
	_ =	sdelay $0x4  }
0x197: {  	[tilespmem:v43+s2+$0x0] =	vst.idx.msk $0xffff, v42  }
0x198: {  	v42 =	vld [tilespmem:s26+$0xFFFFFFF8];
	_ =	sdelay $0x4  }
0x199: {  	(v2sf) =	vpush v42, $0x0;
	_ =	sdelay $0xe  }
0x19a: {  	s31 =	spop (v2sf)  }
0x19b: {  	s24 =	sand.u32 $0x7F, s31  }
0x19c: {  	s31 =	sadd.s32 $0x7, s28;
	v56 =	vor.u32 s24, v24  }
0x19d: {  	v57 =	vmov s31  }
0x19e: {  	v58 =	vshll.u32 v57, $0x3  }
0x19f: {  	v43 =	vand.u32 $0x77, v57;
	v44 =	vand.u32 $0xC00, v58  }
0x1a0: {  	v43 =	vor.u32 v43, v44  }
0x1a1: {  	v44 =	vor.u32 v9, v43;
	v42 =	vld.idx.msk [tilespmem:v56+s17+$0x0], $0xffff  }
0x1a2: {  	v59 =	vor.u32 s24, v25;
	_ =	sdelay $0x3  }
0x1a3: {  	[tilespmem:v44+s2+$0x0] =	vst.idx.msk $0xffff, v42  }
0x1a4: {  	v43 =	vor.u32 v11, v43;
	v42 =	vld.idx.msk [tilespmem:v59+s17+$0x0], $0xffff;
	_ =	sdelay $0x4  }
0x1a5: {  	[tilespmem:v43+s2+$0x0] =	vst.idx.msk $0xffff, v42  }
0x1a6: {  	_ =	swait.ge [sflag:s20], $0x1000  }
0x1a7: {  	[sflag:s20] =	ssyncset.done $0x0  }
0x1a8: {  	[sflag:s20] =	ssyncadd.s32 $0xFFFFF000  }
0x1a9: {  	_ =	swait.ge [sflag:s20], $0x1000  }
0x1aa: {  	[sflag:s20] =	ssyncset.done $0x0  }
0x1ab: {  	[sflag:s20] =	ssyncadd.s32 $0xFFFFF000  }
0x1ac: {  	v42 =	vld @!p0 [tilespmem:s26+$0x7];
	_ =	sdelay $0x4  }
0x1ad: {  	(v2sf) =	vpush @!p0 v42, $0x0;
	_ =	sdelay $0xe  }
0x1ae: {  	s24 =	spop @!p0 (v2sf)  }
0x1af: {  	s24 =	sand.u32 @!p0 $0xFFFFF80, s24  }
0x1b0: {  	s31 =	simm.s32 @!p0 $0xC880;
	s24 =	sadd.s32 @!p0 s0, s24  }
0x1b1: {  	[tilespmem:s31], [sflag:$0x5] =	stream.strided.gather @!p0 [hbm4b:s24+s29], $0x1000, s30, s29, $0x38;
	[tilespmem:$0x1A880] =	vst v63  }
0x1b2: {  	v42 =	vld @!p0 [tilespmem:s26+$0x8];
	_ =	sdelay $0x4  }
0x1b3: {  	(v2sf) =	vpush @!p0 v42, $0x0;
	_ =	sdelay $0xe  }
0x1b4: {  	s24 =	spop @!p0 (v2sf)  }
0x1b5: {  	s24 =	sand.u32 @!p0 $0xFFFFF80, s24  }
0x1b6: {  	s31 =	simm.s32 @!p0 $0xD880;
	s24 =	sadd.s32 @!p0 s0, s24  }
0x1b7: {  	[tilespmem:s31], [sflag:$0x5] =	stream.strided.gather @!p0 [hbm4b:s24+s29], $0x1000, s30, s29, $0x38;
	[tilespmem:$0x1A880] =	vst v63  }
0x1b8: {  	v60 =	vld [tilespmem:s26+$0xFFFFFFF9];
	_ =	sdelay $0x4  }
0x1b9: {  	(v2sf) =	vpush v60, $0x0;
	_ =	sdelay $0xe  }
0x1ba: {  	s31 =	spop (v2sf)  }
0x1bb: {  	s24 =	sand.u32 $0x7F, s31  }
0x1bc: {  	s31 =	sadd.s32 $0x8, s28;
	v61 =	vor.u32 s24, v26  }
0x1bd: {  	v62 =	vmov s31  }
0x1be: {  	v63 =	vshll.u32 v62, $0x3  }
0x1bf: {  	v43 =	vand.u32 $0x78, v62;
	v44 =	vand.u32 $0xC00, v63  }
0x1c0: {  	v43 =	vor.u32 v43, v44  }
0x1c1: {  	v44 =	vor.u32 v9, v43;
	v42 =	vld.idx.msk [tilespmem:v61+s17+$0x0], $0xffff  }
0x1c2: {  	v48 =	vor.u32 s24, v27;
	_ =	sdelay $0x3  }
0x1c3: {  	[tilespmem:v44+s2+$0x0] =	vst.idx.msk $0xffff, v42  }
0x1c4: {  	v43 =	vor.u32 v11, v43;
	v42 =	vld.idx.msk [tilespmem:v48+s17+$0x0], $0xffff;
	_ =	sdelay $0x4  }
0x1c5: {  	[tilespmem:v43+s2+$0x0] =	vst.idx.msk $0xffff, v42  }
0x1c6: {  	v42 =	vld [tilespmem:s26+$0xFFFFFFFA];
	_ =	sdelay $0x4  }
0x1c7: {  	(v2sf) =	vpush v42, $0x0;
	_ =	sdelay $0xe  }
0x1c8: {  	s31 =	spop (v2sf)  }
0x1c9: {  	s24 =	sand.u32 $0x7F, s31  }
0x1ca: {  	s31 =	sadd.s32 $0x9, s28;
	v49 =	vor.u32 s24, v28  }
0x1cb: {  	v50 =	vmov s31  }
0x1cc: {  	v51 =	vshll.u32 v50, $0x3  }
0x1cd: {  	v43 =	vand.u32 $0x79, v50;
	v44 =	vand.u32 $0xC00, v51  }
0x1ce: {  	v43 =	vor.u32 v43, v44  }
0x1cf: {  	v44 =	vor.u32 v9, v43;
	v42 =	vld.idx.msk [tilespmem:v49+s17+$0x0], $0xffff  }
0x1d0: {  	v52 =	vor.u32 s24, v29;
	_ =	sdelay $0x3  }
0x1d1: {  	[tilespmem:v44+s2+$0x0] =	vst.idx.msk $0xffff, v42  }
0x1d2: {  	v43 =	vor.u32 v11, v43;
	v42 =	vld.idx.msk [tilespmem:v52+s17+$0x0], $0xffff;
	_ =	sdelay $0x4  }
0x1d3: {  	[tilespmem:v43+s2+$0x0] =	vst.idx.msk $0xffff, v42  }
0x1d4: {  	_ =	swait.ge [sflag:s21], $0x1000  }
0x1d5: {  	[sflag:s21] =	ssyncset.done $0x0  }
0x1d6: {  	[sflag:s21] =	ssyncadd.s32 $0xFFFFF000  }
0x1d7: {  	_ =	swait.ge [sflag:s21], $0x1000  }
0x1d8: {  	[sflag:s21] =	ssyncset.done $0x0  }
0x1d9: {  	[sflag:s21] =	ssyncadd.s32 $0xFFFFF000  }
0x1da: {  	v42 =	vld @!p0 [tilespmem:s26+$0x9];
	_ =	sdelay $0x4  }
0x1db: {  	(v2sf) =	vpush @!p0 v42, $0x0;
	_ =	sdelay $0xe  }
0x1dc: {  	s24 =	spop @!p0 (v2sf)  }
0x1dd: {  	s24 =	sand.u32 @!p0 $0xFFFFF80, s24  }
0x1de: {  	s31 =	simm.s32 @!p0 $0xE880;
	s24 =	sadd.s32 @!p0 s0, s24  }
0x1df: {  	[tilespmem:s31], [sflag:$0x6] =	stream.strided.gather @!p0 [hbm4b:s24+s29], $0x1000, s30, s29, $0x38;
	[tilespmem:$0x1A880] =	vst v63  }
0x1e0: {  	v42 =	vld @!p0 [tilespmem:s26+$0xA];
	_ =	sdelay $0x4  }
0x1e1: {  	(v2sf) =	vpush @!p0 v42, $0x0;
	_ =	sdelay $0xe  }
0x1e2: {  	s24 =	spop @!p0 (v2sf)  }
0x1e3: {  	s24 =	sand.u32 @!p0 $0xFFFFF80, s24  }
0x1e4: {  	s31 =	simm.s32 @!p0 $0xF880;
	s24 =	sadd.s32 @!p0 s0, s24  }
0x1e5: {  	[tilespmem:s31], [sflag:$0x6] =	stream.strided.gather @!p0 [hbm4b:s24+s29], $0x1000, s30, s29, $0x38;
	[tilespmem:$0x1A880] =	vst v63  }
0x1e6: {  	v53 =	vld [tilespmem:s26+$0xFFFFFFFB];
	_ =	sdelay $0x4  }
0x1e7: {  	(v2sf) =	vpush v53, $0x0;
	_ =	sdelay $0xe  }
0x1e8: {  	s31 =	spop (v2sf)  }
0x1e9: {  	s24 =	sand.u32 $0x7F, s31  }
0x1ea: {  	s31 =	sadd.s32 $0xA, s28;
	v54 =	vor.u32 s24, v30  }
0x1eb: {  	v55 =	vmov s31  }
0x1ec: {  	v56 =	vshll.u32 v55, $0x3  }
0x1ed: {  	v43 =	vand.u32 $0x7A, v55;
	v44 =	vand.u32 $0xC00, v56  }
0x1ee: {  	v43 =	vor.u32 v43, v44  }
0x1ef: {  	v44 =	vor.u32 v9, v43;
	v42 =	vld.idx.msk [tilespmem:v54+s17+$0x0], $0xffff  }
0x1f0: {  	v57 =	vor.u32 s24, v31;
	_ =	sdelay $0x3  }
0x1f1: {  	[tilespmem:v44+s2+$0x0] =	vst.idx.msk $0xffff, v42  }
0x1f2: {  	v43 =	vor.u32 v11, v43;
	v42 =	vld.idx.msk [tilespmem:v57+s17+$0x0], $0xffff;
	_ =	sdelay $0x4  }
0x1f3: {  	[tilespmem:v43+s2+$0x0] =	vst.idx.msk $0xffff, v42  }
0x1f4: {  	v42 =	vld [tilespmem:s26+$0xFFFFFFFC];
	_ =	sdelay $0x4  }
0x1f5: {  	(v2sf) =	vpush v42, $0x0;
	_ =	sdelay $0xe  }
0x1f6: {  	s31 =	spop (v2sf)  }
0x1f7: {  	s24 =	sand.u32 $0x7F, s31  }
0x1f8: {  	s31 =	sadd.s32 $0xB, s28;
	v58 =	vor.u32 s24, v32  }
0x1f9: {  	v59 =	vmov s31  }
0x1fa: {  	v60 =	vshll.u32 v59, $0x3  }
0x1fb: {  	v43 =	vand.u32 $0x7B, v59;
	v44 =	vand.u32 $0xC00, v60  }
0x1fc: {  	v43 =	vor.u32 v43, v44  }
0x1fd: {  	v44 =	vor.u32 v9, v43;
	v42 =	vld.idx.msk [tilespmem:v58+s17+$0x0], $0xffff  }
0x1fe: {  	v61 =	vor.u32 s24, v33;
	_ =	sdelay $0x3  }
0x1ff: {  	[tilespmem:v44+s2+$0x0] =	vst.idx.msk $0xffff, v42  }
0x200: {  	v43 =	vor.u32 v11, v43;
	v42 =	vld.idx.msk [tilespmem:v61+s17+$0x0], $0xffff;
	_ =	sdelay $0x4  }
0x201: {  	[tilespmem:v43+s2+$0x0] =	vst.idx.msk $0xffff, v42  }
0x202: {  	_ =	swait.ge [sflag:s22], $0x1000  }
0x203: {  	[sflag:s22] =	ssyncset.done $0x0  }
0x204: {  	[sflag:s22] =	ssyncadd.s32 $0xFFFFF000  }
0x205: {  	_ =	swait.ge [sflag:s22], $0x1000  }
0x206: {  	[sflag:s22] =	ssyncset.done $0x0  }
0x207: {  	[sflag:s22] =	ssyncadd.s32 $0xFFFFF000  }
0x208: {  	v42 =	vld @!p0 [tilespmem:s26+$0xB];
	_ =	sdelay $0x4  }
0x209: {  	(v2sf) =	vpush @!p0 v42, $0x0;
	_ =	sdelay $0xe  }
0x20a: {  	s24 =	spop @!p0 (v2sf)  }
0x20b: {  	s24 =	sand.u32 @!p0 $0xFFFFF80, s24  }
0x20c: {  	s31 =	simm.s32 @!p0 $0x10880;
	s24 =	sadd.s32 @!p0 s0, s24  }
0x20d: {  	[tilespmem:s31], [sflag:$0x7] =	stream.strided.gather @!p0 [hbm4b:s24+s29], $0x1000, s30, s29, $0x38;
	[tilespmem:$0x1A880] =	vst v63  }
0x20e: {  	v42 =	vld @!p0 [tilespmem:s26+$0xC];
	_ =	sdelay $0x4  }
0x20f: {  	(v2sf) =	vpush @!p0 v42, $0x0;
	_ =	sdelay $0xe  }
0x210: {  	s24 =	spop @!p0 (v2sf)  }
0x211: {  	s24 =	sand.u32 @!p0 $0xFFFFF80, s24  }
0x212: {  	s31 =	simm.s32 @!p0 $0x11880;
	s24 =	sadd.s32 @!p0 s0, s24  }
0x213: {  	[tilespmem:s31], [sflag:$0x7] =	stream.strided.gather @!p0 [hbm4b:s24+s29], $0x1000, s30, s29, $0x38;
	[tilespmem:$0x1A880] =	vst v63  }
0x214: {  	v62 =	vld [tilespmem:s26+$0xFFFFFFFD];
	_ =	sdelay $0x4  }
0x215: {  	(v2sf) =	vpush v62, $0x0;
	_ =	sdelay $0xe  }
0x216: {  	s31 =	spop (v2sf)  }
0x217: {  	s24 =	sand.u32 $0x7F, s31  }
0x218: {  	s31 =	sadd.s32 $0xC, s28;
	v63 =	vor.u32 s24, v34  }
0x219: {  	v48 =	vmov s31  }
0x21a: {  	v49 =	vshll.u32 v48, $0x3  }
0x21b: {  	v43 =	vand.u32 $0x7C, v48;
	v44 =	vand.u32 $0xC00, v49  }
0x21c: {  	v43 =	vor.u32 v43, v44  }
0x21d: {  	v44 =	vor.u32 v9, v43;
	v42 =	vld.idx.msk [tilespmem:v63+s17+$0x0], $0xffff  }
0x21e: {  	v50 =	vor.u32 s24, v35;
	_ =	sdelay $0x3  }
0x21f: {  	[tilespmem:v44+s2+$0x0] =	vst.idx.msk $0xffff, v42  }
0x220: {  	v43 =	vor.u32 v11, v43;
	v42 =	vld.idx.msk [tilespmem:v50+s17+$0x0], $0xffff;
	_ =	sdelay $0x4  }
0x221: {  	[tilespmem:v43+s2+$0x0] =	vst.idx.msk $0xffff, v42  }
0x222: {  	v42 =	vld [tilespmem:s26+$0xFFFFFFFE];
	_ =	sdelay $0x4  }
0x223: {  	(v2sf) =	vpush v42, $0x0;
	_ =	sdelay $0xe  }
0x224: {  	s31 =	spop (v2sf)  }
0x225: {  	s24 =	sand.u32 $0x7F, s31  }
0x226: {  	s31 =	sadd.s32 $0xD, s28;
	v51 =	vor.u32 s24, v36  }
0x227: {  	v52 =	vmov s31  }
0x228: {  	v53 =	vshll.u32 v52, $0x3  }
0x229: {  	v43 =	vand.u32 $0x7D, v52;
	v44 =	vand.u32 $0xC00, v53  }
0x22a: {  	v43 =	vor.u32 v43, v44  }
0x22b: {  	v44 =	vor.u32 v9, v43;
	v42 =	vld.idx.msk [tilespmem:v51+s17+$0x0], $0xffff  }
0x22c: {  	v54 =	vor.u32 s24, v37;
	_ =	sdelay $0x3  }
0x22d: {  	[tilespmem:v44+s2+$0x0] =	vst.idx.msk $0xffff, v42  }
0x22e: {  	v43 =	vor.u32 v11, v43;
	v42 =	vld.idx.msk [tilespmem:v54+s17+$0x0], $0xffff;
	_ =	sdelay $0x4  }
0x22f: {  	[tilespmem:v43+s2+$0x0] =	vst.idx.msk $0xffff, v42  }
0x230: {  	_ =	swait.ge [sflag:s23], $0x1000  }
0x231: {  	[sflag:s23] =	ssyncset.done $0x0  }
0x232: {  	[sflag:s23] =	ssyncadd.s32 $0xFFFFF000  }
0x233: {  	_ =	swait.ge [sflag:s23], $0x1000  }
0x234: {  	[sflag:s23] =	ssyncset.done $0x0  }
0x235: {  	[sflag:s23] =	ssyncadd.s32 $0xFFFFF000  }
0x236: {  	v42 =	vld @!p0 [tilespmem:s26+$0xD];
	_ =	sdelay $0x4  }
0x237: {  	(v2sf) =	vpush @!p0 v42, $0x0;
	_ =	sdelay $0xe  }
0x238: {  	s24 =	spop @!p0 (v2sf)  }
0x239: {  	s24 =	sand.u32 @!p0 $0xFFFFF80, s24  }
0x23a: {  	s31 =	simm.s32 @!p0 $0x12880;
	s24 =	sadd.s32 @!p0 s0, s24  }
0x23b: {  	[tilespmem:s31], [sflag:$0x8] =	stream.strided.gather @!p0 [hbm4b:s24+s29], $0x1000, s30, s29, $0x38;
	[tilespmem:$0x1A880] =	vst v63  }
0x23c: {  	v42 =	vld @!p0 [tilespmem:s26+$0xE];
	_ =	sdelay $0x4  }
0x23d: {  	(v2sf) =	vpush @!p0 v42, $0x0;
	_ =	sdelay $0xe  }
0x23e: {  	s24 =	spop @!p0 (v2sf)  }
0x23f: {  	s24 =	sand.u32 @!p0 $0xFFFFF80, s24  }
0x240: {  	s31 =	simm.s32 @!p0 $0x13880;
	s24 =	sadd.s32 @!p0 s0, s24  }
0x241: {  	[tilespmem:s31], [sflag:$0x8] =	stream.strided.gather @!p0 [hbm4b:s24+s29], $0x1000, s30, s29, $0x38;
	[tilespmem:$0x1A880] =	vst v63  }
0x242: {  	v55 =	vld [tilespmem:s26+$0xFFFFFFFF];
	_ =	sdelay $0x4  }
0x243: {  	(v2sf) =	vpush v55, $0x0;
	_ =	sdelay $0xe  }
0x244: {  	s30 =	spop (v2sf)  }
0x245: {  	s24 =	sand.u32 $0x7F, s30  }
0x246: {  	s31 =	sadd.s32 $0xE, s28;
	v56 =	vor.u32 s24, v38  }
0x247: {  	v57 =	vmov s31  }
0x248: {  	v58 =	vshll.u32 v57, $0x3  }
0x249: {  	v43 =	vand.u32 $0x7E, v57;
	v44 =	vand.u32 $0xC00, v58  }
0x24a: {  	v43 =	vor.u32 v43, v44  }
0x24b: {  	v44 =	vor.u32 v9, v43;
	v42 =	vld.idx.msk [tilespmem:v56+s17+$0x0], $0xffff  }
0x24c: {  	v59 =	vor.u32 s24, v39;
	_ =	sdelay $0x3  }
0x24d: {  	[tilespmem:v44+s2+$0x0] =	vst.idx.msk $0xffff, v42  }
0x24e: {  	v43 =	vor.u32 v11, v43;
	v42 =	vld.idx.msk [tilespmem:v59+s17+$0x0], $0xffff;
	_ =	sdelay $0x4  }
0x24f: {  	[tilespmem:v43+s2+$0x0] =	vst.idx.msk $0xffff, v42  }
0x250: {  	v42 =	vld [tilespmem:s26+$0x0];
	_ =	sdelay $0x4  }
0x251: {  	(v2sf) =	vpush v42, $0x0;
	_ =	sdelay $0xe  }
0x252: {  	s30 =	spop (v2sf)  }
0x253: {  	s24 =	sand.u32 $0x7F, s30  }
0x254: {  	s31 =	sadd.s32 $0xF, s28;
	v60 =	vor.u32 s24, v40  }
0x255: {  	v61 =	vmov s31  }
0x256: {  	v62 =	vshll.u32 v61, $0x3  }
0x257: {  	v44 =	vand.u32 $0xC00, v62;
	v43 =	vand.u32 $0x7F, v61  }
0x258: {  	v43 =	vor.u32 v43, v44  }
0x259: {  	v44 =	vor.u32 v9, v43;
	v42 =	vld.idx.msk [tilespmem:v60+s17+$0x0], $0xffff  }
0x25a: {  	v63 =	vor.u32 s24, v41;
	_ =	sdelay $0x3  }
0x25b: {  	s28 =	sadd.s32 $0x10, s28;
	[tilespmem:v44+s2+$0x0] =	vst.idx.msk $0xffff, v42  }
0x25c: {  	p0 =	sne.s32 s28, $0x200;
	v43 =	vor.u32 v11, v43;
	v42 =	vld.idx.msk [tilespmem:v63+s17+$0x0], $0xffff  }
.Ltmp0:
0x25d: {  	_ = 	snop;
	(pc) =	sbr.rel @p0 .LBB2_2-.Ltmp0, $2  }
0x25e: {  	_ =	sdelay $0x2  }
0x25f: {  	s26 =	sadd.s32 $0x10, s26;
	[tilespmem:v43+s2+$0x0] =	vst.idx.msk $0xffff, v42  }
0x260: {  	s25 =	sadd.s32 $0x1, s25  }
0x261: {  	p0 =	sne.s32 s25, s13  }
.Ltmp1:
0x262: {  	s24 =	simm.s32 $0x1000;
	(pc) =	sbr.rel @p0 .LBB2_1-.Ltmp1, $4  }
0x263: {  	[hbm4b:s9+s24] =	stream.strided.scatter [tilespmem:s2], [sflag:$0xA], $0x4000, s12, s24, $0x38;
	[tilespmem:$0x1A880] =	vst v63  }
0x264: {  	_ =	swait.ge [sflag:s10], $0x4000  }
0x265: {  	[sflag:s10] =	ssyncset.done $0x0  }
0x266: {  	[sflag:s10] =	ssyncadd.s32 $0xFFFFC000  }
0x267: {  	_ =	sfence.sel $0x180000  }
0x268: {  	[bflag:$0x0] =	sbarrier.arrive $0xFFFF  }
0x269: {  	_ =	strace $0x90000047  }
0x26a: {  	s0 =	stileid.u32;
	[bflag:$0x2] =	sbarrier.arrive $0xFFFF  }
0x26b: {  	p0 =	sne.s32 s0, $0x0;
	s0 =	rddreg [dreg:$0x4]  }
0x26c: {  	s0 =	sadd.s32 @!p0 $0x100000, s0  }
0x26d: {  	[sflag:s0] =	ssyncadd.tile.s32 @!p0 $0x1;
	_ =	shalt  }
.Lfunc_end2:
_tile_overlayer_lowered:
.L_overlay_start_2:
0x26e: {  	(tag) =	ssettag $0x2  }
0x26f: {  	s0 =	rddreg [dreg:$0x0];
	s2 =	stileid.u32  }
0x270: {  	s1 =	rddreg [dreg:$0x1];
	p0 =	sne.s32 s2, $0x0  }
0x271: {  	s3 =	rddreg [dreg:$0x2];
	[bflag:$0x3] =	sbarrier.arrive $0xFFFF;
	s2 =	simm.s32 @!p0 $0x1C0A  }
0x272: {  	[timem:s3], [sflag:s2] =	dma.local @!p0 [hbm:s0], s1  }
0x273: {  	s0 =	simm.s32 @!p0 $0xA  }
0x274: {  	_ =	swait.ge @!p0 [sflag:s0], s1  }
0x275: {  	s1 =	ssub.s32 @!p0 $0x0, s1;
	[sflag:s0] =	ssyncset.done @!p0 $0x0  }
0x276: {  	[sflag:s0] =	ssyncadd.s32 @!p0 s1  }
0x277: {  	[bflag:$0x3] =	sbarrier.arrive $0xFFFF  }
0x278: {  	_ =	shalt  }

</sc_bundles>
